<compile_context>
chip_gen: v7x
topology: tpu7x:2x2x1
jax: 0.10.2.dev20260603
libtpu: 0.0.44.dev20260713+nightly
codegen_flags: <defaults>
</compile_context>

<pallas_src>
import functools

import jax
import jax.numpy as jnp
from jax import lax
from jax.experimental import pallas as pl
from jax.experimental.pallas import tpu as pltpu
from jax.experimental.pallas import tpu_sc as plsc

N_USERS = 1000000
N_NODES = 16384
N_NEIGH = 50
DIM = 64
DIM2 = 2 * DIM
N_SLABS = N_NEIGH + 1
TOTAL_ROWS = N_SLABS * N_NODES
HALF_V = N_USERS // 2

NC, NS = 2, 16
NW = NC * NS
ROWS_PER_W = TOTAL_ROWS // NW
CHUNK = 96

REPACK_BP = 8192
REPACK_GRID = 31
H_STRIP = REPACK_BP * REPACK_GRID
STRIP_OFF = (0, 31, 62, 92)
STRIP_BASE = tuple(o * REPACK_BP for o in STRIP_OFF)


@functools.cache
def _make_sc_gather(total_rows):
    mesh = plsc.VectorSubcoreMesh(core_axis_name="c", subcore_axis_name="s")
    rows_per_w = total_rows // NW
    n_chunks = rows_per_w // CHUNK
    assert (n_chunks - 4) % 4 == 0 and n_chunks >= 8

    @functools.partial(
        pl.kernel,
        out_type=jax.ShapeDtypeStruct((total_rows, DIM), jnp.float32),
        mesh=mesh,
        scratch_types=[
            pltpu.VMEM((rows_per_w,), jnp.int32),
            pltpu.VMEM((CHUNK, DIM), jnp.float32),
            pltpu.VMEM((CHUNK, DIM), jnp.float32),
            pltpu.VMEM((CHUNK, DIM), jnp.float32),
            pltpu.VMEM((CHUNK, DIM), jnp.float32),
            pltpu.SemaphoreType.DMA,
            pltpu.SemaphoreType.DMA,
            pltpu.SemaphoreType.DMA,
            pltpu.SemaphoreType.DMA,
            pltpu.SemaphoreType.DMA,
            pltpu.SemaphoreType.DMA,
            pltpu.SemaphoreType.DMA,
            pltpu.SemaphoreType.DMA,
        ],
        compiler_params=pltpu.CompilerParams(use_tc_tiling_on_sc=False),
    )
    def sc_gather(idx_hbm, table_hbm, out_hbm, idx_v, rows0, rows1, rows2,
                  rows3, semg0, semg1, semg2, semg3, semw0, semw1, semw2,
                  semw3):
        wid = lax.axis_index("s") * NC + lax.axis_index("c")
        base = wid * rows_per_w
        rows = (rows0, rows1, rows2, rows3)
        semg = (semg0, semg1, semg2, semg3)
        semw = (semw0, semw1, semw2, semw3)

        pltpu.sync_copy(idx_hbm.at[pl.ds(base, rows_per_w)], idx_v)

        def start_g(i, j):
            pltpu.async_copy(
                table_hbm.at[idx_v.at[pl.ds(i * CHUNK, CHUNK)]],
                rows[j], semg[j])

        def wait_g(j):
            pltpu.make_async_copy(
                table_hbm.at[idx_v.at[pl.ds(0, CHUNK)]], rows[j],
                semg[j]).wait()

        def start_w(i, j):
            pltpu.async_copy(
                rows[j], out_hbm.at[pl.ds(base + i * CHUNK, CHUNK)], semw[j])

        def wait_w(j):
            pltpu.make_async_copy(
                table_hbm.at[idx_v.at[pl.ds(0, CHUNK)]], rows[j],
                semw[j]).wait()

        start_g(0, 0)
        start_g(1, 1)
        wait_g(0)
        start_w(0, 0)
        start_g(2, 2)
        wait_g(1)
        start_w(1, 1)
        start_g(3, 3)

        def body(io, carry):
            for jj in range(4):
                i = 2 + 4 * io + jj
                j = (2 + jj) % 4
                wait_g(j)
                start_w(i, j)
                wait_w(jj)
                start_g(i + 2, jj)
            return carry

        lax.fori_loop(0, (n_chunks - 4) // 4, body, 0)
        for i in (n_chunks - 2, n_chunks - 1):
            j = i % 4
            wait_g(j)
            start_w(i, j)
        for j in range(4):
            wait_w(j)

    return sc_gather


def _repack_body(a_ref, b_ref, c_ref, d_ref, eye_ref, o_ref):
    eye = eye_ref[...]
    tp = lambda r: jnp.dot(r[...].T, eye, preferred_element_type=jnp.float32)
    ab = jnp.concatenate([tp(a_ref), tp(b_ref)], axis=1)
    cd = jnp.concatenate([tp(c_ref), tp(d_ref)], axis=1)
    o_ref[...] = jnp.concatenate([ab, cd], axis=0)


def _repack(table_t):
    return pl.pallas_call(
        _repack_body,
        grid=(REPACK_GRID,),
        in_specs=[
            pl.BlockSpec((DIM, REPACK_BP), lambda i, o=o: (0, i + o))
            for o in STRIP_OFF
        ] + [pl.BlockSpec((DIM, DIM), lambda i: (0, 0))],
        out_specs=pl.BlockSpec((2 * REPACK_BP, DIM2), lambda i: (i, 0)),
        out_shape=jax.ShapeDtypeStruct((2 * H_STRIP, DIM2), jnp.float32),
        compiler_params=pltpu.CompilerParams(vmem_limit_bytes=100 * 1024 * 1024),
    )(table_t, table_t, table_t, table_t, jnp.eye(DIM, dtype=jnp.float32))


def _mlp_body(e_ref, w1e_ref, w1u_ref, b1_ref, w2_ref, b2_ref, w3_ref,
              ep_ref, l1u_ref, l1n_ref, bl_ref, o_ref):
    k = e_ref.shape[0] - 1
    bp = e_ref.shape[1]
    arr = e_ref[...]
    u = arr[0]
    x3 = arr[1:]
    x = x3.reshape(k * bp, DIM2)

    t = jnp.dot(u, w1u_ref[...], preferred_element_type=jnp.float32)
    tb = jnp.broadcast_to(t[None], (k, bp, DIM2)).reshape(k * bp, DIM2)
    h1 = jnp.maximum(
        jnp.dot(x, w1e_ref[...], preferred_element_type=jnp.float32)
        + tb + b1_ref[...], 0.0)
    h2 = jnp.maximum(
        jnp.dot(h1, w2_ref[...], preferred_element_type=jnp.float32)
        + b2_ref[...], 0.0)
    s = jnp.dot(h2, w3_ref[...], preferred_element_type=jnp.float32)

    s3 = s.reshape(k, bp, 2)
    m = jnp.max(s3, axis=0, keepdims=True)
    ex = jnp.exp(s3 - m)
    den = jnp.sum(ex, axis=0, keepdims=True)
    att = (ex / den).reshape(k * bp, 2)
    attb = jnp.dot(att, ep_ref[...],
                   preferred_element_type=jnp.float32).reshape(k, bp, DIM2)
    neigh = jnp.sum(x3 * attb, axis=0)

    out = jnp.maximum(
        jnp.dot(u, l1u_ref[...], preferred_element_type=jnp.float32)
        + jnp.dot(neigh, l1n_ref[...], preferred_element_type=jnp.float32)
        + bl_ref[...], 0.0)
    o_ref[...] = out


def _tc_mlp(e3, w1e, w1u, b1, w2t, b2, w3, ep, l1u, l1n, bl, bp):
    npair = e3.shape[1]
    grid = npair // bp
    full = lambda shape: pl.BlockSpec(shape, lambda i: (0,) * len(shape))
    return pl.pallas_call(
        _mlp_body,
        grid=(grid,),
        in_specs=[
            pl.BlockSpec((N_SLABS, bp, DIM2), lambda i: (0, i, 0)),
            full((DIM2, DIM2)), full((DIM2, DIM2)), full((1, DIM2)),
            full((DIM2, DIM2)), full((1, DIM2)), full((DIM2, 2)),
            full((2, DIM2)),
            full((DIM2, DIM2)), full((DIM2, DIM2)), full((1, DIM2)),
        ],
        out_specs=pl.BlockSpec((bp, DIM2), lambda i: (i, 0)),
        out_shape=jax.ShapeDtypeStruct((npair, DIM2), jnp.float32),
    )(e3, w1e, w1u, b1, w2t, b2, w3, ep, l1u, l1n, bl)


def _blockdiag(w):
    z = jnp.zeros((DIM, DIM), jnp.float32)
    return jnp.concatenate([
        jnp.concatenate([w, z], axis=1),
        jnp.concatenate([z, w], axis=1),
    ], axis=0)


def _pair2(b):
    return jnp.concatenate([b, b]).reshape(1, DIM2)


def _remap_idx(u):
    q = jnp.where(u < STRIP_BASE[1], 0,
                  jnp.where(u < STRIP_BASE[2], 1,
                            jnp.where(u < STRIP_BASE[2] + H_STRIP, 2, 3)))
    base = jnp.where(q == 0, 0,
                     jnp.where(q == 1, STRIP_BASE[1],
                               jnp.where(q == 2, STRIP_BASE[2],
                                         STRIP_BASE[3])))
    d = u - base
    bp_bits = REPACK_BP.bit_length() - 1
    return (((d >> bp_bits) << (bp_bits + 2)) + ((q >> 1) << (bp_bits + 1))
            + ((d & (REPACK_BP - 1)) << 1) + (q & 1))


N_SPLIT = 4


def kernel(nodes, neighbors, u2e_weight, att1_W, att1_b, att2_W, att2_b,
           att3_W, att3_b, lin1_W, lin1_b):
    del att3_b
    repacked = _repack(u2e_weight.T)
    table = repacked.reshape(4 * H_STRIP, DIM)
    nodes = nodes.astype(jnp.int32)
    neighbors = neighbors.astype(jnp.int32)
    nh = N_NODES // N_SPLIT
    gathers = []
    for c in range(N_SPLIT):
        sl = slice(c * nh, (c + 1) * nh)
        idx_c = jnp.concatenate(
            [nodes[sl], neighbors[sl].T.reshape(-1)])
        g = _make_sc_gather(N_SLABS * nh)(_remap_idx(idx_c), table)
        gathers.append(g.reshape(N_SLABS, nh // 2, DIM2))

    w1e = _blockdiag(att1_W[:, :DIM].T)
    w1u = _blockdiag(att1_W[:, DIM:].T)
    w2t = _blockdiag(att2_W.T)
    w3c = att3_W.reshape(DIM, 1)
    zc = jnp.zeros((DIM, 1), jnp.float32)
    w3 = jnp.concatenate([
        jnp.concatenate([w3c, zc], axis=1),
        jnp.concatenate([zc, w3c], axis=1),
    ], axis=0)
    one = jnp.ones((1, DIM), jnp.float32)
    zr = jnp.zeros((1, DIM), jnp.float32)
    ep = jnp.concatenate([
        jnp.concatenate([one, zr], axis=1),
        jnp.concatenate([zr, one], axis=1),
    ], axis=0)
    l1u = _blockdiag(lin1_W[:, :DIM].T)
    l1n = _blockdiag(lin1_W[:, DIM:].T)

    outs = [
        _tc_mlp(e3, w1e, w1u, _pair2(att1_b), w2t, _pair2(att2_b),
                w3, ep, l1u, l1n, _pair2(lin1_b), bp=256).reshape(-1, DIM)
        for e3 in gathers
    ]
    return jnp.concatenate(outs, axis=0)

# --- scband reference (transcript-rebuilt; emitter-appended) ---
"""Pipeline reference for scband-social-aggregator-24833500905767 (READ-ONLY COPY).

The authoritative reference and input builder live on the scoring server;
editing this copy changes nothing except your own understanding.
"""

import jax, jax.numpy as jnp
import numpy as np

NUM_USERS = 1000000
EMBED_DIM = 64
NUM_NODES = 16384
NUM_NEIGHBORS = 50


def _linear_params(k, out_d, in_d):
    s = 1.0 / np.sqrt(in_d)
    kw, kb = jax.random.split(k)
    W = jax.random.uniform(kw, (out_d, in_d), minval=-s, maxval=s, dtype=jnp.float32)
    b = jax.random.uniform(kb, (out_d,), minval=-s, maxval=s, dtype=jnp.float32)
    return W, b


def setup_inputs(seed: int = 0) -> dict:
    key = jax.random.key(seed)
    ks = jax.random.split(key, 8)
    D = EMBED_DIM
    att1_W, att1_b = _linear_params(ks[0], D, 2 * D)
    att2_W, att2_b = _linear_params(ks[1], D, D)
    att3_W, att3_b = _linear_params(ks[2], 1, D)
    lin1_W, lin1_b = _linear_params(ks[3], D, 2 * D)
    return {
        "nodes": jax.random.randint(ks[4], (NUM_NODES,), 0, NUM_USERS),
        "neighbors": jax.random.randint(ks[5], (NUM_NODES, NUM_NEIGHBORS), 0, NUM_USERS),
        "u2e_weight": jax.random.normal(ks[6], (NUM_USERS, D), dtype=jnp.float32) * 0.1,
        "att1_W": att1_W, "att1_b": att1_b,
        "att2_W": att2_W, "att2_b": att2_b,
        "att3_W": att3_W, "att3_b": att3_b,
        "lin1_W": lin1_W, "lin1_b": lin1_b,
    }


def reference(nodes, neighbors, u2e_weight, att1_W, att1_b, att2_W, att2_b, att3_W, att3_b, lin1_W, lin1_b):
    # Gather neighbor embeddings: e_u = u2e.weight[list(tmp_adj)] for every node (vectorized)
    e_u = jnp.take(u2e_weight, neighbors, axis=0)          # [N, K, D]
    # u_rep = u2e.weight[nodes[i]] repeated over neighbors
    u_rep = jnp.take(u2e_weight, nodes, axis=0)            # [N, D]
    uv_reps = jnp.broadcast_to(u_rep[:, None, :], e_u.shape)  # repeat(num_neighs, 1)
    x = jnp.concatenate([e_u, uv_reps], axis=-1)           # [N, K, 2D]
    x = jax.nn.relu(jnp.matmul(x, att1_W.T) + att1_b)      # att1 (dropout is identity in eval)
    x = jax.nn.relu(jnp.matmul(x, att2_W.T) + att2_b)      # att2
    x = jnp.matmul(x, att3_W.T) + att3_b                   # att3 -> [N, K, 1]
    att_w = jax.nn.softmax(x, axis=1)                      # softmax over the neighbor axis (dim=0 per node)
    # att_history = e_u.T @ att_w  -> attention-weighted sum of neighbor embeddings
    neigh_feats = jnp.sum(e_u * att_w, axis=1)             # [N, D]
    self_feats = u_rep
    combined = jnp.concatenate([self_feats, neigh_feats], axis=1)  # [N, 2D]
    combined_feats = jax.nn.relu(jnp.matmul(combined, lin1_W.T) + lin1_b)
    return combined_feats

if __name__ == "__main__":
    import jax
    _d = setup_inputs()
    print(jax.jit(kernel)(*tuple(_d.values())))

</pallas_src>

<mosaic_0001>
#map = affine_map<(d0, d1) -> (0)>
#map1 = affine_map<(d0, d1) -> (0, 0)>
module attributes {stable_mosaic.version = 14 : i64} {
  func.func @sc_gather(%arg0: i32, %arg1: i32, %arg2: memref<208896xi32, #tpu.memory_space<hbm>>, %arg3: memref<1015808x64xf32, #tpu.memory_space<hbm>>, %arg4: memref<208896x64xf32, #tpu.memory_space<hbm>>, %arg5: memref<6528xi32, #tpu.memory_space<vmem>>, %arg6: memref<96x64xf32, #tpu.memory_space<vmem>>, %arg7: memref<96x64xf32, #tpu.memory_space<vmem>>, %arg8: memref<96x64xf32, #tpu.memory_space<vmem>>, %arg9: memref<96x64xf32, #tpu.memory_space<vmem>>, %arg10: memref<!tpu.dma_semaphore, #tpu.memory_space<semaphore_mem>>, %arg11: memref<!tpu.dma_semaphore, #tpu.memory_space<semaphore_mem>>, %arg12: memref<!tpu.dma_semaphore, #tpu.memory_space<semaphore_mem>>, %arg13: memref<!tpu.dma_semaphore, #tpu.memory_space<semaphore_mem>>, %arg14: memref<!tpu.dma_semaphore, #tpu.memory_space<semaphore_mem>>, %arg15: memref<!tpu.dma_semaphore, #tpu.memory_space<semaphore_mem>>, %arg16: memref<!tpu.dma_semaphore, #tpu.memory_space<semaphore_mem>>, %arg17: memref<!tpu.dma_semaphore, #tpu.memory_space<semaphore_mem>>) attributes {dimension_semantics = [#tpu.dimension_semantics<core_parallel>, #tpu.dimension_semantics<subcore_parallel>], iteration_bounds = array<i64: 2, 16>, scalar_prefetch = 0 : i64, scratch_operands = 13 : i64, tpu.core_type = #tpu.core_type<sc_vector_subcore>, window_params = [{transform_indices = #map}, {transform_indices = #map1}, {transform_indices = #map1}]} {
    %mul3A = arith.constant 2 : i32
    %mul3A_0 = arith.muli %arg1, %mul3A : i32
    %add3A = arith.addi %mul3A_0, %arg0 : i32
    %mul3A_1 = arith.constant 6528 : i32
    %mul3A_2 = arith.muli %add3A, %mul3A_1 : i32
    "tpu.region"() ({
      %run_scoped3A = tpu.sem_alloc : memref<!tpu.dma_semaphore, #tpu.memory_space<semaphore_mem>>
      %dma_start3A_90 = tpu.memref_slice %arg2[%mul3A_2] : memref<208896xi32, #tpu.memory_space<hbm>> -> memref<6528xi32, #tpu.memory_space<hbm>>
      %dma_start3A_91 = tpu.memref_slice %arg2[%mul3A_2] : memref<208896xi32, #tpu.memory_space<hbm>> -> memref<6528xi32, #tpu.memory_space<hbm>>
      tpu.enqueue_dma source(%dma_start3A_91 : memref<6528xi32, #tpu.memory_space<hbm>>) target(%arg5 : memref<6528xi32, #tpu.memory_space<vmem>>) target_semaphore(%run_scoped3A : memref<!tpu.dma_semaphore, #tpu.memory_space<semaphore_mem>>)
      %dma_wait3A_92 = tpu.memref_slice %arg2[%mul3A_2] : memref<208896xi32, #tpu.memory_space<hbm>> -> memref<6528xi32, #tpu.memory_space<hbm>>
      %dma_wait3A_93 = tpu.memref_slice %arg2[%mul3A_2] : memref<208896xi32, #tpu.memory_space<hbm>> -> memref<6528xi32, #tpu.memory_space<hbm>>
      tpu.wait_dma2 semaphore(%run_scoped3A : memref<!tpu.dma_semaphore, #tpu.memory_space<semaphore_mem>>) src(%dma_wait3A_93 : memref<6528xi32, #tpu.memory_space<hbm>>) dst(%arg5 : memref<6528xi32, #tpu.memory_space<vmem>>)
      tpu.yield
    }) : () -> ()
    %dma_start3A = arith.constant 0 : i32
    %dma_start3A_3 = tpu.memref_slice %arg5[%dma_start3A] : memref<6528xi32, #tpu.memory_space<vmem>> -> memref<96xi32, #tpu.memory_space<vmem>>
    %dma_start3A_4 = arith.constant 0 : i32
    %dma_start3A_5 = arith.constant 0 : i32
    %dma_start3A_6 = tpu.memref_slice %arg3[%dma_start3A_4, %dma_start3A_5] : memref<1015808x64xf32, #tpu.memory_space<hbm>> -> memref<1015808x64xf32, #tpu.memory_space<hbm>>
    tpu.enqueue_indirect_dma source(%dma_start3A_6 : memref<1015808x64xf32, #tpu.memory_space<hbm>>) target(%arg6 : memref<96x64xf32, #tpu.memory_space<vmem>>) offsets(%dma_start3A_3 : memref<96xi32, #tpu.memory_space<vmem>>) semaphore(%arg10 : memref<!tpu.dma_semaphore, #tpu.memory_space<semaphore_mem>>)
    %dma_start3A_7 = arith.constant 96 : i32
    %dma_start3A_8 = tpu.memref_slice %arg5[%dma_start3A_7] : memref<6528xi32, #tpu.memory_space<vmem>> -> memref<96xi32, #tpu.memory_space<vmem>>
    %dma_start3A_9 = arith.constant 0 : i32
    %dma_start3A_10 = arith.constant 0 : i32
    %dma_start3A_11 = tpu.memref_slice %arg3[%dma_start3A_9, %dma_start3A_10] : memref<1015808x64xf32, #tpu.memory_space<hbm>> -> memref<1015808x64xf32, #tpu.memory_space<hbm>>
    tpu.enqueue_indirect_dma source(%dma_start3A_11 : memref<1015808x64xf32, #tpu.memory_space<hbm>>) target(%arg7 : memref<96x64xf32, #tpu.memory_space<vmem>>) offsets(%dma_start3A_8 : memref<96xi32, #tpu.memory_space<vmem>>) semaphore(%arg11 : memref<!tpu.dma_semaphore, #tpu.memory_space<semaphore_mem>>)
    %dma_wait3A = arith.constant 0 : i32
    %dma_wait3A_12 = tpu.memref_slice %arg5[%dma_wait3A] : memref<6528xi32, #tpu.memory_space<vmem>> -> memref<96xi32, #tpu.memory_space<vmem>>
    %dma_wait3A_13 = arith.constant 0 : i32
    %dma_wait3A_14 = arith.constant 0 : i32
    %dma_wait3A_15 = tpu.memref_slice %arg3[%dma_wait3A_13, %dma_wait3A_14] : memref<1015808x64xf32, #tpu.memory_space<hbm>> -> memref<1015808x64xf32, #tpu.memory_space<hbm>>
    tpu.wait_indirect_dma semaphore(%arg10 : memref<!tpu.dma_semaphore, #tpu.memory_space<semaphore_mem>>) src(%dma_wait3A_15 : memref<1015808x64xf32, #tpu.memory_space<hbm>>) dst(%arg6 : memref<96x64xf32, #tpu.memory_space<vmem>>)
    %add3A_16 = arith.constant 0 : i32
    %add3A_17 = arith.addi %mul3A_2, %add3A_16 : i32
    %dma_start3A_18 = arith.constant 0 : i32
    %dma_start3A_19 = tpu.memref_slice %arg4[%add3A_17, %dma_start3A_18] : memref<208896x64xf32, #tpu.memory_space<hbm>> -> memref<96x64xf32, #tpu.memory_space<hbm>>
    %dma_start3A_20 = arith.constant 0 : i32
    %dma_start3A_21 = tpu.memref_slice %arg4[%add3A_17, %dma_start3A_20] : memref<208896x64xf32, #tpu.memory_space<hbm>> -> memref<96x64xf32, #tpu.memory_space<hbm>>
    tpu.enqueue_dma source(%arg6 : memref<96x64xf32, #tpu.memory_space<vmem>>) target(%dma_start3A_21 : memref<96x64xf32, #tpu.memory_space<hbm>>) target_semaphore(%arg14 : memref<!tpu.dma_semaphore, #tpu.memory_space<semaphore_mem>>)
    %dma_start3A_22 = arith.constant 192 : i32
    %dma_start3A_23 = tpu.memref_slice %arg5[%dma_start3A_22] : memref<6528xi32, #tpu.memory_space<vmem>> -> memref<96xi32, #tpu.memory_space<vmem>>
    %dma_start3A_24 = arith.constant 0 : i32
    %dma_start3A_25 = arith.constant 0 : i32
    %dma_start3A_26 = tpu.memref_slice %arg3[%dma_start3A_24, %dma_start3A_25] : memref<1015808x64xf32, #tpu.memory_space<hbm>> -> memref<1015808x64xf32, #tpu.memory_space<hbm>>
    tpu.enqueue_indirect_dma source(%dma_start3A_26 : memref<1015808x64xf32, #tpu.memory_space<hbm>>) target(%arg8 : memref<96x64xf32, #tpu.memory_space<vmem>>) offsets(%dma_start3A_23 : memref<96xi32, #tpu.memory_space<vmem>>) semaphore(%arg12 : memref<!tpu.dma_semaphore, #tpu.memory_space<semaphore_mem>>)
    %dma_wait3A_27 = arith.constant 0 : i32
    %dma_wait3A_28 = tpu.memref_slice %arg5[%dma_wait3A_27] : memref<6528xi32, #tpu.memory_space<vmem>> -> memref<96xi32, #tpu.memory_space<vmem>>
    %dma_wait3A_29 = arith.constant 0 : i32
    %dma_wait3A_30 = arith.constant 0 : i32
    %dma_wait3A_31 = tpu.memref_slice %arg3[%dma_wait3A_29, %dma_wait3A_30] : memref<1015808x64xf32, #tpu.memory_space<hbm>> -> memref<1015808x64xf32, #tpu.memory_space<hbm>>
    tpu.wait_indirect_dma semaphore(%arg11 : memref<!tpu.dma_semaphore, #tpu.memory_space<semaphore_mem>>) src(%dma_wait3A_31 : memref<1015808x64xf32, #tpu.memory_space<hbm>>) dst(%arg7 : memref<96x64xf32, #tpu.memory_space<vmem>>)
    %add3A_32 = arith.constant 96 : i32
    %add3A_33 = arith.addi %mul3A_2, %add3A_32 : i32
    %dma_start3A_34 = arith.constant 0 : i32
    %dma_start3A_35 = tpu.memref_slice %arg4[%add3A_33, %dma_start3A_34] : memref<208896x64xf32, #tpu.memory_space<hbm>> -> memref<96x64xf32, #tpu.memory_space<hbm>>
    %dma_start3A_36 = arith.constant 0 : i32
    %dma_start3A_37 = tpu.memref_slice %arg4[%add3A_33, %dma_start3A_36] : memref<208896x64xf32, #tpu.memory_space<hbm>> -> memref<96x64xf32, #tpu.memory_space<hbm>>
    tpu.enqueue_dma source(%arg7 : memref<96x64xf32, #tpu.memory_space<vmem>>) target(%dma_start3A_37 : memref<96x64xf32, #tpu.memory_space<hbm>>) target_semaphore(%arg15 : memref<!tpu.dma_semaphore, #tpu.memory_space<semaphore_mem>>)
    %dma_start3A_38 = arith.constant 288 : i32
    %dma_start3A_39 = tpu.memref_slice %arg5[%dma_start3A_38] : memref<6528xi32, #tpu.memory_space<vmem>> -> memref<96xi32, #tpu.memory_space<vmem>>
    %dma_start3A_40 = arith.constant 0 : i32
    %dma_start3A_41 = arith.constant 0 : i32
    %dma_start3A_42 = tpu.memref_slice %arg3[%dma_start3A_40, %dma_start3A_41] : memref<1015808x64xf32, #tpu.memory_space<hbm>> -> memref<1015808x64xf32, #tpu.memory_space<hbm>>
    tpu.enqueue_indirect_dma source(%dma_start3A_42 : memref<1015808x64xf32, #tpu.memory_space<hbm>>) target(%arg9 : memref<96x64xf32, #tpu.memory_space<vmem>>) offsets(%dma_start3A_39 : memref<96xi32, #tpu.memory_space<vmem>>) semaphore(%arg13 : memref<!tpu.dma_semaphore, #tpu.memory_space<semaphore_mem>>)
    %scan3A = arith.constant 0 : i32
    %scan3A_43 = arith.constant 0 : i32
    %scan3A_44 = arith.constant 16 : i32
    %scan3A_45 = arith.addi %scan3A_43, %scan3A_44 : i32
    %scan3A_46 = arith.constant 1 : i32
    scf.for %scan3A_90 = %scan3A_43 to %scan3A_45 step %scan3A_46  : i32 {
      %mul3A_91 = arith.constant 4 : i32
      %mul3A_92 = arith.muli %mul3A_91, %scan3A_90 : i32
      %add3A_93 = arith.constant 2 : i32
      %add3A_94 = arith.addi %add3A_93, %mul3A_92 : i32
      %add3A_95 = arith.constant 0 : i32
      %add3A_96 = arith.addi %add3A_94, %add3A_95 : i32
      %dma_wait3A_97 = arith.constant 0 : i32
      %dma_wait3A_98 = tpu.memref_slice %arg5[%dma_wait3A_97] : memref<6528xi32, #tpu.memory_space<vmem>> -> memref<96xi32, #tpu.memory_space<vmem>>
      %dma_wait3A_99 = arith.constant 0 : i32
      %dma_wait3A_100 = arith.constant 0 : i32
      %dma_wait3A_101 = tpu.memref_slice %arg3[%dma_wait3A_99, %dma_wait3A_100] : memref<1015808x64xf32, #tpu.memory_space<hbm>> -> memref<1015808x64xf32, #tpu.memory_space<hbm>>
      tpu.wait_indirect_dma semaphore(%arg12 : memref<!tpu.dma_semaphore, #tpu.memory_space<semaphore_mem>>) src(%dma_wait3A_101 : memref<1015808x64xf32, #tpu.memory_space<hbm>>) dst(%arg8 : memref<96x64xf32, #tpu.memory_space<vmem>>)
      %mul3A_102 = arith.constant 96 : i32
      %mul3A_103 = arith.muli %add3A_96, %mul3A_102 : i32
      %add3A_104 = arith.addi %mul3A_2, %mul3A_103 : i32
      %dma_start3A_105 = arith.constant 0 : i32
      %dma_start3A_106 = tpu.memref_slice %arg4[%add3A_104, %dma_start3A_105] : memref<208896x64xf32, #tpu.memory_space<hbm>> -> memref<96x64xf32, #tpu.memory_space<hbm>>
      %dma_start3A_107 = arith.constant 0 : i32
      %dma_start3A_108 = tpu.memref_slice %arg4[%add3A_104, %dma_start3A_107] : memref<208896x64xf32, #tpu.memory_space<hbm>> -> memref<96x64xf32, #tpu.memory_space<hbm>>
      tpu.enqueue_dma source(%arg8 : memref<96x64xf32, #tpu.memory_space<vmem>>) target(%dma_start3A_108 : memref<96x64xf32, #tpu.memory_space<hbm>>) target_semaphore(%arg16 : memref<!tpu.dma_semaphore, #tpu.memory_space<semaphore_mem>>)
      %dma_wait3A_109 = arith.constant 0 : i32
      %dma_wait3A_110 = tpu.memref_slice %arg5[%dma_wait3A_109] : memref<6528xi32, #tpu.memory_space<vmem>> -> memref<96xi32, #tpu.memory_space<vmem>>
      %dma_wait3A_111 = arith.constant 0 : i32
      %dma_wait3A_112 = arith.constant 0 : i32
      %dma_wait3A_113 = tpu.memref_slice %arg3[%dma_wait3A_111, %dma_wait3A_112] : memref<1015808x64xf32, #tpu.memory_space<hbm>> -> memref<1015808x64xf32, #tpu.memory_space<hbm>>
      tpu.wait_indirect_dma semaphore(%arg14 : memref<!tpu.dma_semaphore, #tpu.memory_space<semaphore_mem>>) src(%dma_wait3A_113 : memref<1015808x64xf32, #tpu.memory_space<hbm>>) dst(%arg6 : memref<96x64xf32, #tpu.memory_space<vmem>>)
      %add3A_114 = arith.constant 2 : i32
      %add3A_115 = arith.addi %add3A_96, %add3A_114 : i32
      %mul3A_116 = arith.constant 96 : i32
      %mul3A_117 = arith.muli %add3A_115, %mul3A_116 : i32
      %dma_start3A_118 = tpu.memref_slice %arg5[%mul3A_117] : memref<6528xi32, #tpu.memory_space<vmem>> -> memref<96xi32, #tpu.memory_space<vmem>>
      %dma_start3A_119 = arith.constant 0 : i32
      %dma_start3A_120 = arith.constant 0 : i32
      %dma_start3A_121 = tpu.memref_slice %arg3[%dma_start3A_119, %dma_start3A_120] : memref<1015808x64xf32, #tpu.memory_space<hbm>> -> memref<1015808x64xf32, #tpu.memory_space<hbm>>
      tpu.enqueue_indirect_dma source(%dma_start3A_121 : memref<1015808x64xf32, #tpu.memory_space<hbm>>) target(%arg6 : memref<96x64xf32, #tpu.memory_space<vmem>>) offsets(%dma_start3A_118 : memref<96xi32, #tpu.memory_space<vmem>>) semaphore(%arg10 : memref<!tpu.dma_semaphore, #tpu.memory_space<semaphore_mem>>)
      %mul3A_122 = arith.constant 4 : i32
      %mul3A_123 = arith.muli %mul3A_122, %scan3A_90 : i32
      %add3A_124 = arith.constant 2 : i32
      %add3A_125 = arith.addi %add3A_124, %mul3A_123 : i32
      %add3A_126 = arith.constant 1 : i32
      %add3A_127 = arith.addi %add3A_125, %add3A_126 : i32
      %dma_wait3A_128 = arith.constant 0 : i32
      %dma_wait3A_129 = tpu.memref_slice %arg5[%dma_wait3A_128] : memref<6528xi32, #tpu.memory_space<vmem>> -> memref<96xi32, #tpu.memory_space<vmem>>
      %dma_wait3A_130 = arith.constant 0 : i32
      %dma_wait3A_131 = arith.constant 0 : i32
      %dma_wait3A_132 = tpu.memref_slice %arg3[%dma_wait3A_130, %dma_wait3A_131] : memref<1015808x64xf32, #tpu.memory_space<hbm>> -> memref<1015808x64xf32, #tpu.memory_space<hbm>>
      tpu.wait_indirect_dma semaphore(%arg13 : memref<!tpu.dma_semaphore, #tpu.memory_space<semaphore_mem>>) src(%dma_wait3A_132 : memref<1015808x64xf32, #tpu.memory_space<hbm>>) dst(%arg9 : memref<96x64xf32, #tpu.memory_space<vmem>>)
      %mul3A_133 = arith.constant 96 : i32
      %mul3A_134 = arith.muli %add3A_127, %mul3A_133 : i32
      %add3A_135 = arith.addi %mul3A_2, %mul3A_134 : i32
      %dma_start3A_136 = arith.constant 0 : i32
      %dma_start3A_137 = tpu.memref_slice %arg4[%add3A_135, %dma_start3A_136] : memref<208896x64xf32, #tpu.memory_space<hbm>> -> memref<96x64xf32, #tpu.memory_space<hbm>>
      %dma_start3A_138 = arith.constant 0 : i32
      %dma_start3A_139 = tpu.memref_slice %arg4[%add3A_135, %dma_start3A_138] : memref<208896x64xf32, #tpu.memory_space<hbm>> -> memref<96x64xf32, #tpu.memory_space<hbm>>
      tpu.enqueue_dma source(%arg9 : memref<96x64xf32, #tpu.memory_space<vmem>>) target(%dma_start3A_139 : memref<96x64xf32, #tpu.memory_space<hbm>>) target_semaphore(%arg17 : memref<!tpu.dma_semaphore, #tpu.memory_space<semaphore_mem>>)
      %dma_wait3A_140 = arith.constant 0 : i32
      %dma_wait3A_141 = tpu.memref_slice %arg5[%dma_wait3A_140] : memref<6528xi32, #tpu.memory_space<vmem>> -> memref<96xi32, #tpu.memory_space<vmem>>
      %dma_wait3A_142 = arith.constant 0 : i32
      %dma_wait3A_143 = arith.constant 0 : i32
      %dma_wait3A_144 = tpu.memref_slice %arg3[%dma_wait3A_142, %dma_wait3A_143] : memref<1015808x64xf32, #tpu.memory_space<hbm>> -> memref<1015808x64xf32, #tpu.memory_space<hbm>>
      tpu.wait_indirect_dma semaphore(%arg15 : memref<!tpu.dma_semaphore, #tpu.memory_space<semaphore_mem>>) src(%dma_wait3A_144 : memref<1015808x64xf32, #tpu.memory_space<hbm>>) dst(%arg7 : memref<96x64xf32, #tpu.memory_space<vmem>>)
      %add3A_145 = arith.constant 2 : i32
      %add3A_146 = arith.addi %add3A_127, %add3A_145 : i32
      %mul3A_147 = arith.constant 96 : i32
      %mul3A_148 = arith.muli %add3A_146, %mul3A_147 : i32
      %dma_start3A_149 = tpu.memref_slice %arg5[%mul3A_148] : memref<6528xi32, #tpu.memory_space<vmem>> -> memref<96xi32, #tpu.memory_space<vmem>>
      %dma_start3A_150 = arith.constant 0 : i32
      %dma_start3A_151 = arith.constant 0 : i32
      %dma_start3A_152 = tpu.memref_slice %arg3[%dma_start3A_150, %dma_start3A_151] : memref<1015808x64xf32, #tpu.memory_space<hbm>> -> memref<1015808x64xf32, #tpu.memory_space<hbm>>
      tpu.enqueue_indirect_dma source(%dma_start3A_152 : memref<1015808x64xf32, #tpu.memory_space<hbm>>) target(%arg7 : memref<96x64xf32, #tpu.memory_space<vmem>>) offsets(%dma_start3A_149 : memref<96xi32, #tpu.memory_space<vmem>>) semaphore(%arg11 : memref<!tpu.dma_semaphore, #tpu.memory_space<semaphore_mem>>)
      %mul3A_153 = arith.constant 4 : i32
      %mul3A_154 = arith.muli %mul3A_153, %scan3A_90 : i32
      %add3A_155 = arith.constant 2 : i32
      %add3A_156 = arith.addi %add3A_155, %mul3A_154 : i32
      %add3A_157 = arith.constant 2 : i32
      %add3A_158 = arith.addi %add3A_156, %add3A_157 : i32
      %dma_wait3A_159 = arith.constant 0 : i32
      %dma_wait3A_160 = tpu.memref_slice %arg5[%dma_wait3A_159] : memref<6528xi32, #tpu.memory_space<vmem>> -> memref<96xi32, #tpu.memory_space<vmem>>
      %dma_wait3A_161 = arith.constant 0 : i32
      %dma_wait3A_162 = arith.constant 0 : i32
      %dma_wait3A_163 = tpu.memref_slice %arg3[%dma_wait3A_161, %dma_wait3A_162] : memref<1015808x64xf32, #tpu.memory_space<hbm>> -> memref<1015808x64xf32, #tpu.memory_space<hbm>>
      tpu.wait_indirect_dma semaphore(%arg10 : memref<!tpu.dma_semaphore, #tpu.memory_space<semaphore_mem>>) src(%dma_wait3A_163 : memref<1015808x64xf32, #tpu.memory_space<hbm>>) dst(%arg6 : memref<96x64xf32, #tpu.memory_space<vmem>>)
      %mul3A_164 = arith.constant 96 : i32
      %mul3A_165 = arith.muli %add3A_158, %mul3A_164 : i32
      %add3A_166 = arith.addi %mul3A_2, %mul3A_165 : i32
      %dma_start3A_167 = arith.constant 0 : i32
      %dma_start3A_168 = tpu.memref_slice %arg4[%add3A_166, %dma_start3A_167] : memref<208896x64xf32, #tpu.memory_space<hbm>> -> memref<96x64xf32, #tpu.memory_space<hbm>>
      %dma_start3A_169 = arith.constant 0 : i32
      %dma_start3A_170 = tpu.memref_slice %arg4[%add3A_166, %dma_start3A_169] : memref<208896x64xf32, #tpu.memory_space<hbm>> -> memref<96x64xf32, #tpu.memory_space<hbm>>
      tpu.enqueue_dma source(%arg6 : memref<96x64xf32, #tpu.memory_space<vmem>>) target(%dma_start3A_170 : memref<96x64xf32, #tpu.memory_space<hbm>>) target_semaphore(%arg14 : memref<!tpu.dma_semaphore, #tpu.memory_space<semaphore_mem>>)
      %dma_wait3A_171 = arith.constant 0 : i32
      %dma_wait3A_172 = tpu.memref_slice %arg5[%dma_wait3A_171] : memref<6528xi32, #tpu.memory_space<vmem>> -> memref<96xi32, #tpu.memory_space<vmem>>
      %dma_wait3A_173 = arith.constant 0 : i32
      %dma_wait3A_174 = arith.constant 0 : i32
      %dma_wait3A_175 = tpu.memref_slice %arg3[%dma_wait3A_173, %dma_wait3A_174] : memref<1015808x64xf32, #tpu.memory_space<hbm>> -> memref<1015808x64xf32, #tpu.memory_space<hbm>>
      tpu.wait_indirect_dma semaphore(%arg16 : memref<!tpu.dma_semaphore, #tpu.memory_space<semaphore_mem>>) src(%dma_wait3A_175 : memref<1015808x64xf32, #tpu.memory_space<hbm>>) dst(%arg8 : memref<96x64xf32, #tpu.memory_space<vmem>>)
      %add3A_176 = arith.constant 2 : i32
      %add3A_177 = arith.addi %add3A_158, %add3A_176 : i32
      %mul3A_178 = arith.constant 96 : i32
      %mul3A_179 = arith.muli %add3A_177, %mul3A_178 : i32
      %dma_start3A_180 = tpu.memref_slice %arg5[%mul3A_179] : memref<6528xi32, #tpu.memory_space<vmem>> -> memref<96xi32, #tpu.memory_space<vmem>>
      %dma_start3A_181 = arith.constant 0 : i32
      %dma_start3A_182 = arith.constant 0 : i32
      %dma_start3A_183 = tpu.memref_slice %arg3[%dma_start3A_181, %dma_start3A_182] : memref<1015808x64xf32, #tpu.memory_space<hbm>> -> memref<1015808x64xf32, #tpu.memory_space<hbm>>
      tpu.enqueue_indirect_dma source(%dma_start3A_183 : memref<1015808x64xf32, #tpu.memory_space<hbm>>) target(%arg8 : memref<96x64xf32, #tpu.memory_space<vmem>>) offsets(%dma_start3A_180 : memref<96xi32, #tpu.memory_space<vmem>>) semaphore(%arg12 : memref<!tpu.dma_semaphore, #tpu.memory_space<semaphore_mem>>)
      %mul3A_184 = arith.constant 4 : i32
      %mul3A_185 = arith.muli %mul3A_184, %scan3A_90 : i32
      %add3A_186 = arith.constant 2 : i32
      %add3A_187 = arith.addi %add3A_186, %mul3A_185 : i32
      %add3A_188 = arith.constant 3 : i32
      %add3A_189 = arith.addi %add3A_187, %add3A_188 : i32
      %dma_wait3A_190 = arith.constant 0 : i32
      %dma_wait3A_191 = tpu.memref_slice %arg5[%dma_wait3A_190] : memref<6528xi32, #tpu.memory_space<vmem>> -> memref<96xi32, #tpu.memory_space<vmem>>
      %dma_wait3A_192 = arith.constant 0 : i32
      %dma_wait3A_193 = arith.constant 0 : i32
      %dma_wait3A_194 = tpu.memref_slice %arg3[%dma_wait3A_192, %dma_wait3A_193] : memref<1015808x64xf32, #tpu.memory_space<hbm>> -> memref<1015808x64xf32, #tpu.memory_space<hbm>>
      tpu.wait_indirect_dma semaphore(%arg11 : memref<!tpu.dma_semaphore, #tpu.memory_space<semaphore_mem>>) src(%dma_wait3A_194 : memref<1015808x64xf32, #tpu.memory_space<hbm>>) dst(%arg7 : memref<96x64xf32, #tpu.memory_space<vmem>>)
      %mul3A_195 = arith.constant 96 : i32
      %mul3A_196 = arith.muli %add3A_189, %mul3A_195 : i32
      %add3A_197 = arith.addi %mul3A_2, %mul3A_196 : i32
      %dma_start3A_198 = arith.constant 0 : i32
      %dma_start3A_199 = tpu.memref_slice %arg4[%add3A_197, %dma_start3A_198] : memref<208896x64xf32, #tpu.memory_space<hbm>> -> memref<96x64xf32, #tpu.memory_space<hbm>>
      %dma_start3A_200 = arith.constant 0 : i32
      %dma_start3A_201 = tpu.memref_slice %arg4[%add3A_197, %dma_start3A_200] : memref<208896x64xf32, #tpu.memory_space<hbm>> -> memref<96x64xf32, #tpu.memory_space<hbm>>
      tpu.enqueue_dma source(%arg7 : memref<96x64xf32, #tpu.memory_space<vmem>>) target(%dma_start3A_201 : memref<96x64xf32, #tpu.memory_space<hbm>>) target_semaphore(%arg15 : memref<!tpu.dma_semaphore, #tpu.memory_space<semaphore_mem>>)
      %dma_wait3A_202 = arith.constant 0 : i32
      %dma_wait3A_203 = tpu.memref_slice %arg5[%dma_wait3A_202] : memref<6528xi32, #tpu.memory_space<vmem>> -> memref<96xi32, #tpu.memory_space<vmem>>
      %dma_wait3A_204 = arith.constant 0 : i32
      %dma_wait3A_205 = arith.constant 0 : i32
      %dma_wait3A_206 = tpu.memref_slice %arg3[%dma_wait3A_204, %dma_wait3A_205] : memref<1015808x64xf32, #tpu.memory_space<hbm>> -> memref<1015808x64xf32, #tpu.memory_space<hbm>>
      tpu.wait_indirect_dma semaphore(%arg17 : memref<!tpu.dma_semaphore, #tpu.memory_space<semaphore_mem>>) src(%dma_wait3A_206 : memref<1015808x64xf32, #tpu.memory_space<hbm>>) dst(%arg9 : memref<96x64xf32, #tpu.memory_space<vmem>>)
      %add3A_207 = arith.constant 2 : i32
      %add3A_208 = arith.addi %add3A_189, %add3A_207 : i32
      %mul3A_209 = arith.constant 96 : i32
      %mul3A_210 = arith.muli %add3A_208, %mul3A_209 : i32
      %dma_start3A_211 = tpu.memref_slice %arg5[%mul3A_210] : memref<6528xi32, #tpu.memory_space<vmem>> -> memref<96xi32, #tpu.memory_space<vmem>>
      %dma_start3A_212 = arith.constant 0 : i32
      %dma_start3A_213 = arith.constant 0 : i32
      %dma_start3A_214 = tpu.memref_slice %arg3[%dma_start3A_212, %dma_start3A_213] : memref<1015808x64xf32, #tpu.memory_space<hbm>> -> memref<1015808x64xf32, #tpu.memory_space<hbm>>
      tpu.enqueue_indirect_dma source(%dma_start3A_214 : memref<1015808x64xf32, #tpu.memory_space<hbm>>) target(%arg9 : memref<96x64xf32, #tpu.memory_space<vmem>>) offsets(%dma_start3A_211 : memref<96xi32, #tpu.memory_space<vmem>>) semaphore(%arg13 : memref<!tpu.dma_semaphore, #tpu.memory_space<semaphore_mem>>)
    }
    %scan3A_47 = arith.constant 16 : i32
    %dma_wait3A_48 = arith.constant 0 : i32
    %dma_wait3A_49 = tpu.memref_slice %arg5[%dma_wait3A_48] : memref<6528xi32, #tpu.memory_space<vmem>> -> memref<96xi32, #tpu.memory_space<vmem>>
    %dma_wait3A_50 = arith.constant 0 : i32
    %dma_wait3A_51 = arith.constant 0 : i32
    %dma_wait3A_52 = tpu.memref_slice %arg3[%dma_wait3A_50, %dma_wait3A_51] : memref<1015808x64xf32, #tpu.memory_space<hbm>> -> memref<1015808x64xf32, #tpu.memory_space<hbm>>
    tpu.wait_indirect_dma semaphore(%arg12 : memref<!tpu.dma_semaphore, #tpu.memory_space<semaphore_mem>>) src(%dma_wait3A_52 : memref<1015808x64xf32, #tpu.memory_space<hbm>>) dst(%arg8 : memref<96x64xf32, #tpu.memory_space<vmem>>)
    %add3A_53 = arith.constant 6336 : i32
    %add3A_54 = arith.addi %mul3A_2, %add3A_53 : i32
    %dma_start3A_55 = arith.constant 0 : i32
    %dma_start3A_56 = tpu.memref_slice %arg4[%add3A_54, %dma_start3A_55] : memref<208896x64xf32, #tpu.memory_space<hbm>> -> memref<96x64xf32, #tpu.memory_space<hbm>>
    %dma_start3A_57 = arith.constant 0 : i32
    %dma_start3A_58 = tpu.memref_slice %arg4[%add3A_54, %dma_start3A_57] : memref<208896x64xf32, #tpu.memory_space<hbm>> -> memref<96x64xf32, #tpu.memory_space<hbm>>
    tpu.enqueue_dma source(%arg8 : memref<96x64xf32, #tpu.memory_space<vmem>>) target(%dma_start3A_58 : memref<96x64xf32, #tpu.memory_space<hbm>>) target_semaphore(%arg16 : memref<!tpu.dma_semaphore, #tpu.memory_space<semaphore_mem>>)
    %dma_wait3A_59 = arith.constant 0 : i32
    %dma_wait3A_60 = tpu.memref_slice %arg5[%dma_wait3A_59] : memref<6528xi32, #tpu.memory_space<vmem>> -> memref<96xi32, #tpu.memory_space<vmem>>
    %dma_wait3A_61 = arith.constant 0 : i32
    %dma_wait3A_62 = arith.constant 0 : i32
    %dma_wait3A_63 = tpu.memref_slice %arg3[%dma_wait3A_61, %dma_wait3A_62] : memref<1015808x64xf32, #tpu.memory_space<hbm>> -> memref<1015808x64xf32, #tpu.memory_space<hbm>>
    tpu.wait_indirect_dma semaphore(%arg13 : memref<!tpu.dma_semaphore, #tpu.memory_space<semaphore_mem>>) src(%dma_wait3A_63 : memref<1015808x64xf32, #tpu.memory_space<hbm>>) dst(%arg9 : memref<96x64xf32, #tpu.memory_space<vmem>>)
    %add3A_64 = arith.constant 6432 : i32
    %add3A_65 = arith.addi %mul3A_2, %add3A_64 : i32
    %dma_start3A_66 = arith.constant 0 : i32
    %dma_start3A_67 = tpu.memref_slice %arg4[%add3A_65, %dma_start3A_66] : memref<208896x64xf32, #tpu.memory_space<hbm>> -> memref<96x64xf32, #tpu.memory_space<hbm>>
    %dma_start3A_68 = arith.constant 0 : i32
    %dma_start3A_69 = tpu.memref_slice %arg4[%add3A_65, %dma_start3A_68] : memref<208896x64xf32, #tpu.memory_space<hbm>> -> memref<96x64xf32, #tpu.memory_space<hbm>>
    tpu.enqueue_dma source(%arg9 : memref<96x64xf32, #tpu.memory_space<vmem>>) target(%dma_start3A_69 : memref<96x64xf32, #tpu.memory_space<hbm>>) target_semaphore(%arg17 : memref<!tpu.dma_semaphore, #tpu.memory_space<semaphore_mem>>)
    %dma_wait3A_70 = arith.constant 0 : i32
    %dma_wait3A_71 = tpu.memref_slice %arg5[%dma_wait3A_70] : memref<6528xi32, #tpu.memory_space<vmem>> -> memref<96xi32, #tpu.memory_space<vmem>>
    %dma_wait3A_72 = arith.constant 0 : i32
    %dma_wait3A_73 = arith.constant 0 : i32
    %dma_wait3A_74 = tpu.memref_slice %arg3[%dma_wait3A_72, %dma_wait3A_73] : memref<1015808x64xf32, #tpu.memory_space<hbm>> -> memref<1015808x64xf32, #tpu.memory_space<hbm>>
    tpu.wait_indirect_dma semaphore(%arg14 : memref<!tpu.dma_semaphore, #tpu.memory_space<semaphore_mem>>) src(%dma_wait3A_74 : memref<1015808x64xf32, #tpu.memory_space<hbm>>) dst(%arg6 : memref<96x64xf32, #tpu.memory_space<vmem>>)
    %dma_wait3A_75 = arith.constant 0 : i32
    %dma_wait3A_76 = tpu.memref_slice %arg5[%dma_wait3A_75] : memref<6528xi32, #tpu.memory_space<vmem>> -> memref<96xi32, #tpu.memory_space<vmem>>
    %dma_wait3A_77 = arith.constant 0 : i32
    %dma_wait3A_78 = arith.constant 0 : i32
    %dma_wait3A_79 = tpu.memref_slice %arg3[%dma_wait3A_77, %dma_wait3A_78] : memref<1015808x64xf32, #tpu.memory_space<hbm>> -> memref<1015808x64xf32, #tpu.memory_space<hbm>>
    tpu.wait_indirect_dma semaphore(%arg15 : memref<!tpu.dma_semaphore, #tpu.memory_space<semaphore_mem>>) src(%dma_wait3A_79 : memref<1015808x64xf32, #tpu.memory_space<hbm>>) dst(%arg7 : memref<96x64xf32, #tpu.memory_space<vmem>>)
    %dma_wait3A_80 = arith.constant 0 : i32
    %dma_wait3A_81 = tpu.memref_slice %arg5[%dma_wait3A_80] : memref<6528xi32, #tpu.memory_space<vmem>> -> memref<96xi32, #tpu.memory_space<vmem>>
    %dma_wait3A_82 = arith.constant 0 : i32
    %dma_wait3A_83 = arith.constant 0 : i32
    %dma_wait3A_84 = tpu.memref_slice %arg3[%dma_wait3A_82, %dma_wait3A_83] : memref<1015808x64xf32, #tpu.memory_space<hbm>> -> memref<1015808x64xf32, #tpu.memory_space<hbm>>
    tpu.wait_indirect_dma semaphore(%arg16 : memref<!tpu.dma_semaphore, #tpu.memory_space<semaphore_mem>>) src(%dma_wait3A_84 : memref<1015808x64xf32, #tpu.memory_space<hbm>>) dst(%arg8 : memref<96x64xf32, #tpu.memory_space<vmem>>)
    %dma_wait3A_85 = arith.constant 0 : i32
    %dma_wait3A_86 = tpu.memref_slice %arg5[%dma_wait3A_85] : memref<6528xi32, #tpu.memory_space<vmem>> -> memref<96xi32, #tpu.memory_space<vmem>>
    %dma_wait3A_87 = arith.constant 0 : i32
    %dma_wait3A_88 = arith.constant 0 : i32
    %dma_wait3A_89 = tpu.memref_slice %arg3[%dma_wait3A_87, %dma_wait3A_88] : memref<1015808x64xf32, #tpu.memory_space<hbm>> -> memref<1015808x64xf32, #tpu.memory_space<hbm>>
    tpu.wait_indirect_dma semaphore(%arg17 : memref<!tpu.dma_semaphore, #tpu.memory_space<semaphore_mem>>) src(%dma_wait3A_89 : memref<1015808x64xf32, #tpu.memory_space<hbm>>) dst(%arg9 : memref<96x64xf32, #tpu.memory_space<vmem>>)
    return
  }
}

#map = affine_map<(d0, d1) -> (0)>
#map1 = affine_map<(d0, d1) -> (0, 0)>
module attributes {stable_mosaic.version = 14 : i64} {
  func.func @sc_gather(%arg0: i32, %arg1: i32, %arg2: memref<208896xi32, #tpu.memory_space<hbm>>, %arg3: memref<1015808x64xf32, #tpu.memory_space<hbm>>, %arg4: memref<208896x64xf32, #tpu.memory_space<hbm>>, %arg5: memref<6528xi32, #tpu.memory_space<vmem>>, %arg6: memref<96x64xf32, #tpu.memory_space<vmem>>, %arg7: memref<96x64xf32, #tpu.memory_space<vmem>>, %arg8: memref<96x64xf32, #tpu.memory_space<vmem>>, %arg9: memref<96x64xf32, #tpu.memory_space<vmem>>, %arg10: memref<!tpu.dma_semaphore, #tpu.memory_space<semaphore_mem>>, %arg11: memref<!tpu.dma_semaphore, #tpu.memory_space<semaphore_mem>>, %arg12: memref<!tpu.dma_semaphore, #tpu.memory_space<semaphore_mem>>, %arg13: memref<!tpu.dma_semaphore, #tpu.memory_space<semaphore_mem>>, %arg14: memref<!tpu.dma_semaphore, #tpu.memory_space<semaphore_mem>>, %arg15: memref<!tpu.dma_semaphore, #tpu.memory_space<semaphore_mem>>, %arg16: memref<!tpu.dma_semaphore, #tpu.memory_space<semaphore_mem>>, %arg17: memref<!tpu.dma_semaphore, #tpu.memory_space<semaphore_mem>>) attributes {dimension_semantics = [#tpu.dimension_semantics<core_parallel>, #tpu.dimension_semantics<subcore_parallel>], iteration_bounds = array<i64: 2, 16>, scalar_prefetch = 0 : i64, scratch_operands = 13 : i64, tpu.core_type = #tpu.core_type<sc_vector_subcore>, window_params = [{transform_indices = #map}, {transform_indices = #map1}, {transform_indices = #map1}]} {
    %mul3A = arith.constant 2 : i32
    %mul3A_0 = arith.muli %arg1, %mul3A : i32
    %add3A = arith.addi %mul3A_0, %arg0 : i32
    %mul3A_1 = arith.constant 6528 : i32
    %mul3A_2 = arith.muli %add3A, %mul3A_1 : i32
    "tpu.region"() ({
      %run_scoped3A = tpu.sem_alloc : memref<!tpu.dma_semaphore, #tpu.memory_space<semaphore_mem>>
      %dma_start3A_90 = tpu.memref_slice %arg2[%mul3A_2] : memref<208896xi32, #tpu.memory_space<hbm>> -> memref<6528xi32, #tpu.memory_space<hbm>>
      %dma_start3A_91 = tpu.memref_slice %arg2[%mul3A_2] : memref<208896xi32, #tpu.memory_space<hbm>> -> memref<6528xi32, #tpu.memory_space<hbm>>
      tpu.enqueue_dma source(%dma_start3A_91 : memref<6528xi32, #tpu.memory_space<hbm>>) target(%arg5 : memref<6528xi32, #tpu.memory_space<vmem>>) target_semaphore(%run_scoped3A : memref<!tpu.dma_semaphore, #tpu.memory_space<semaphore_mem>>)
      %dma_wait3A_92 = tpu.memref_slice %arg2[%mul3A_2] : memref<208896xi32, #tpu.memory_space<hbm>> -> memref<6528xi32, #tpu.memory_space<hbm>>
      %dma_wait3A_93 = tpu.memref_slice %arg2[%mul3A_2] : memref<208896xi32, #tpu.memory_space<hbm>> -> memref<6528xi32, #tpu.memory_space<hbm>>
      tpu.wait_dma2 semaphore(%run_scoped3A : memref<!tpu.dma_semaphore, #tpu.memory_space<semaphore_mem>>) src(%dma_wait3A_93 : memref<6528xi32, #tpu.memory_space<hbm>>) dst(%arg5 : memref<6528xi32, #tpu.memory_space<vmem>>)
      tpu.yield
    }) : () -> ()
    %dma_start3A = arith.constant 0 : i32
    %dma_start3A_3 = tpu.memref_slice %arg5[%dma_start3A] : memref<6528xi32, #tpu.memory_space<vmem>> -> memref<96xi32, #tpu.memory_space<vmem>>
    %dma_start3A_4 = arith.constant 0 : i32
    %dma_start3A_5 = arith.constant 0 : i32
    %dma_start3A_6 = tpu.memref_slice %arg3[%dma_start3A_4, %dma_start3A_5] : memref<1015808x64xf32, #tpu.memory_space<hbm>> -> memref<1015808x64xf32, #tpu.memory_space<hbm>>
    tpu.enqueue_indirect_dma source(%dma_start3A_6 : memref<1015808x64xf32, #tpu.memory_space<hbm>>) target(%arg6 : memref<96x64xf32, #tpu.memory_space<vmem>>) offsets(%dma_start3A_3 : memref<96xi32, #tpu.memory_space<vmem>>) semaphore(%arg10 : memref<!tpu.dma_semaphore, #tpu.memory_space<semaphore_mem>>)
    %dma_start3A_7 = arith.constant 96 : i32
    %dma_start3A_8 = tpu.memref_slice %arg5[%dma_start3A_7] : memref<6528xi32, #tpu.memory_space<vmem>> -> memref<96xi32, #tpu.memory_space<vmem>>
    %dma_start3A_9 = arith.constant 0 : i32
    %dma_start3A_10 = arith.constant 0 : i32
    %dma_start3A_11 = tpu.memref_slice %arg3[%dma_start3A_9, %dma_start3A_10] : memref<1015808x64xf32, #tpu.memory_space<hbm>> -> memref<1015808x64xf32, #tpu.memory_space<hbm>>
    tpu.enqueue_indirect_dma source(%dma_start3A_11 : memref<1015808x64xf32, #tpu.memory_space<hbm>>) target(%arg7 : memref<96x64xf32, #tpu.memory_space<vmem>>) offsets(%dma_start3A_8 : memref<96xi32, #tpu.memory_space<vmem>>) semaphore(%arg11 : memref<!tpu.dma_semaphore, #tpu.memory_space<semaphore_mem>>)
    %dma_wait3A = arith.constant 0 : i32
    %dma_wait3A_12 = tpu.memref_slice %arg5[%dma_wait3A] : memref<6528xi32, #tpu.memory_space<vmem>> -> memref<96xi32, #tpu.memory_space<vmem>>
    %dma_wait3A_13 = arith.constant 0 : i32
    %dma_wait3A_14 = arith.constant 0 : i32
    %dma_wait3A_15 = tpu.memref_slice %arg3[%dma_wait3A_13, %dma_wait3A_14] : memref<1015808x64xf32, #tpu.memory_space<hbm>> -> memref<1015808x64xf32, #tpu.memory_space<hbm>>
    tpu.wait_indirect_dma semaphore(%arg10 : memref<!tpu.dma_semaphore, #tpu.memory_space<semaphore_mem>>) src(%dma_wait3A_15 : memref<1015808x64xf32, #tpu.memory_space<hbm>>) dst(%arg6 : memref<96x64xf32, #tpu.memory_space<vmem>>)
    %add3A_16 = arith.constant 0 : i32
    %add3A_17 = arith.addi %mul3A_2, %add3A_16 : i32
    %dma_start3A_18 = arith.constant 0 : i32
    %dma_start3A_19 = tpu.memref_slice %arg4[%add3A_17, %dma_start3A_18] : memref<208896x64xf32, #tpu.memory_space<hbm>> -> memref<96x64xf32, #tpu.memory_space<hbm>>
    %dma_start3A_20 = arith.constant 0 : i32
    %dma_start3A_21 = tpu.memref_slice %arg4[%add3A_17, %dma_start3A_20] : memref<208896x64xf32, #tpu.memory_space<hbm>> -> memref<96x64xf32, #tpu.memory_space<hbm>>
    tpu.enqueue_dma source(%arg6 : memref<96x64xf32, #tpu.memory_space<vmem>>) target(%dma_start3A_21 : memref<96x64xf32, #tpu.memory_space<hbm>>) target_semaphore(%arg14 : memref<!tpu.dma_semaphore, #tpu.memory_space<semaphore_mem>>)
    %dma_start3A_22 = arith.constant 192 : i32
    %dma_start3A_23 = tpu.memref_slice %arg5[%dma_start3A_22] : memref<6528xi32, #tpu.memory_space<vmem>> -> memref<96xi32, #tpu.memory_space<vmem>>
    %dma_start3A_24 = arith.constant 0 : i32
    %dma_start3A_25 = arith.constant 0 : i32
    %dma_start3A_26 = tpu.memref_slice %arg3[%dma_start3A_24, %dma_start3A_25] : memref<1015808x64xf32, #tpu.memory_space<hbm>> -> memref<1015808x64xf32, #tpu.memory_space<hbm>>
    tpu.enqueue_indirect_dma source(%dma_start3A_26 : memref<1015808x64xf32, #tpu.memory_space<hbm>>) target(%arg8 : memref<96x64xf32, #tpu.memory_space<vmem>>) offsets(%dma_start3A_23 : memref<96xi32, #tpu.memory_space<vmem>>) semaphore(%arg12 : memref<!tpu.dma_semaphore, #tpu.memory_space<semaphore_mem>>)
    %dma_wait3A_27 = arith.constant 0 : i32
    %dma_wait3A_28 = tpu.memref_slice %arg5[%dma_wait3A_27] : memref<6528xi32, #tpu.memory_space<vmem>> -> memref<96xi32, #tpu.memory_space<vmem>>
    %dma_wait3A_29 = arith.constant 0 : i32
    %dma_wait3A_30 = arith.constant 0 : i32
    %dma_wait3A_31 = tpu.memref_slice %arg3[%dma_wait3A_29, %dma_wait3A_30] : memref<1015808x64xf32, #tpu.memory_space<hbm>> -> memref<1015808x64xf32, #tpu.memory_space<hbm>>
    tpu.wait_indirect_dma semaphore(%arg11 : memref<!tpu.dma_semaphore, #tpu.memory_space<semaphore_mem>>) src(%dma_wait3A_31 : memref<1015808x64xf32, #tpu.memory_space<hbm>>) dst(%arg7 : memref<96x64xf32, #tpu.memory_space<vmem>>)
    %add3A_32 = arith.constant 96 : i32
    %add3A_33 = arith.addi %mul3A_2, %add3A_32 : i32
    %dma_start3A_34 = arith.constant 0 : i32
    %dma_start3A_35 = tpu.memref_slice %arg4[%add3A_33, %dma_start3A_34] : memref<208896x64xf32, #tpu.memory_space<hbm>> -> memref<96x64xf32, #tpu.memory_space<hbm>>
    %dma_start3A_36 = arith.constant 0 : i32
    %dma_start3A_37 = tpu.memref_slice %arg4[%add3A_33, %dma_start3A_36] : memref<208896x64xf32, #tpu.memory_space<hbm>> -> memref<96x64xf32, #tpu.memory_space<hbm>>
    tpu.enqueue_dma source(%arg7 : memref<96x64xf32, #tpu.memory_space<vmem>>) target(%dma_start3A_37 : memref<96x64xf32, #tpu.memory_space<hbm>>) target_semaphore(%arg15 : memref<!tpu.dma_semaphore, #tpu.memory_space<semaphore_mem>>)
    %dma_start3A_38 = arith.constant 288 : i32
    %dma_start3A_39 = tpu.memref_slice %arg5[%dma_start3A_38] : memref<6528xi32, #tpu.memory_space<vmem>> -> memref<96xi32, #tpu.memory_space<vmem>>
    %dma_start3A_40 = arith.constant 0 : i32
    %dma_start3A_41 = arith.constant 0 : i32
    %dma_start3A_42 = tpu.memref_slice %arg3[%dma_start3A_40, %dma_start3A_41] : memref<1015808x64xf32, #tpu.memory_space<hbm>> -> memref<1015808x64xf32, #tpu.memory_space<hbm>>
    tpu.enqueue_indirect_dma source(%dma_start3A_42 : memref<1015808x64xf32, #tpu.memory_space<hbm>>) target(%arg9 : memref<96x64xf32, #tpu.memory_space<vmem>>) offsets(%dma_start3A_39 : memref<96xi32, #tpu.memory_space<vmem>>) semaphore(%arg13 : memref<!tpu.dma_semaphore, #tpu.memory_space<semaphore_mem>>)
    %scan3A = arith.constant 0 : i32
    %scan3A_43 = arith.constant 0 : i32
    %scan3A_44 = arith.constant 16 : i32
    %scan3A_45 = arith.addi %scan3A_43, %scan3A_44 : i32
    %scan3A_46 = arith.constant 1 : i32
    scf.for %scan3A_90 = %scan3A_43 to %scan3A_45 step %scan3A_46  : i32 {
      %mul3A_91 = arith.constant 4 : i32
      %mul3A_92 = arith.muli %mul3A_91, %scan3A_90 : i32
      %add3A_93 = arith.constant 2 : i32
      %add3A_94 = arith.addi %add3A_93, %mul3A_92 : i32
      %add3A_95 = arith.constant 0 : i32
      %add3A_96 = arith.addi %add3A_94, %add3A_95 : i32
      %dma_wait3A_97 = arith.constant 0 : i32
      %dma_wait3A_98 = tpu.memref_slice %arg5[%dma_wait3A_97] : memref<6528xi32, #tpu.memory_space<vmem>> -> memref<96xi32, #tpu.memory_space<vmem>>
      %dma_wait3A_99 = arith.constant 0 : i32
      %dma_wait3A_100 = arith.constant 0 : i32
      %dma_wait3A_101 = tpu.memref_slice %arg3[%dma_wait3A_99, %dma_wait3A_100] : memref<1015808x64xf32, #tpu.memory_space<hbm>> -> memref<1015808x64xf32, #tpu.memory_space<hbm>>
      tpu.wait_indirect_dma semaphore(%arg12 : memref<!tpu.dma_semaphore, #tpu.memory_space<semaphore_mem>>) src(%dma_wait3A_101 : memref<1015808x64xf32, #tpu.memory_space<hbm>>) dst(%arg8 : memref<96x64xf32, #tpu.memory_space<vmem>>)
      %mul3A_102 = arith.constant 96 : i32
      %mul3A_103 = arith.muli %add3A_96, %mul3A_102 : i32
      %add3A_104 = arith.addi %mul3A_2, %mul3A_103 : i32
      %dma_start3A_105 = arith.constant 0 : i32
      %dma_start3A_106 = tpu.memref_slice %arg4[%add3A_104, %dma_start3A_105] : memref<208896x64xf32, #tpu.memory_space<hbm>> -> memref<96x64xf32, #tpu.memory_space<hbm>>
      %dma_start3A_107 = arith.constant 0 : i32
      %dma_start3A_108 = tpu.memref_slice %arg4[%add3A_104, %dma_start3A_107] : memref<208896x64xf32, #tpu.memory_space<hbm>> -> memref<96x64xf32, #tpu.memory_space<hbm>>
      tpu.enqueue_dma source(%arg8 : memref<96x64xf32, #tpu.memory_space<vmem>>) target(%dma_start3A_108 : memref<96x64xf32, #tpu.memory_space<hbm>>) target_semaphore(%arg16 : memref<!tpu.dma_semaphore, #tpu.memory_space<semaphore_mem>>)
      %dma_wait3A_109 = arith.constant 0 : i32
      %dma_wait3A_110 = tpu.memref_slice %arg5[%dma_wait3A_109] : memref<6528xi32, #tpu.memory_space<vmem>> -> memref<96xi32, #tpu.memory_space<vmem>>
      %dma_wait3A_111 = arith.constant 0 : i32
      %dma_wait3A_112 = arith.constant 0 : i32
      %dma_wait3A_113 = tpu.memref_slice %arg3[%dma_wait3A_111, %dma_wait3A_112] : memref<1015808x64xf32, #tpu.memory_space<hbm>> -> memref<1015808x64xf32, #tpu.memory_space<hbm>>
      tpu.wait_indirect_dma semaphore(%arg14 : memref<!tpu.dma_semaphore, #tpu.memory_space<semaphore_mem>>) src(%dma_wait3A_113 : memref<1015808x64xf32, #tpu.memory_space<hbm>>) dst(%arg6 : memref<96x64xf32, #tpu.memory_space<vmem>>)
      %add3A_114 = arith.constant 2 : i32
      %add3A_115 = arith.addi %add3A_96, %add3A_114 : i32
      %mul3A_116 = arith.constant 96 : i32
      %mul3A_117 = arith.muli %add3A_115, %mul3A_116 : i32
      %dma_start3A_118 = tpu.memref_slice %arg5[%mul3A_117] : memref<6528xi32, #tpu.memory_space<vmem>> -> memref<96xi32, #tpu.memory_space<vmem>>
      %dma_start3A_119 = arith.constant 0 : i32
      %dma_start3A_120 = arith.constant 0 : i32
      %dma_start3A_121 = tpu.memref_slice %arg3[%dma_start3A_119, %dma_start3A_120] : memref<1015808x64xf32, #tpu.memory_space<hbm>> -> memref<1015808x64xf32, #tpu.memory_space<hbm>>
      tpu.enqueue_indirect_dma source(%dma_start3A_121 : memref<1015808x64xf32, #tpu.memory_space<hbm>>) target(%arg6 : memref<96x64xf32, #tpu.memory_space<vmem>>) offsets(%dma_start3A_118 : memref<96xi32, #tpu.memory_space<vmem>>) semaphore(%arg10 : memref<!tpu.dma_semaphore, #tpu.memory_space<semaphore_mem>>)
      %mul3A_122 = arith.constant 4 : i32
      %mul3A_123 = arith.muli %mul3A_122, %scan3A_90 : i32
      %add3A_124 = arith.constant 2 : i32
      %add3A_125 = arith.addi %add3A_124, %mul3A_123 : i32
      %add3A_126 = arith.constant 1 : i32
      %add3A_127 = arith.addi %add3A_125, %add3A_126 : i32
      %dma_wait3A_128 = arith.constant 0 : i32
      %dma_wait3A_129 = tpu.memref_slice %arg5[%dma_wait3A_128] : memref<6528xi32, #tpu.memory_space<vmem>> -> memref<96xi32, #tpu.memory_space<vmem>>
      %dma_wait3A_130 = arith.constant 0 : i32
      %dma_wait3A_131 = arith.constant 0 : i32
      %dma_wait3A_132 = tpu.memref_slice %arg3[%dma_wait3A_130, %dma_wait3A_131] : memref<1015808x64xf32, #tpu.memory_space<hbm>> -> memref<1015808x64xf32, #tpu.memory_space<hbm>>
      tpu.wait_indirect_dma semaphore(%arg13 : memref<!tpu.dma_semaphore, #tpu.memory_space<semaphore_mem>>) src(%dma_wait3A_132 : memref<1015808x64xf32, #tpu.memory_space<hbm>>) dst(%arg9 : memref<96x64xf32, #tpu.memory_space<vmem>>)
      %mul3A_133 = arith.constant 96 : i32
      %mul3A_134 = arith.muli %add3A_127, %mul3A_133 : i32
      %add3A_135 = arith.addi %mul3A_2, %mul3A_134 : i32
      %dma_start3A_136 = arith.constant 0 : i32
      %dma_start3A_137 = tpu.memref_slice %arg4[%add3A_135, %dma_start3A_136] : memref<208896x64xf32, #tpu.memory_space<hbm>> -> memref<96x64xf32, #tpu.memory_space<hbm>>
      %dma_start3A_138 = arith.constant 0 : i32
      %dma_start3A_139 = tpu.memref_slice %arg4[%add3A_135, %dma_start3A_138] : memref<208896x64xf32, #tpu.memory_space<hbm>> -> memref<96x64xf32, #tpu.memory_space<hbm>>
      tpu.enqueue_dma source(%arg9 : memref<96x64xf32, #tpu.memory_space<vmem>>) target(%dma_start3A_139 : memref<96x64xf32, #tpu.memory_space<hbm>>) target_semaphore(%arg17 : memref<!tpu.dma_semaphore, #tpu.memory_space<semaphore_mem>>)
      %dma_wait3A_140 = arith.constant 0 : i32
      %dma_wait3A_141 = tpu.memref_slice %arg5[%dma_wait3A_140] : memref<6528xi32, #tpu.memory_space<vmem>> -> memref<96xi32, #tpu.memory_space<vmem>>
      %dma_wait3A_142 = arith.constant 0 : i32
      %dma_wait3A_143 = arith.constant 0 : i32
      %dma_wait3A_144 = tpu.memref_slice %arg3[%dma_wait3A_142, %dma_wait3A_143] : memref<1015808x64xf32, #tpu.memory_space<hbm>> -> memref<1015808x64xf32, #tpu.memory_space<hbm>>
      tpu.wait_indirect_dma semaphore(%arg15 : memref<!tpu.dma_semaphore, #tpu.memory_space<semaphore_mem>>) src(%dma_wait3A_144 : memref<1015808x64xf32, #tpu.memory_space<hbm>>) dst(%arg7 : memref<96x64xf32, #tpu.memory_space<vmem>>)
      %add3A_145 = arith.constant 2 : i32
      %add3A_146 = arith.addi %add3A_127, %add3A_145 : i32
      %mul3A_147 = arith.constant 96 : i32
      %mul3A_148 = arith.muli %add3A_146, %mul3A_147 : i32
      %dma_start3A_149 = tpu.memref_slice %arg5[%mul3A_148] : memref<6528xi32, #tpu.memory_space<vmem>> -> memref<96xi32, #tpu.memory_space<vmem>>
      %dma_start3A_150 = arith.constant 0 : i32
      %dma_start3A_151 = arith.constant 0 : i32
      %dma_start3A_152 = tpu.memref_slice %arg3[%dma_start3A_150, %dma_start3A_151] : memref<1015808x64xf32, #tpu.memory_space<hbm>> -> memref<1015808x64xf32, #tpu.memory_space<hbm>>
      tpu.enqueue_indirect_dma source(%dma_start3A_152 : memref<1015808x64xf32, #tpu.memory_space<hbm>>) target(%arg7 : memref<96x64xf32, #tpu.memory_space<vmem>>) offsets(%dma_start3A_149 : memref<96xi32, #tpu.memory_space<vmem>>) semaphore(%arg11 : memref<!tpu.dma_semaphore, #tpu.memory_space<semaphore_mem>>)
      %mul3A_153 = arith.constant 4 : i32
      %mul3A_154 = arith.muli %mul3A_153, %scan3A_90 : i32
      %add3A_155 = arith.constant 2 : i32
      %add3A_156 = arith.addi %add3A_155, %mul3A_154 : i32
      %add3A_157 = arith.constant 2 : i32
      %add3A_158 = arith.addi %add3A_156, %add3A_157 : i32
      %dma_wait3A_159 = arith.constant 0 : i32
      %dma_wait3A_160 = tpu.memref_slice %arg5[%dma_wait3A_159] : memref<6528xi32, #tpu.memory_space<vmem>> -> memref<96xi32, #tpu.memory_space<vmem>>
      %dma_wait3A_161 = arith.constant 0 : i32
      %dma_wait3A_162 = arith.constant 0 : i32
      %dma_wait3A_163 = tpu.memref_slice %arg3[%dma_wait3A_161, %dma_wait3A_162] : memref<1015808x64xf32, #tpu.memory_space<hbm>> -> memref<1015808x64xf32, #tpu.memory_space<hbm>>
      tpu.wait_indirect_dma semaphore(%arg10 : memref<!tpu.dma_semaphore, #tpu.memory_space<semaphore_mem>>) src(%dma_wait3A_163 : memref<1015808x64xf32, #tpu.memory_space<hbm>>) dst(%arg6 : memref<96x64xf32, #tpu.memory_space<vmem>>)
      %mul3A_164 = arith.constant 96 : i32
      %mul3A_165 = arith.muli %add3A_158, %mul3A_164 : i32
      %add3A_166 = arith.addi %mul3A_2, %mul3A_165 : i32
      %dma_start3A_167 = arith.constant 0 : i32
      %dma_start3A_168 = tpu.memref_slice %arg4[%add3A_166, %dma_start3A_167] : memref<208896x64xf32, #tpu.memory_space<hbm>> -> memref<96x64xf32, #tpu.memory_space<hbm>>
      %dma_start3A_169 = arith.constant 0 : i32
      %dma_start3A_170 = tpu.memref_slice %arg4[%add3A_166, %dma_start3A_169] : memref<208896x64xf32, #tpu.memory_space<hbm>> -> memref<96x64xf32, #tpu.memory_space<hbm>>
      tpu.enqueue_dma source(%arg6 : memref<96x64xf32, #tpu.memory_space<vmem>>) target(%dma_start3A_170 : memref<96x64xf32, #tpu.memory_space<hbm>>) target_semaphore(%arg14 : memref<!tpu.dma_semaphore, #tpu.memory_space<semaphore_mem>>)
      %dma_wait3A_171 = arith.constant 0 : i32
      %dma_wait3A_172 = tpu.memref_slice %arg5[%dma_wait3A_171] : memref<6528xi32, #tpu.memory_space<vmem>> -> memref<96xi32, #tpu.memory_space<vmem>>
      %dma_wait3A_173 = arith.constant 0 : i32
      %dma_wait3A_174 = arith.constant 0 : i32
      %dma_wait3A_175 = tpu.memref_slice %arg3[%dma_wait3A_173, %dma_wait3A_174] : memref<1015808x64xf32, #tpu.memory_space<hbm>> -> memref<1015808x64xf32, #tpu.memory_space<hbm>>
      tpu.wait_indirect_dma semaphore(%arg16 : memref<!tpu.dma_semaphore, #tpu.memory_space<semaphore_mem>>) src(%dma_wait3A_175 : memref<1015808x64xf32, #tpu.memory_space<hbm>>) dst(%arg8 : memref<96x64xf32, #tpu.memory_space<vmem>>)
      %add3A_176 = arith.constant 2 : i32
      %add3A_177 = arith.addi %add3A_158, %add3A_176 : i32
      %mul3A_178 = arith.constant 96 : i32
      %mul3A_179 = arith.muli %add3A_177, %mul3A_178 : i32
      %dma_start3A_180 = tpu.memref_slice %arg5[%mul3A_179] : memref<6528xi32, #tpu.memory_space<vmem>> -> memref<96xi32, #tpu.memory_space<vmem>>
      %dma_start3A_181 = arith.constant 0 : i32
      %dma_start3A_182 = arith.constant 0 : i32
      %dma_start3A_183 = tpu.memref_slice %arg3[%dma_start3A_181, %dma_start3A_182] : memref<1015808x64xf32, #tpu.memory_space<hbm>> -> memref<1015808x64xf32, #tpu.memory_space<hbm>>
      tpu.enqueue_indirect_dma source(%dma_start3A_183 : memref<1015808x64xf32, #tpu.memory_space<hbm>>) target(%arg8 : memref<96x64xf32, #tpu.memory_space<vmem>>) offsets(%dma_start3A_180 : memref<96xi32, #tpu.memory_space<vmem>>) semaphore(%arg12 : memref<!tpu.dma_semaphore, #tpu.memory_space<semaphore_mem>>)
      %mul3A_184 = arith.constant 4 : i32
      %mul3A_185 = arith.muli %mul3A_184, %scan3A_90 : i32
      %add3A_186 = arith.constant 2 : i32
      %add3A_187 = arith.addi %add3A_186, %mul3A_185 : i32
      %add3A_188 = arith.constant 3 : i32
      %add3A_189 = arith.addi %add3A_187, %add3A_188 : i32
      %dma_wait3A_190 = arith.constant 0 : i32
      %dma_wait3A_191 = tpu.memref_slice %arg5[%dma_wait3A_190] : memref<6528xi32, #tpu.memory_space<vmem>> -> memref<96xi32, #tpu.memory_space<vmem>>
      %dma_wait3A_192 = arith.constant 0 : i32
      %dma_wait3A_193 = arith.constant 0 : i32
      %dma_wait3A_194 = tpu.memref_slice %arg3[%dma_wait3A_192, %dma_wait3A_193] : memref<1015808x64xf32, #tpu.memory_space<hbm>> -> memref<1015808x64xf32, #tpu.memory_space<hbm>>
      tpu.wait_indirect_dma semaphore(%arg11 : memref<!tpu.dma_semaphore, #tpu.memory_space<semaphore_mem>>) src(%dma_wait3A_194 : memref<1015808x64xf32, #tpu.memory_space<hbm>>) dst(%arg7 : memref<96x64xf32, #tpu.memory_space<vmem>>)
      %mul3A_195 = arith.constant 96 : i32
      %mul3A_196 = arith.muli %add3A_189, %mul3A_195 : i32
      %add3A_197 = arith.addi %mul3A_2, %mul3A_196 : i32
      %dma_start3A_198 = arith.constant 0 : i32
      %dma_start3A_199 = tpu.memref_slice %arg4[%add3A_197, %dma_start3A_198] : memref<208896x64xf32, #tpu.memory_space<hbm>> -> memref<96x64xf32, #tpu.memory_space<hbm>>
      %dma_start3A_200 = arith.constant 0 : i32
      %dma_start3A_201 = tpu.memref_slice %arg4[%add3A_197, %dma_start3A_200] : memref<208896x64xf32, #tpu.memory_space<hbm>> -> memref<96x64xf32, #tpu.memory_space<hbm>>
      tpu.enqueue_dma source(%arg7 : memref<96x64xf32, #tpu.memory_space<vmem>>) target(%dma_start3A_201 : memref<96x64xf32, #tpu.memory_space<hbm>>) target_semaphore(%arg15 : memref<!tpu.dma_semaphore, #tpu.memory_space<semaphore_mem>>)
      %dma_wait3A_202 = arith.constant 0 : i32
      %dma_wait3A_203 = tpu.memref_slice %arg5[%dma_wait3A_202] : memref<6528xi32, #tpu.memory_space<vmem>> -> memref<96xi32, #tpu.memory_space<vmem>>
      %dma_wait3A_204 = arith.constant 0 : i32
      %dma_wait3A_205 = arith.constant 0 : i32
      %dma_wait3A_206 = tpu.memref_slice %arg3[%dma_wait3A_204, %dma_wait3A_205] : memref<1015808x64xf32, #tpu.memory_space<hbm>> -> memref<1015808x64xf32, #tpu.memory_space<hbm>>
      tpu.wait_indirect_dma semaphore(%arg17 : memref<!tpu.dma_semaphore, #tpu.memory_space<semaphore_mem>>) src(%dma_wait3A_206 : memref<1015808x64xf32, #tpu.memory_space<hbm>>) dst(%arg9 : memref<96x64xf32, #tpu.memory_space<vmem>>)
      %add3A_207 = arith.constant 2 : i32
      %add3A_208 = arith.addi %add3A_189, %add3A_207 : i32
      %mul3A_209 = arith.constant 96 : i32
      %mul3A_210 = arith.muli %add3A_208, %mul3A_209 : i32
      %dma_start3A_211 = tpu.memref_slice %arg5[%mul3A_210] : memref<6528xi32, #tpu.memory_space<vmem>> -> memref<96xi32, #tpu.memory_space<vmem>>
      %dma_start3A_212 = arith.constant 0 : i32
      %dma_start3A_213 = arith.constant 0 : i32
      %dma_start3A_214 = tpu.memref_slice %arg3[%dma_start3A_212, %dma_start3A_213] : memref<1015808x64xf32, #tpu.memory_space<hbm>> -> memref<1015808x64xf32, #tpu.memory_space<hbm>>
      tpu.enqueue_indirect_dma source(%dma_start3A_214 : memref<1015808x64xf32, #tpu.memory_space<hbm>>) target(%arg9 : memref<96x64xf32, #tpu.memory_space<vmem>>) offsets(%dma_start3A_211 : memref<96xi32, #tpu.memory_space<vmem>>) semaphore(%arg13 : memref<!tpu.dma_semaphore, #tpu.memory_space<semaphore_mem>>)
    }
    %scan3A_47 = arith.constant 16 : i32
    %dma_wait3A_48 = arith.constant 0 : i32
    %dma_wait3A_49 = tpu.memref_slice %arg5[%dma_wait3A_48] : memref<6528xi32, #tpu.memory_space<vmem>> -> memref<96xi32, #tpu.memory_space<vmem>>
    %dma_wait3A_50 = arith.constant 0 : i32
    %dma_wait3A_51 = arith.constant 0 : i32
    %dma_wait3A_52 = tpu.memref_slice %arg3[%dma_wait3A_50, %dma_wait3A_51] : memref<1015808x64xf32, #tpu.memory_space<hbm>> -> memref<1015808x64xf32, #tpu.memory_space<hbm>>
    tpu.wait_indirect_dma semaphore(%arg12 : memref<!tpu.dma_semaphore, #tpu.memory_space<semaphore_mem>>) src(%dma_wait3A_52 : memref<1015808x64xf32, #tpu.memory_space<hbm>>) dst(%arg8 : memref<96x64xf32, #tpu.memory_space<vmem>>)
    %add3A_53 = arith.constant 6336 : i32
    %add3A_54 = arith.addi %mul3A_2, %add3A_53 : i32
    %dma_start3A_55 = arith.constant 0 : i32
    %dma_start3A_56 = tpu.memref_slice %arg4[%add3A_54, %dma_start3A_55] : memref<208896x64xf32, #tpu.memory_space<hbm>> -> memref<96x64xf32, #tpu.memory_space<hbm>>
    %dma_start3A_57 = arith.constant 0 : i32
    %dma_start3A_58 = tpu.memref_slice %arg4[%add3A_54, %dma_start3A_57] : memref<208896x64xf32, #tpu.memory_space<hbm>> -> memref<96x64xf32, #tpu.memory_space<hbm>>
    tpu.enqueue_dma source(%arg8 : memref<96x64xf32, #tpu.memory_space<vmem>>) target(%dma_start3A_58 : memref<96x64xf32, #tpu.memory_space<hbm>>) target_semaphore(%arg16 : memref<!tpu.dma_semaphore, #tpu.memory_space<semaphore_mem>>)
    %dma_wait3A_59 = arith.constant 0 : i32
    %dma_wait3A_60 = tpu.memref_slice %arg5[%dma_wait3A_59] : memref<6528xi32, #tpu.memory_space<vmem>> -> memref<96xi32, #tpu.memory_space<vmem>>
    %dma_wait3A_61 = arith.constant 0 : i32
    %dma_wait3A_62 = arith.constant 0 : i32
    %dma_wait3A_63 = tpu.memref_slice %arg3[%dma_wait3A_61, %dma_wait3A_62] : memref<1015808x64xf32, #tpu.memory_space<hbm>> -> memref<1015808x64xf32, #tpu.memory_space<hbm>>
    tpu.wait_indirect_dma semaphore(%arg13 : memref<!tpu.dma_semaphore, #tpu.memory_space<semaphore_mem>>) src(%dma_wait3A_63 : memref<1015808x64xf32, #tpu.memory_space<hbm>>) dst(%arg9 : memref<96x64xf32, #tpu.memory_space<vmem>>)
    %add3A_64 = arith.constant 6432 : i32
    %add3A_65 = arith.addi %mul3A_2, %add3A_64 : i32
    %dma_start3A_66 = arith.constant 0 : i32
    %dma_start3A_67 = tpu.memref_slice %arg4[%add3A_65, %dma_start3A_66] : memref<208896x64xf32, #tpu.memory_space<hbm>> -> memref<96x64xf32, #tpu.memory_space<hbm>>
    %dma_start3A_68 = arith.constant 0 : i32
    %dma_start3A_69 = tpu.memref_slice %arg4[%add3A_65, %dma_start3A_68] : memref<208896x64xf32, #tpu.memory_space<hbm>> -> memref<96x64xf32, #tpu.memory_space<hbm>>
    tpu.enqueue_dma source(%arg9 : memref<96x64xf32, #tpu.memory_space<vmem>>) target(%dma_start3A_69 : memref<96x64xf32, #tpu.memory_space<hbm>>) target_semaphore(%arg17 : memref<!tpu.dma_semaphore, #tpu.memory_space<semaphore_mem>>)
    %dma_wait3A_70 = arith.constant 0 : i32
    %dma_wait3A_71 = tpu.memref_slice %arg5[%dma_wait3A_70] : memref<6528xi32, #tpu.memory_space<vmem>> -> memref<96xi32, #tpu.memory_space<vmem>>
    %dma_wait3A_72 = arith.constant 0 : i32
    %dma_wait3A_73 = arith.constant 0 : i32
    %dma_wait3A_74 = tpu.memref_slice %arg3[%dma_wait3A_72, %dma_wait3A_73] : memref<1015808x64xf32, #tpu.memory_space<hbm>> -> memref<1015808x64xf32, #tpu.memory_space<hbm>>
    tpu.wait_indirect_dma semaphore(%arg14 : memref<!tpu.dma_semaphore, #tpu.memory_space<semaphore_mem>>) src(%dma_wait3A_74 : memref<1015808x64xf32, #tpu.memory_space<hbm>>) dst(%arg6 : memref<96x64xf32, #tpu.memory_space<vmem>>)
    %dma_wait3A_75 = arith.constant 0 : i32
    %dma_wait3A_76 = tpu.memref_slice %arg5[%dma_wait3A_75] : memref<6528xi32, #tpu.memory_space<vmem>> -> memref<96xi32, #tpu.memory_space<vmem>>
    %dma_wait3A_77 = arith.constant 0 : i32
    %dma_wait3A_78 = arith.constant 0 : i32
    %dma_wait3A_79 = tpu.memref_slice %arg3[%dma_wait3A_77, %dma_wait3A_78] : memref<1015808x64xf32, #tpu.memory_space<hbm>> -> memref<1015808x64xf32, #tpu.memory_space<hbm>>
    tpu.wait_indirect_dma semaphore(%arg15 : memref<!tpu.dma_semaphore, #tpu.memory_space<semaphore_mem>>) src(%dma_wait3A_79 : memref<1015808x64xf32, #tpu.memory_space<hbm>>) dst(%arg7 : memref<96x64xf32, #tpu.memory_space<vmem>>)
    %dma_wait3A_80 = arith.constant 0 : i32
    %dma_wait3A_81 = tpu.memref_slice %arg5[%dma_wait3A_80] : memref<6528xi32, #tpu.memory_space<vmem>> -> memref<96xi32, #tpu.memory_space<vmem>>
    %dma_wait3A_82 = arith.constant 0 : i32
    %dma_wait3A_83 = arith.constant 0 : i32
    %dma_wait3A_84 = tpu.memref_slice %arg3[%dma_wait3A_82, %dma_wait3A_83] : memref<1015808x64xf32, #tpu.memory_space<hbm>> -> memref<1015808x64xf32, #tpu.memory_space<hbm>>
    tpu.wait_indirect_dma semaphore(%arg16 : memref<!tpu.dma_semaphore, #tpu.memory_space<semaphore_mem>>) src(%dma_wait3A_84 : memref<1015808x64xf32, #tpu.memory_space<hbm>>) dst(%arg8 : memref<96x64xf32, #tpu.memory_space<vmem>>)
    %dma_wait3A_85 = arith.constant 0 : i32
    %dma_wait3A_86 = tpu.memref_slice %arg5[%dma_wait3A_85] : memref<6528xi32, #tpu.memory_space<vmem>> -> memref<96xi32, #tpu.memory_space<vmem>>
    %dma_wait3A_87 = arith.constant 0 : i32
    %dma_wait3A_88 = arith.constant 0 : i32
    %dma_wait3A_89 = tpu.memref_slice %arg3[%dma_wait3A_87, %dma_wait3A_88] : memref<1015808x64xf32, #tpu.memory_space<hbm>> -> memref<1015808x64xf32, #tpu.memory_space<hbm>>
    tpu.wait_indirect_dma semaphore(%arg17 : memref<!tpu.dma_semaphore, #tpu.memory_space<semaphore_mem>>) src(%dma_wait3A_89 : memref<1015808x64xf32, #tpu.memory_space<hbm>>) dst(%arg9 : memref<96x64xf32, #tpu.memory_space<vmem>>)
    return
  }
}

#map = affine_map<(d0, d1) -> (0)>
#map1 = affine_map<(d0, d1) -> (0, 0)>
module attributes {stable_mosaic.version = 14 : i64} {
  func.func @sc_gather(%arg0: i32, %arg1: i32, %arg2: memref<208896xi32, #tpu.memory_space<hbm>>, %arg3: memref<1015808x64xf32, #tpu.memory_space<hbm>>, %arg4: memref<208896x64xf32, #tpu.memory_space<hbm>>, %arg5: memref<6528xi32, #tpu.memory_space<vmem>>, %arg6: memref<96x64xf32, #tpu.memory_space<vmem>>, %arg7: memref<96x64xf32, #tpu.memory_space<vmem>>, %arg8: memref<96x64xf32, #tpu.memory_space<vmem>>, %arg9: memref<96x64xf32, #tpu.memory_space<vmem>>, %arg10: memref<!tpu.dma_semaphore, #tpu.memory_space<semaphore_mem>>, %arg11: memref<!tpu.dma_semaphore, #tpu.memory_space<semaphore_mem>>, %arg12: memref<!tpu.dma_semaphore, #tpu.memory_space<semaphore_mem>>, %arg13: memref<!tpu.dma_semaphore, #tpu.memory_space<semaphore_mem>>, %arg14: memref<!tpu.dma_semaphore, #tpu.memory_space<semaphore_mem>>, %arg15: memref<!tpu.dma_semaphore, #tpu.memory_space<semaphore_mem>>, %arg16: memref<!tpu.dma_semaphore, #tpu.memory_space<semaphore_mem>>, %arg17: memref<!tpu.dma_semaphore, #tpu.memory_space<semaphore_mem>>) attributes {dimension_semantics = [#tpu.dimension_semantics<core_parallel>, #tpu.dimension_semantics<subcore_parallel>], iteration_bounds = array<i64: 2, 16>, scalar_prefetch = 0 : i64, scratch_operands = 13 : i64, tpu.core_type = #tpu.core_type<sc_vector_subcore>, window_params = [{transform_indices = #map}, {transform_indices = #map1}, {transform_indices = #map1}]} {
    %mul3A = arith.constant 2 : i32
    %mul3A_0 = arith.muli %arg1, %mul3A : i32
    %add3A = arith.addi %mul3A_0, %arg0 : i32
    %mul3A_1 = arith.constant 6528 : i32
    %mul3A_2 = arith.muli %add3A, %mul3A_1 : i32
    "tpu.region"() ({
      %run_scoped3A = tpu.sem_alloc : memref<!tpu.dma_semaphore, #tpu.memory_space<semaphore_mem>>
      %dma_start3A_90 = tpu.memref_slice %arg2[%mul3A_2] : memref<208896xi32, #tpu.memory_space<hbm>> -> memref<6528xi32, #tpu.memory_space<hbm>>
      %dma_start3A_91 = tpu.memref_slice %arg2[%mul3A_2] : memref<208896xi32, #tpu.memory_space<hbm>> -> memref<6528xi32, #tpu.memory_space<hbm>>
      tpu.enqueue_dma source(%dma_start3A_91 : memref<6528xi32, #tpu.memory_space<hbm>>) target(%arg5 : memref<6528xi32, #tpu.memory_space<vmem>>) target_semaphore(%run_scoped3A : memref<!tpu.dma_semaphore, #tpu.memory_space<semaphore_mem>>)
      %dma_wait3A_92 = tpu.memref_slice %arg2[%mul3A_2] : memref<208896xi32, #tpu.memory_space<hbm>> -> memref<6528xi32, #tpu.memory_space<hbm>>
      %dma_wait3A_93 = tpu.memref_slice %arg2[%mul3A_2] : memref<208896xi32, #tpu.memory_space<hbm>> -> memref<6528xi32, #tpu.memory_space<hbm>>
      tpu.wait_dma2 semaphore(%run_scoped3A : memref<!tpu.dma_semaphore, #tpu.memory_space<semaphore_mem>>) src(%dma_wait3A_93 : memref<6528xi32, #tpu.memory_space<hbm>>) dst(%arg5 : memref<6528xi32, #tpu.memory_space<vmem>>)
      tpu.yield
    }) : () -> ()
    %dma_start3A = arith.constant 0 : i32
    %dma_start3A_3 = tpu.memref_slice %arg5[%dma_start3A] : memref<6528xi32, #tpu.memory_space<vmem>> -> memref<96xi32, #tpu.memory_space<vmem>>
    %dma_start3A_4 = arith.constant 0 : i32
    %dma_start3A_5 = arith.constant 0 : i32
    %dma_start3A_6 = tpu.memref_slice %arg3[%dma_start3A_4, %dma_start3A_5] : memref<1015808x64xf32, #tpu.memory_space<hbm>> -> memref<1015808x64xf32, #tpu.memory_space<hbm>>
    tpu.enqueue_indirect_dma source(%dma_start3A_6 : memref<1015808x64xf32, #tpu.memory_space<hbm>>) target(%arg6 : memref<96x64xf32, #tpu.memory_space<vmem>>) offsets(%dma_start3A_3 : memref<96xi32, #tpu.memory_space<vmem>>) semaphore(%arg10 : memref<!tpu.dma_semaphore, #tpu.memory_space<semaphore_mem>>)
    %dma_start3A_7 = arith.constant 96 : i32
    %dma_start3A_8 = tpu.memref_slice %arg5[%dma_start3A_7] : memref<6528xi32, #tpu.memory_space<vmem>> -> memref<96xi32, #tpu.memory_space<vmem>>
    %dma_start3A_9 = arith.constant 0 : i32
    %dma_start3A_10 = arith.constant 0 : i32
    %dma_start3A_11 = tpu.memref_slice %arg3[%dma_start3A_9, %dma_start3A_10] : memref<1015808x64xf32, #tpu.memory_space<hbm>> -> memref<1015808x64xf32, #tpu.memory_space<hbm>>
    tpu.enqueue_indirect_dma source(%dma_start3A_11 : memref<1015808x64xf32, #tpu.memory_space<hbm>>) target(%arg7 : memref<96x64xf32, #tpu.memory_space<vmem>>) offsets(%dma_start3A_8 : memref<96xi32, #tpu.memory_space<vmem>>) semaphore(%arg11 : memref<!tpu.dma_semaphore, #tpu.memory_space<semaphore_mem>>)
    %dma_wait3A = arith.constant 0 : i32
    %dma_wait3A_12 = tpu.memref_slice %arg5[%dma_wait3A] : memref<6528xi32, #tpu.memory_space<vmem>> -> memref<96xi32, #tpu.memory_space<vmem>>
    %dma_wait3A_13 = arith.constant 0 : i32
    %dma_wait3A_14 = arith.constant 0 : i32
    %dma_wait3A_15 = tpu.memref_slice %arg3[%dma_wait3A_13, %dma_wait3A_14] : memref<1015808x64xf32, #tpu.memory_space<hbm>> -> memref<1015808x64xf32, #tpu.memory_space<hbm>>
    tpu.wait_indirect_dma semaphore(%arg10 : memref<!tpu.dma_semaphore, #tpu.memory_space<semaphore_mem>>) src(%dma_wait3A_15 : memref<1015808x64xf32, #tpu.memory_space<hbm>>) dst(%arg6 : memref<96x64xf32, #tpu.memory_space<vmem>>)
    %add3A_16 = arith.constant 0 : i32
    %add3A_17 = arith.addi %mul3A_2, %add3A_16 : i32
    %dma_start3A_18 = arith.constant 0 : i32
    %dma_start3A_19 = tpu.memref_slice %arg4[%add3A_17, %dma_start3A_18] : memref<208896x64xf32, #tpu.memory_space<hbm>> -> memref<96x64xf32, #tpu.memory_space<hbm>>
    %dma_start3A_20 = arith.constant 0 : i32
    %dma_start3A_21 = tpu.memref_slice %arg4[%add3A_17, %dma_start3A_20] : memref<208896x64xf32, #tpu.memory_space<hbm>> -> memref<96x64xf32, #tpu.memory_space<hbm>>
    tpu.enqueue_dma source(%arg6 : memref<96x64xf32, #tpu.memory_space<vmem>>) target(%dma_start3A_21 : memref<96x64xf32, #tpu.memory_space<hbm>>) target_semaphore(%arg14 : memref<!tpu.dma_semaphore, #tpu.memory_space<semaphore_mem>>)
    %dma_start3A_22 = arith.constant 192 : i32
    %dma_start3A_23 = tpu.memref_slice %arg5[%dma_start3A_22] : memref<6528xi32, #tpu.memory_space<vmem>> -> memref<96xi32, #tpu.memory_space<vmem>>
    %dma_start3A_24 = arith.constant 0 : i32
    %dma_start3A_25 = arith.constant 0 : i32
    %dma_start3A_26 = tpu.memref_slice %arg3[%dma_start3A_24, %dma_start3A_25] : memref<1015808x64xf32, #tpu.memory_space<hbm>> -> memref<1015808x64xf32, #tpu.memory_space<hbm>>
    tpu.enqueue_indirect_dma source(%dma_start3A_26 : memref<1015808x64xf32, #tpu.memory_space<hbm>>) target(%arg8 : memref<96x64xf32, #tpu.memory_space<vmem>>) offsets(%dma_start3A_23 : memref<96xi32, #tpu.memory_space<vmem>>) semaphore(%arg12 : memref<!tpu.dma_semaphore, #tpu.memory_space<semaphore_mem>>)
    %dma_wait3A_27 = arith.constant 0 : i32
    %dma_wait3A_28 = tpu.memref_slice %arg5[%dma_wait3A_27] : memref<6528xi32, #tpu.memory_space<vmem>> -> memref<96xi32, #tpu.memory_space<vmem>>
    %dma_wait3A_29 = arith.constant 0 : i32
    %dma_wait3A_30 = arith.constant 0 : i32
    %dma_wait3A_31 = tpu.memref_slice %arg3[%dma_wait3A_29, %dma_wait3A_30] : memref<1015808x64xf32, #tpu.memory_space<hbm>> -> memref<1015808x64xf32, #tpu.memory_space<hbm>>
    tpu.wait_indirect_dma semaphore(%arg11 : memref<!tpu.dma_semaphore, #tpu.memory_space<semaphore_mem>>) src(%dma_wait3A_31 : memref<1015808x64xf32, #tpu.memory_space<hbm>>) dst(%arg7 : memref<96x64xf32, #tpu.memory_space<vmem>>)
    %add3A_32 = arith.constant 96 : i32
    %add3A_33 = arith.addi %mul3A_2, %add3A_32 : i32
    %dma_start3A_34 = arith.constant 0 : i32
    %dma_start3A_35 = tpu.memref_slice %arg4[%add3A_33, %dma_start3A_34] : memref<208896x64xf32, #tpu.memory_space<hbm>> -> memref<96x64xf32, #tpu.memory_space<hbm>>
    %dma_start3A_36 = arith.constant 0 : i32
    %dma_start3A_37 = tpu.memref_slice %arg4[%add3A_33, %dma_start3A_36] : memref<208896x64xf32, #tpu.memory_space<hbm>> -> memref<96x64xf32, #tpu.memory_space<hbm>>
    tpu.enqueue_dma source(%arg7 : memref<96x64xf32, #tpu.memory_space<vmem>>) target(%dma_start3A_37 : memref<96x64xf32, #tpu.memory_space<hbm>>) target_semaphore(%arg15 : memref<!tpu.dma_semaphore, #tpu.memory_space<semaphore_mem>>)
    %dma_start3A_38 = arith.constant 288 : i32
    %dma_start3A_39 = tpu.memref_slice %arg5[%dma_start3A_38] : memref<6528xi32, #tpu.memory_space<vmem>> -> memref<96xi32, #tpu.memory_space<vmem>>
    %dma_start3A_40 = arith.constant 0 : i32
    %dma_start3A_41 = arith.constant 0 : i32
    %dma_start3A_42 = tpu.memref_slice %arg3[%dma_start3A_40, %dma_start3A_41] : memref<1015808x64xf32, #tpu.memory_space<hbm>> -> memref<1015808x64xf32, #tpu.memory_space<hbm>>
    tpu.enqueue_indirect_dma source(%dma_start3A_42 : memref<1015808x64xf32, #tpu.memory_space<hbm>>) target(%arg9 : memref<96x64xf32, #tpu.memory_space<vmem>>) offsets(%dma_start3A_39 : memref<96xi32, #tpu.memory_space<vmem>>) semaphore(%arg13 : memref<!tpu.dma_semaphore, #tpu.memory_space<semaphore_mem>>)
    %scan3A = arith.constant 0 : i32
    %scan3A_43 = arith.constant 0 : i32
    %scan3A_44 = arith.constant 16 : i32
    %scan3A_45 = arith.addi %scan3A_43, %scan3A_44 : i32
    %scan3A_46 = arith.constant 1 : i32
    scf.for %scan3A_90 = %scan3A_43 to %scan3A_45 step %scan3A_46  : i32 {
      %mul3A_91 = arith.constant 4 : i32
      %mul3A_92 = arith.muli %mul3A_91, %scan3A_90 : i32
      %add3A_93 = arith.constant 2 : i32
      %add3A_94 = arith.addi %add3A_93, %mul3A_92 : i32
      %add3A_95 = arith.constant 0 : i32
      %add3A_96 = arith.addi %add3A_94, %add3A_95 : i32
      %dma_wait3A_97 = arith.constant 0 : i32
      %dma_wait3A_98 = tpu.memref_slice %arg5[%dma_wait3A_97] : memref<6528xi32, #tpu.memory_space<vmem>> -> memref<96xi32, #tpu.memory_space<vmem>>
      %dma_wait3A_99 = arith.constant 0 : i32
      %dma_wait3A_100 = arith.constant 0 : i32
      %dma_wait3A_101 = tpu.memref_slice %arg3[%dma_wait3A_99, %dma_wait3A_100] : memref<1015808x64xf32, #tpu.memory_space<hbm>> -> memref<1015808x64xf32, #tpu.memory_space<hbm>>
      tpu.wait_indirect_dma semaphore(%arg12 : memref<!tpu.dma_semaphore, #tpu.memory_space<semaphore_mem>>) src(%dma_wait3A_101 : memref<1015808x64xf32, #tpu.memory_space<hbm>>) dst(%arg8 : memref<96x64xf32, #tpu.memory_space<vmem>>)
      %mul3A_102 = arith.constant 96 : i32
      %mul3A_103 = arith.muli %add3A_96, %mul3A_102 : i32
      %add3A_104 = arith.addi %mul3A_2, %mul3A_103 : i32
      %dma_start3A_105 = arith.constant 0 : i32
      %dma_start3A_106 = tpu.memref_slice %arg4[%add3A_104, %dma_start3A_105] : memref<208896x64xf32, #tpu.memory_space<hbm>> -> memref<96x64xf32, #tpu.memory_space<hbm>>
      %dma_start3A_107 = arith.constant 0 : i32
      %dma_start3A_108 = tpu.memref_slice %arg4[%add3A_104, %dma_start3A_107] : memref<208896x64xf32, #tpu.memory_space<hbm>> -> memref<96x64xf32, #tpu.memory_space<hbm>>
      tpu.enqueue_dma source(%arg8 : memref<96x64xf32, #tpu.memory_space<vmem>>) target(%dma_start3A_108 : memref<96x64xf32, #tpu.memory_space<hbm>>) target_semaphore(%arg16 : memref<!tpu.dma_semaphore, #tpu.memory_space<semaphore_mem>>)
      %dma_wait3A_109 = arith.constant 0 : i32
      %dma_wait3A_110 = tpu.memref_slice %arg5[%dma_wait3A_109] : memref<6528xi32, #tpu.memory_space<vmem>> -> memref<96xi32, #tpu.memory_space<vmem>>
      %dma_wait3A_111 = arith.constant 0 : i32
      %dma_wait3A_112 = arith.constant 0 : i32
      %dma_wait3A_113 = tpu.memref_slice %arg3[%dma_wait3A_111, %dma_wait3A_112] : memref<1015808x64xf32, #tpu.memory_space<hbm>> -> memref<1015808x64xf32, #tpu.memory_space<hbm>>
      tpu.wait_indirect_dma semaphore(%arg14 : memref<!tpu.dma_semaphore, #tpu.memory_space<semaphore_mem>>) src(%dma_wait3A_113 : memref<1015808x64xf32, #tpu.memory_space<hbm>>) dst(%arg6 : memref<96x64xf32, #tpu.memory_space<vmem>>)
      %add3A_114 = arith.constant 2 : i32
      %add3A_115 = arith.addi %add3A_96, %add3A_114 : i32
      %mul3A_116 = arith.constant 96 : i32
      %mul3A_117 = arith.muli %add3A_115, %mul3A_116 : i32
      %dma_start3A_118 = tpu.memref_slice %arg5[%mul3A_117] : memref<6528xi32, #tpu.memory_space<vmem>> -> memref<96xi32, #tpu.memory_space<vmem>>
      %dma_start3A_119 = arith.constant 0 : i32
      %dma_start3A_120 = arith.constant 0 : i32
      %dma_start3A_121 = tpu.memref_slice %arg3[%dma_start3A_119, %dma_start3A_120] : memref<1015808x64xf32, #tpu.memory_space<hbm>> -> memref<1015808x64xf32, #tpu.memory_space<hbm>>
      tpu.enqueue_indirect_dma source(%dma_start3A_121 : memref<1015808x64xf32, #tpu.memory_space<hbm>>) target(%arg6 : memref<96x64xf32, #tpu.memory_space<vmem>>) offsets(%dma_start3A_118 : memref<96xi32, #tpu.memory_space<vmem>>) semaphore(%arg10 : memref<!tpu.dma_semaphore, #tpu.memory_space<semaphore_mem>>)
      %mul3A_122 = arith.constant 4 : i32
      %mul3A_123 = arith.muli %mul3A_122, %scan3A_90 : i32
      %add3A_124 = arith.constant 2 : i32
      %add3A_125 = arith.addi %add3A_124, %mul3A_123 : i32
      %add3A_126 = arith.constant 1 : i32
      %add3A_127 = arith.addi %add3A_125, %add3A_126 : i32
      %dma_wait3A_128 = arith.constant 0 : i32
      %dma_wait3A_129 = tpu.memref_slice %arg5[%dma_wait3A_128] : memref<6528xi32, #tpu.memory_space<vmem>> -> memref<96xi32, #tpu.memory_space<vmem>>
      %dma_wait3A_130 = arith.constant 0 : i32
      %dma_wait3A_131 = arith.constant 0 : i32
      %dma_wait3A_132 = tpu.memref_slice %arg3[%dma_wait3A_130, %dma_wait3A_131] : memref<1015808x64xf32, #tpu.memory_space<hbm>> -> memref<1015808x64xf32, #tpu.memory_space<hbm>>
      tpu.wait_indirect_dma semaphore(%arg13 : memref<!tpu.dma_semaphore, #tpu.memory_space<semaphore_mem>>) src(%dma_wait3A_132 : memref<1015808x64xf32, #tpu.memory_space<hbm>>) dst(%arg9 : memref<96x64xf32, #tpu.memory_space<vmem>>)
      %mul3A_133 = arith.constant 96 : i32
      %mul3A_134 = arith.muli %add3A_127, %mul3A_133 : i32
      %add3A_135 = arith.addi %mul3A_2, %mul3A_134 : i32
      %dma_start3A_136 = arith.constant 0 : i32
      %dma_start3A_137 = tpu.memref_slice %arg4[%add3A_135, %dma_start3A_136] : memref<208896x64xf32, #tpu.memory_space<hbm>> -> memref<96x64xf32, #tpu.memory_space<hbm>>
      %dma_start3A_138 = arith.constant 0 : i32
      %dma_start3A_139 = tpu.memref_slice %arg4[%add3A_135, %dma_start3A_138] : memref<208896x64xf32, #tpu.memory_space<hbm>> -> memref<96x64xf32, #tpu.memory_space<hbm>>
      tpu.enqueue_dma source(%arg9 : memref<96x64xf32, #tpu.memory_space<vmem>>) target(%dma_start3A_139 : memref<96x64xf32, #tpu.memory_space<hbm>>) target_semaphore(%arg17 : memref<!tpu.dma_semaphore, #tpu.memory_space<semaphore_mem>>)
      %dma_wait3A_140 = arith.constant 0 : i32
      %dma_wait3A_141 = tpu.memref_slice %arg5[%dma_wait3A_140] : memref<6528xi32, #tpu.memory_space<vmem>> -> memref<96xi32, #tpu.memory_space<vmem>>
      %dma_wait3A_142 = arith.constant 0 : i32
      %dma_wait3A_143 = arith.constant 0 : i32
      %dma_wait3A_144 = tpu.memref_slice %arg3[%dma_wait3A_142, %dma_wait3A_143] : memref<1015808x64xf32, #tpu.memory_space<hbm>> -> memref<1015808x64xf32, #tpu.memory_space<hbm>>
      tpu.wait_indirect_dma semaphore(%arg15 : memref<!tpu.dma_semaphore, #tpu.memory_space<semaphore_mem>>) src(%dma_wait3A_144 : memref<1015808x64xf32, #tpu.memory_space<hbm>>) dst(%arg7 : memref<96x64xf32, #tpu.memory_space<vmem>>)
      %add3A_145 = arith.constant 2 : i32
      %add3A_146 = arith.addi %add3A_127, %add3A_145 : i32
      %mul3A_147 = arith.constant 96 : i32
      %mul3A_148 = arith.muli %add3A_146, %mul3A_147 : i32
      %dma_start3A_149 = tpu.memref_slice %arg5[%mul3A_148] : memref<6528xi32, #tpu.memory_space<vmem>> -> memref<96xi32, #tpu.memory_space<vmem>>
      %dma_start3A_150 = arith.constant 0 : i32
      %dma_start3A_151 = arith.constant 0 : i32
      %dma_start3A_152 = tpu.memref_slice %arg3[%dma_start3A_150, %dma_start3A_151] : memref<1015808x64xf32, #tpu.memory_space<hbm>> -> memref<1015808x64xf32, #tpu.memory_space<hbm>>
      tpu.enqueue_indirect_dma source(%dma_start3A_152 : memref<1015808x64xf32, #tpu.memory_space<hbm>>) target(%arg7 : memref<96x64xf32, #tpu.memory_space<vmem>>) offsets(%dma_start3A_149 : memref<96xi32, #tpu.memory_space<vmem>>) semaphore(%arg11 : memref<!tpu.dma_semaphore, #tpu.memory_space<semaphore_mem>>)
      %mul3A_153 = arith.constant 4 : i32
      %mul3A_154 = arith.muli %mul3A_153, %scan3A_90 : i32
      %add3A_155 = arith.constant 2 : i32
      %add3A_156 = arith.addi %add3A_155, %mul3A_154 : i32
      %add3A_157 = arith.constant 2 : i32
      %add3A_158 = arith.addi %add3A_156, %add3A_157 : i32
      %dma_wait3A_159 = arith.constant 0 : i32
      %dma_wait3A_160 = tpu.memref_slice %arg5[%dma_wait3A_159] : memref<6528xi32, #tpu.memory_space<vmem>> -> memref<96xi32, #tpu.memory_space<vmem>>
      %dma_wait3A_161 = arith.constant 0 : i32
      %dma_wait3A_162 = arith.constant 0 : i32
      %dma_wait3A_163 = tpu.memref_slice %arg3[%dma_wait3A_161, %dma_wait3A_162] : memref<1015808x64xf32, #tpu.memory_space<hbm>> -> memref<1015808x64xf32, #tpu.memory_space<hbm>>
      tpu.wait_indirect_dma semaphore(%arg10 : memref<!tpu.dma_semaphore, #tpu.memory_space<semaphore_mem>>) src(%dma_wait3A_163 : memref<1015808x64xf32, #tpu.memory_space<hbm>>) dst(%arg6 : memref<96x64xf32, #tpu.memory_space<vmem>>)
      %mul3A_164 = arith.constant 96 : i32
      %mul3A_165 = arith.muli %add3A_158, %mul3A_164 : i32
      %add3A_166 = arith.addi %mul3A_2, %mul3A_165 : i32
      %dma_start3A_167 = arith.constant 0 : i32
      %dma_start3A_168 = tpu.memref_slice %arg4[%add3A_166, %dma_start3A_167] : memref<208896x64xf32, #tpu.memory_space<hbm>> -> memref<96x64xf32, #tpu.memory_space<hbm>>
      %dma_start3A_169 = arith.constant 0 : i32
      %dma_start3A_170 = tpu.memref_slice %arg4[%add3A_166, %dma_start3A_169] : memref<208896x64xf32, #tpu.memory_space<hbm>> -> memref<96x64xf32, #tpu.memory_space<hbm>>
      tpu.enqueue_dma source(%arg6 : memref<96x64xf32, #tpu.memory_space<vmem>>) target(%dma_start3A_170 : memref<96x64xf32, #tpu.memory_space<hbm>>) target_semaphore(%arg14 : memref<!tpu.dma_semaphore, #tpu.memory_space<semaphore_mem>>)
      %dma_wait3A_171 = arith.constant 0 : i32
      %dma_wait3A_172 = tpu.memref_slice %arg5[%dma_wait3A_171] : memref<6528xi32, #tpu.memory_space<vmem>> -> memref<96xi32, #tpu.memory_space<vmem>>
      %dma_wait3A_173 = arith.constant 0 : i32
      %dma_wait3A_174 = arith.constant 0 : i32
      %dma_wait3A_175 = tpu.memref_slice %arg3[%dma_wait3A_173, %dma_wait3A_174] : memref<1015808x64xf32, #tpu.memory_space<hbm>> -> memref<1015808x64xf32, #tpu.memory_space<hbm>>
      tpu.wait_indirect_dma semaphore(%arg16 : memref<!tpu.dma_semaphore, #tpu.memory_space<semaphore_mem>>) src(%dma_wait3A_175 : memref<1015808x64xf32, #tpu.memory_space<hbm>>) dst(%arg8 : memref<96x64xf32, #tpu.memory_space<vmem>>)
      %add3A_176 = arith.constant 2 : i32
      %add3A_177 = arith.addi %add3A_158, %add3A_176 : i32
      %mul3A_178 = arith.constant 96 : i32
      %mul3A_179 = arith.muli %add3A_177, %mul3A_178 : i32
      %dma_start3A_180 = tpu.memref_slice %arg5[%mul3A_179] : memref<6528xi32, #tpu.memory_space<vmem>> -> memref<96xi32, #tpu.memory_space<vmem>>
      %dma_start3A_181 = arith.constant 0 : i32
      %dma_start3A_182 = arith.constant 0 : i32
      %dma_start3A_183 = tpu.memref_slice %arg3[%dma_start3A_181, %dma_start3A_182] : memref<1015808x64xf32, #tpu.memory_space<hbm>> -> memref<1015808x64xf32, #tpu.memory_space<hbm>>
      tpu.enqueue_indirect_dma source(%dma_start3A_183 : memref<1015808x64xf32, #tpu.memory_space<hbm>>) target(%arg8 : memref<96x64xf32, #tpu.memory_space<vmem>>) offsets(%dma_start3A_180 : memref<96xi32, #tpu.memory_space<vmem>>) semaphore(%arg12 : memref<!tpu.dma_semaphore, #tpu.memory_space<semaphore_mem>>)
      %mul3A_184 = arith.constant 4 : i32
      %mul3A_185 = arith.muli %mul3A_184, %scan3A_90 : i32
      %add3A_186 = arith.constant 2 : i32
      %add3A_187 = arith.addi %add3A_186, %mul3A_185 : i32
      %add3A_188 = arith.constant 3 : i32
      %add3A_189 = arith.addi %add3A_187, %add3A_188 : i32
      %dma_wait3A_190 = arith.constant 0 : i32
      %dma_wait3A_191 = tpu.memref_slice %arg5[%dma_wait3A_190] : memref<6528xi32, #tpu.memory_space<vmem>> -> memref<96xi32, #tpu.memory_space<vmem>>
      %dma_wait3A_192 = arith.constant 0 : i32
      %dma_wait3A_193 = arith.constant 0 : i32
      %dma_wait3A_194 = tpu.memref_slice %arg3[%dma_wait3A_192, %dma_wait3A_193] : memref<1015808x64xf32, #tpu.memory_space<hbm>> -> memref<1015808x64xf32, #tpu.memory_space<hbm>>
      tpu.wait_indirect_dma semaphore(%arg11 : memref<!tpu.dma_semaphore, #tpu.memory_space<semaphore_mem>>) src(%dma_wait3A_194 : memref<1015808x64xf32, #tpu.memory_space<hbm>>) dst(%arg7 : memref<96x64xf32, #tpu.memory_space<vmem>>)
      %mul3A_195 = arith.constant 96 : i32
      %mul3A_196 = arith.muli %add3A_189, %mul3A_195 : i32
      %add3A_197 = arith.addi %mul3A_2, %mul3A_196 : i32
      %dma_start3A_198 = arith.constant 0 : i32
      %dma_start3A_199 = tpu.memref_slice %arg4[%add3A_197, %dma_start3A_198] : memref<208896x64xf32, #tpu.memory_space<hbm>> -> memref<96x64xf32, #tpu.memory_space<hbm>>
      %dma_start3A_200 = arith.constant 0 : i32
      %dma_start3A_201 = tpu.memref_slice %arg4[%add3A_197, %dma_start3A_200] : memref<208896x64xf32, #tpu.memory_space<hbm>> -> memref<96x64xf32, #tpu.memory_space<hbm>>
      tpu.enqueue_dma source(%arg7 : memref<96x64xf32, #tpu.memory_space<vmem>>) target(%dma_start3A_201 : memref<96x64xf32, #tpu.memory_space<hbm>>) target_semaphore(%arg15 : memref<!tpu.dma_semaphore, #tpu.memory_space<semaphore_mem>>)
      %dma_wait3A_202 = arith.constant 0 : i32
      %dma_wait3A_203 = tpu.memref_slice %arg5[%dma_wait3A_202] : memref<6528xi32, #tpu.memory_space<vmem>> -> memref<96xi32, #tpu.memory_space<vmem>>
      %dma_wait3A_204 = arith.constant 0 : i32
      %dma_wait3A_205 = arith.constant 0 : i32
      %dma_wait3A_206 = tpu.memref_slice %arg3[%dma_wait3A_204, %dma_wait3A_205] : memref<1015808x64xf32, #tpu.memory_space<hbm>> -> memref<1015808x64xf32, #tpu.memory_space<hbm>>
      tpu.wait_indirect_dma semaphore(%arg17 : memref<!tpu.dma_semaphore, #tpu.memory_space<semaphore_mem>>) src(%dma_wait3A_206 : memref<1015808x64xf32, #tpu.memory_space<hbm>>) dst(%arg9 : memref<96x64xf32, #tpu.memory_space<vmem>>)
      %add3A_207 = arith.constant 2 : i32
      %add3A_208 = arith.addi %add3A_189, %add3A_207 : i32
      %mul3A_209 = arith.constant 96 : i32
      %mul3A_210 = arith.muli %add3A_208, %mul3A_209 : i32
      %dma_start3A_211 = tpu.memref_slice %arg5[%mul3A_210] : memref<6528xi32, #tpu.memory_space<vmem>> -> memref<96xi32, #tpu.memory_space<vmem>>
      %dma_start3A_212 = arith.constant 0 : i32
      %dma_start3A_213 = arith.constant 0 : i32
      %dma_start3A_214 = tpu.memref_slice %arg3[%dma_start3A_212, %dma_start3A_213] : memref<1015808x64xf32, #tpu.memory_space<hbm>> -> memref<1015808x64xf32, #tpu.memory_space<hbm>>
      tpu.enqueue_indirect_dma source(%dma_start3A_214 : memref<1015808x64xf32, #tpu.memory_space<hbm>>) target(%arg9 : memref<96x64xf32, #tpu.memory_space<vmem>>) offsets(%dma_start3A_211 : memref<96xi32, #tpu.memory_space<vmem>>) semaphore(%arg13 : memref<!tpu.dma_semaphore, #tpu.memory_space<semaphore_mem>>)
    }
    %scan3A_47 = arith.constant 16 : i32
    %dma_wait3A_48 = arith.constant 0 : i32
    %dma_wait3A_49 = tpu.memref_slice %arg5[%dma_wait3A_48] : memref<6528xi32, #tpu.memory_space<vmem>> -> memref<96xi32, #tpu.memory_space<vmem>>
    %dma_wait3A_50 = arith.constant 0 : i32
    %dma_wait3A_51 = arith.constant 0 : i32
    %dma_wait3A_52 = tpu.memref_slice %arg3[%dma_wait3A_50, %dma_wait3A_51] : memref<1015808x64xf32, #tpu.memory_space<hbm>> -> memref<1015808x64xf32, #tpu.memory_space<hbm>>
    tpu.wait_indirect_dma semaphore(%arg12 : memref<!tpu.dma_semaphore, #tpu.memory_space<semaphore_mem>>) src(%dma_wait3A_52 : memref<1015808x64xf32, #tpu.memory_space<hbm>>) dst(%arg8 : memref<96x64xf32, #tpu.memory_space<vmem>>)
    %add3A_53 = arith.constant 6336 : i32
    %add3A_54 = arith.addi %mul3A_2, %add3A_53 : i32
    %dma_start3A_55 = arith.constant 0 : i32
    %dma_start3A_56 = tpu.memref_slice %arg4[%add3A_54, %dma_start3A_55] : memref<208896x64xf32, #tpu.memory_space<hbm>> -> memref<96x64xf32, #tpu.memory_space<hbm>>
    %dma_start3A_57 = arith.constant 0 : i32
    %dma_start3A_58 = tpu.memref_slice %arg4[%add3A_54, %dma_start3A_57] : memref<208896x64xf32, #tpu.memory_space<hbm>> -> memref<96x64xf32, #tpu.memory_space<hbm>>
    tpu.enqueue_dma source(%arg8 : memref<96x64xf32, #tpu.memory_space<vmem>>) target(%dma_start3A_58 : memref<96x64xf32, #tpu.memory_space<hbm>>) target_semaphore(%arg16 : memref<!tpu.dma_semaphore, #tpu.memory_space<semaphore_mem>>)
    %dma_wait3A_59 = arith.constant 0 : i32
    %dma_wait3A_60 = tpu.memref_slice %arg5[%dma_wait3A_59] : memref<6528xi32, #tpu.memory_space<vmem>> -> memref<96xi32, #tpu.memory_space<vmem>>
    %dma_wait3A_61 = arith.constant 0 : i32
    %dma_wait3A_62 = arith.constant 0 : i32
    %dma_wait3A_63 = tpu.memref_slice %arg3[%dma_wait3A_61, %dma_wait3A_62] : memref<1015808x64xf32, #tpu.memory_space<hbm>> -> memref<1015808x64xf32, #tpu.memory_space<hbm>>
    tpu.wait_indirect_dma semaphore(%arg13 : memref<!tpu.dma_semaphore, #tpu.memory_space<semaphore_mem>>) src(%dma_wait3A_63 : memref<1015808x64xf32, #tpu.memory_space<hbm>>) dst(%arg9 : memref<96x64xf32, #tpu.memory_space<vmem>>)
    %add3A_64 = arith.constant 6432 : i32
    %add3A_65 = arith.addi %mul3A_2, %add3A_64 : i32
    %dma_start3A_66 = arith.constant 0 : i32
    %dma_start3A_67 = tpu.memref_slice %arg4[%add3A_65, %dma_start3A_66] : memref<208896x64xf32, #tpu.memory_space<hbm>> -> memref<96x64xf32, #tpu.memory_space<hbm>>
    %dma_start3A_68 = arith.constant 0 : i32
    %dma_start3A_69 = tpu.memref_slice %arg4[%add3A_65, %dma_start3A_68] : memref<208896x64xf32, #tpu.memory_space<hbm>> -> memref<96x64xf32, #tpu.memory_space<hbm>>
    tpu.enqueue_dma source(%arg9 : memref<96x64xf32, #tpu.memory_space<vmem>>) target(%dma_start3A_69 : memref<96x64xf32, #tpu.memory_space<hbm>>) target_semaphore(%arg17 : memref<!tpu.dma_semaphore, #tpu.memory_space<semaphore_mem>>)
    %dma_wait3A_70 = arith.constant 0 : i32
    %dma_wait3A_71 = tpu.memref_slice %arg5[%dma_wait3A_70] : memref<6528xi32, #tpu.memory_space<vmem>> -> memref<96xi32, #tpu.memory_space<vmem>>
    %dma_wait3A_72 = arith.constant 0 : i32
    %dma_wait3A_73 = arith.constant 0 : i32
    %dma_wait3A_74 = tpu.memref_slice %arg3[%dma_wait3A_72, %dma_wait3A_73] : memref<1015808x64xf32, #tpu.memory_space<hbm>> -> memref<1015808x64xf32, #tpu.memory_space<hbm>>
    tpu.wait_indirect_dma semaphore(%arg14 : memref<!tpu.dma_semaphore, #tpu.memory_space<semaphore_mem>>) src(%dma_wait3A_74 : memref<1015808x64xf32, #tpu.memory_space<hbm>>) dst(%arg6 : memref<96x64xf32, #tpu.memory_space<vmem>>)
    %dma_wait3A_75 = arith.constant 0 : i32
    %dma_wait3A_76 = tpu.memref_slice %arg5[%dma_wait3A_75] : memref<6528xi32, #tpu.memory_space<vmem>> -> memref<96xi32, #tpu.memory_space<vmem>>
    %dma_wait3A_77 = arith.constant 0 : i32
    %dma_wait3A_78 = arith.constant 0 : i32
    %dma_wait3A_79 = tpu.memref_slice %arg3[%dma_wait3A_77, %dma_wait3A_78] : memref<1015808x64xf32, #tpu.memory_space<hbm>> -> memref<1015808x64xf32, #tpu.memory_space<hbm>>
    tpu.wait_indirect_dma semaphore(%arg15 : memref<!tpu.dma_semaphore, #tpu.memory_space<semaphore_mem>>) src(%dma_wait3A_79 : memref<1015808x64xf32, #tpu.memory_space<hbm>>) dst(%arg7 : memref<96x64xf32, #tpu.memory_space<vmem>>)
    %dma_wait3A_80 = arith.constant 0 : i32
    %dma_wait3A_81 = tpu.memref_slice %arg5[%dma_wait3A_80] : memref<6528xi32, #tpu.memory_space<vmem>> -> memref<96xi32, #tpu.memory_space<vmem>>
    %dma_wait3A_82 = arith.constant 0 : i32
    %dma_wait3A_83 = arith.constant 0 : i32
    %dma_wait3A_84 = tpu.memref_slice %arg3[%dma_wait3A_82, %dma_wait3A_83] : memref<1015808x64xf32, #tpu.memory_space<hbm>> -> memref<1015808x64xf32, #tpu.memory_space<hbm>>
    tpu.wait_indirect_dma semaphore(%arg16 : memref<!tpu.dma_semaphore, #tpu.memory_space<semaphore_mem>>) src(%dma_wait3A_84 : memref<1015808x64xf32, #tpu.memory_space<hbm>>) dst(%arg8 : memref<96x64xf32, #tpu.memory_space<vmem>>)
    %dma_wait3A_85 = arith.constant 0 : i32
    %dma_wait3A_86 = tpu.memref_slice %arg5[%dma_wait3A_85] : memref<6528xi32, #tpu.memory_space<vmem>> -> memref<96xi32, #tpu.memory_space<vmem>>
    %dma_wait3A_87 = arith.constant 0 : i32
    %dma_wait3A_88 = arith.constant 0 : i32
    %dma_wait3A_89 = tpu.memref_slice %arg3[%dma_wait3A_87, %dma_wait3A_88] : memref<1015808x64xf32, #tpu.memory_space<hbm>> -> memref<1015808x64xf32, #tpu.memory_space<hbm>>
    tpu.wait_indirect_dma semaphore(%arg17 : memref<!tpu.dma_semaphore, #tpu.memory_space<semaphore_mem>>) src(%dma_wait3A_89 : memref<1015808x64xf32, #tpu.memory_space<hbm>>) dst(%arg9 : memref<96x64xf32, #tpu.memory_space<vmem>>)
    return
  }
}

#map = affine_map<(d0, d1) -> (0)>
#map1 = affine_map<(d0, d1) -> (0, 0)>
module attributes {stable_mosaic.version = 14 : i64} {
  func.func @sc_gather(%arg0: i32, %arg1: i32, %arg2: memref<208896xi32, #tpu.memory_space<hbm>>, %arg3: memref<1015808x64xf32, #tpu.memory_space<hbm>>, %arg4: memref<208896x64xf32, #tpu.memory_space<hbm>>, %arg5: memref<6528xi32, #tpu.memory_space<vmem>>, %arg6: memref<96x64xf32, #tpu.memory_space<vmem>>, %arg7: memref<96x64xf32, #tpu.memory_space<vmem>>, %arg8: memref<96x64xf32, #tpu.memory_space<vmem>>, %arg9: memref<96x64xf32, #tpu.memory_space<vmem>>, %arg10: memref<!tpu.dma_semaphore, #tpu.memory_space<semaphore_mem>>, %arg11: memref<!tpu.dma_semaphore, #tpu.memory_space<semaphore_mem>>, %arg12: memref<!tpu.dma_semaphore, #tpu.memory_space<semaphore_mem>>, %arg13: memref<!tpu.dma_semaphore, #tpu.memory_space<semaphore_mem>>, %arg14: memref<!tpu.dma_semaphore, #tpu.memory_space<semaphore_mem>>, %arg15: memref<!tpu.dma_semaphore, #tpu.memory_space<semaphore_mem>>, %arg16: memref<!tpu.dma_semaphore, #tpu.memory_space<semaphore_mem>>, %arg17: memref<!tpu.dma_semaphore, #tpu.memory_space<semaphore_mem>>) attributes {dimension_semantics = [#tpu.dimension_semantics<core_parallel>, #tpu.dimension_semantics<subcore_parallel>], iteration_bounds = array<i64: 2, 16>, scalar_prefetch = 0 : i64, scratch_operands = 13 : i64, tpu.core_type = #tpu.core_type<sc_vector_subcore>, window_params = [{transform_indices = #map}, {transform_indices = #map1}, {transform_indices = #map1}]} {
    %mul3A = arith.constant 2 : i32
    %mul3A_0 = arith.muli %arg1, %mul3A : i32
    %add3A = arith.addi %mul3A_0, %arg0 : i32
    %mul3A_1 = arith.constant 6528 : i32
    %mul3A_2 = arith.muli %add3A, %mul3A_1 : i32
    "tpu.region"() ({
      %run_scoped3A = tpu.sem_alloc : memref<!tpu.dma_semaphore, #tpu.memory_space<semaphore_mem>>
      %dma_start3A_90 = tpu.memref_slice %arg2[%mul3A_2] : memref<208896xi32, #tpu.memory_space<hbm>> -> memref<6528xi32, #tpu.memory_space<hbm>>
      %dma_start3A_91 = tpu.memref_slice %arg2[%mul3A_2] : memref<208896xi32, #tpu.memory_space<hbm>> -> memref<6528xi32, #tpu.memory_space<hbm>>
      tpu.enqueue_dma source(%dma_start3A_91 : memref<6528xi32, #tpu.memory_space<hbm>>) target(%arg5 : memref<6528xi32, #tpu.memory_space<vmem>>) target_semaphore(%run_scoped3A : memref<!tpu.dma_semaphore, #tpu.memory_space<semaphore_mem>>)
      %dma_wait3A_92 = tpu.memref_slice %arg2[%mul3A_2] : memref<208896xi32, #tpu.memory_space<hbm>> -> memref<6528xi32, #tpu.memory_space<hbm>>
      %dma_wait3A_93 = tpu.memref_slice %arg2[%mul3A_2] : memref<208896xi32, #tpu.memory_space<hbm>> -> memref<6528xi32, #tpu.memory_space<hbm>>
      tpu.wait_dma2 semaphore(%run_scoped3A : memref<!tpu.dma_semaphore, #tpu.memory_space<semaphore_mem>>) src(%dma_wait3A_93 : memref<6528xi32, #tpu.memory_space<hbm>>) dst(%arg5 : memref<6528xi32, #tpu.memory_space<vmem>>)
      tpu.yield
    }) : () -> ()
    %dma_start3A = arith.constant 0 : i32
    %dma_start3A_3 = tpu.memref_slice %arg5[%dma_start3A] : memref<6528xi32, #tpu.memory_space<vmem>> -> memref<96xi32, #tpu.memory_space<vmem>>
    %dma_start3A_4 = arith.constant 0 : i32
    %dma_start3A_5 = arith.constant 0 : i32
    %dma_start3A_6 = tpu.memref_slice %arg3[%dma_start3A_4, %dma_start3A_5] : memref<1015808x64xf32, #tpu.memory_space<hbm>> -> memref<1015808x64xf32, #tpu.memory_space<hbm>>
    tpu.enqueue_indirect_dma source(%dma_start3A_6 : memref<1015808x64xf32, #tpu.memory_space<hbm>>) target(%arg6 : memref<96x64xf32, #tpu.memory_space<vmem>>) offsets(%dma_start3A_3 : memref<96xi32, #tpu.memory_space<vmem>>) semaphore(%arg10 : memref<!tpu.dma_semaphore, #tpu.memory_space<semaphore_mem>>)
    %dma_start3A_7 = arith.constant 96 : i32
    %dma_start3A_8 = tpu.memref_slice %arg5[%dma_start3A_7] : memref<6528xi32, #tpu.memory_space<vmem>> -> memref<96xi32, #tpu.memory_space<vmem>>
    %dma_start3A_9 = arith.constant 0 : i32
    %dma_start3A_10 = arith.constant 0 : i32
    %dma_start3A_11 = tpu.memref_slice %arg3[%dma_start3A_9, %dma_start3A_10] : memref<1015808x64xf32, #tpu.memory_space<hbm>> -> memref<1015808x64xf32, #tpu.memory_space<hbm>>
    tpu.enqueue_indirect_dma source(%dma_start3A_11 : memref<1015808x64xf32, #tpu.memory_space<hbm>>) target(%arg7 : memref<96x64xf32, #tpu.memory_space<vmem>>) offsets(%dma_start3A_8 : memref<96xi32, #tpu.memory_space<vmem>>) semaphore(%arg11 : memref<!tpu.dma_semaphore, #tpu.memory_space<semaphore_mem>>)
    %dma_wait3A = arith.constant 0 : i32
    %dma_wait3A_12 = tpu.memref_slice %arg5[%dma_wait3A] : memref<6528xi32, #tpu.memory_space<vmem>> -> memref<96xi32, #tpu.memory_space<vmem>>
    %dma_wait3A_13 = arith.constant 0 : i32
    %dma_wait3A_14 = arith.constant 0 : i32
    %dma_wait3A_15 = tpu.memref_slice %arg3[%dma_wait3A_13, %dma_wait3A_14] : memref<1015808x64xf32, #tpu.memory_space<hbm>> -> memref<1015808x64xf32, #tpu.memory_space<hbm>>
    tpu.wait_indirect_dma semaphore(%arg10 : memref<!tpu.dma_semaphore, #tpu.memory_space<semaphore_mem>>) src(%dma_wait3A_15 : memref<1015808x64xf32, #tpu.memory_space<hbm>>) dst(%arg6 : memref<96x64xf32, #tpu.memory_space<vmem>>)
    %add3A_16 = arith.constant 0 : i32
    %add3A_17 = arith.addi %mul3A_2, %add3A_16 : i32
    %dma_start3A_18 = arith.constant 0 : i32
    %dma_start3A_19 = tpu.memref_slice %arg4[%add3A_17, %dma_start3A_18] : memref<208896x64xf32, #tpu.memory_space<hbm>> -> memref<96x64xf32, #tpu.memory_space<hbm>>
    %dma_start3A_20 = arith.constant 0 : i32
    %dma_start3A_21 = tpu.memref_slice %arg4[%add3A_17, %dma_start3A_20] : memref<208896x64xf32, #tpu.memory_space<hbm>> -> memref<96x64xf32, #tpu.memory_space<hbm>>
    tpu.enqueue_dma source(%arg6 : memref<96x64xf32, #tpu.memory_space<vmem>>) target(%dma_start3A_21 : memref<96x64xf32, #tpu.memory_space<hbm>>) target_semaphore(%arg14 : memref<!tpu.dma_semaphore, #tpu.memory_space<semaphore_mem>>)
    %dma_start3A_22 = arith.constant 192 : i32
    %dma_start3A_23 = tpu.memref_slice %arg5[%dma_start3A_22] : memref<6528xi32, #tpu.memory_space<vmem>> -> memref<96xi32, #tpu.memory_space<vmem>>
    %dma_start3A_24 = arith.constant 0 : i32
    %dma_start3A_25 = arith.constant 0 : i32
    %dma_start3A_26 = tpu.memref_slice %arg3[%dma_start3A_24, %dma_start3A_25] : memref<1015808x64xf32, #tpu.memory_space<hbm>> -> memref<1015808x64xf32, #tpu.memory_space<hbm>>
    tpu.enqueue_indirect_dma source(%dma_start3A_26 : memref<1015808x64xf32, #tpu.memory_space<hbm>>) target(%arg8 : memref<96x64xf32, #tpu.memory_space<vmem>>) offsets(%dma_start3A_23 : memref<96xi32, #tpu.memory_space<vmem>>) semaphore(%arg12 : memref<!tpu.dma_semaphore, #tpu.memory_space<semaphore_mem>>)
    %dma_wait3A_27 = arith.constant 0 : i32
    %dma_wait3A_28 = tpu.memref_slice %arg5[%dma_wait3A_27] : memref<6528xi32, #tpu.memory_space<vmem>> -> memref<96xi32, #tpu.memory_space<vmem>>
    %dma_wait3A_29 = arith.constant 0 : i32
    %dma_wait3A_30 = arith.constant 0 : i32
    %dma_wait3A_31 = tpu.memref_slice %arg3[%dma_wait3A_29, %dma_wait3A_30] : memref<1015808x64xf32, #tpu.memory_space<hbm>> -> memref<1015808x64xf32, #tpu.memory_space<hbm>>
    tpu.wait_indirect_dma semaphore(%arg11 : memref<!tpu.dma_semaphore, #tpu.memory_space<semaphore_mem>>) src(%dma_wait3A_31 : memref<1015808x64xf32, #tpu.memory_space<hbm>>) dst(%arg7 : memref<96x64xf32, #tpu.memory_space<vmem>>)
    %add3A_32 = arith.constant 96 : i32
    %add3A_33 = arith.addi %mul3A_2, %add3A_32 : i32
    %dma_start3A_34 = arith.constant 0 : i32
    %dma_start3A_35 = tpu.memref_slice %arg4[%add3A_33, %dma_start3A_34] : memref<208896x64xf32, #tpu.memory_space<hbm>> -> memref<96x64xf32, #tpu.memory_space<hbm>>
    %dma_start3A_36 = arith.constant 0 : i32
    %dma_start3A_37 = tpu.memref_slice %arg4[%add3A_33, %dma_start3A_36] : memref<208896x64xf32, #tpu.memory_space<hbm>> -> memref<96x64xf32, #tpu.memory_space<hbm>>
    tpu.enqueue_dma source(%arg7 : memref<96x64xf32, #tpu.memory_space<vmem>>) target(%dma_start3A_37 : memref<96x64xf32, #tpu.memory_space<hbm>>) target_semaphore(%arg15 : memref<!tpu.dma_semaphore, #tpu.memory_space<semaphore_mem>>)
    %dma_start3A_38 = arith.constant 288 : i32
    %dma_start3A_39 = tpu.memref_slice %arg5[%dma_start3A_38] : memref<6528xi32, #tpu.memory_space<vmem>> -> memref<96xi32, #tpu.memory_space<vmem>>
    %dma_start3A_40 = arith.constant 0 : i32
    %dma_start3A_41 = arith.constant 0 : i32
    %dma_start3A_42 = tpu.memref_slice %arg3[%dma_start3A_40, %dma_start3A_41] : memref<1015808x64xf32, #tpu.memory_space<hbm>> -> memref<1015808x64xf32, #tpu.memory_space<hbm>>
    tpu.enqueue_indirect_dma source(%dma_start3A_42 : memref<1015808x64xf32, #tpu.memory_space<hbm>>) target(%arg9 : memref<96x64xf32, #tpu.memory_space<vmem>>) offsets(%dma_start3A_39 : memref<96xi32, #tpu.memory_space<vmem>>) semaphore(%arg13 : memref<!tpu.dma_semaphore, #tpu.memory_space<semaphore_mem>>)
    %scan3A = arith.constant 0 : i32
    %scan3A_43 = arith.constant 0 : i32
    %scan3A_44 = arith.constant 16 : i32
    %scan3A_45 = arith.addi %scan3A_43, %scan3A_44 : i32
    %scan3A_46 = arith.constant 1 : i32
    scf.for %scan3A_90 = %scan3A_43 to %scan3A_45 step %scan3A_46  : i32 {
      %mul3A_91 = arith.constant 4 : i32
      %mul3A_92 = arith.muli %mul3A_91, %scan3A_90 : i32
      %add3A_93 = arith.constant 2 : i32
      %add3A_94 = arith.addi %add3A_93, %mul3A_92 : i32
      %add3A_95 = arith.constant 0 : i32
      %add3A_96 = arith.addi %add3A_94, %add3A_95 : i32
      %dma_wait3A_97 = arith.constant 0 : i32
      %dma_wait3A_98 = tpu.memref_slice %arg5[%dma_wait3A_97] : memref<6528xi32, #tpu.memory_space<vmem>> -> memref<96xi32, #tpu.memory_space<vmem>>
      %dma_wait3A_99 = arith.constant 0 : i32
      %dma_wait3A_100 = arith.constant 0 : i32
      %dma_wait3A_101 = tpu.memref_slice %arg3[%dma_wait3A_99, %dma_wait3A_100] : memref<1015808x64xf32, #tpu.memory_space<hbm>> -> memref<1015808x64xf32, #tpu.memory_space<hbm>>
      tpu.wait_indirect_dma semaphore(%arg12 : memref<!tpu.dma_semaphore, #tpu.memory_space<semaphore_mem>>) src(%dma_wait3A_101 : memref<1015808x64xf32, #tpu.memory_space<hbm>>) dst(%arg8 : memref<96x64xf32, #tpu.memory_space<vmem>>)
      %mul3A_102 = arith.constant 96 : i32
      %mul3A_103 = arith.muli %add3A_96, %mul3A_102 : i32
      %add3A_104 = arith.addi %mul3A_2, %mul3A_103 : i32
      %dma_start3A_105 = arith.constant 0 : i32
      %dma_start3A_106 = tpu.memref_slice %arg4[%add3A_104, %dma_start3A_105] : memref<208896x64xf32, #tpu.memory_space<hbm>> -> memref<96x64xf32, #tpu.memory_space<hbm>>
      %dma_start3A_107 = arith.constant 0 : i32
      %dma_start3A_108 = tpu.memref_slice %arg4[%add3A_104, %dma_start3A_107] : memref<208896x64xf32, #tpu.memory_space<hbm>> -> memref<96x64xf32, #tpu.memory_space<hbm>>
      tpu.enqueue_dma source(%arg8 : memref<96x64xf32, #tpu.memory_space<vmem>>) target(%dma_start3A_108 : memref<96x64xf32, #tpu.memory_space<hbm>>) target_semaphore(%arg16 : memref<!tpu.dma_semaphore, #tpu.memory_space<semaphore_mem>>)
      %dma_wait3A_109 = arith.constant 0 : i32
      %dma_wait3A_110 = tpu.memref_slice %arg5[%dma_wait3A_109] : memref<6528xi32, #tpu.memory_space<vmem>> -> memref<96xi32, #tpu.memory_space<vmem>>
      %dma_wait3A_111 = arith.constant 0 : i32
      %dma_wait3A_112 = arith.constant 0 : i32
      %dma_wait3A_113 = tpu.memref_slice %arg3[%dma_wait3A_111, %dma_wait3A_112] : memref<1015808x64xf32, #tpu.memory_space<hbm>> -> memref<1015808x64xf32, #tpu.memory_space<hbm>>
      tpu.wait_indirect_dma semaphore(%arg14 : memref<!tpu.dma_semaphore, #tpu.memory_space<semaphore_mem>>) src(%dma_wait3A_113 : memref<1015808x64xf32, #tpu.memory_space<hbm>>) dst(%arg6 : memref<96x64xf32, #tpu.memory_space<vmem>>)
      %add3A_114 = arith.constant 2 : i32
      %add3A_115 = arith.addi %add3A_96, %add3A_114 : i32
      %mul3A_116 = arith.constant 96 : i32
      %mul3A_117 = arith.muli %add3A_115, %mul3A_116 : i32
      %dma_start3A_118 = tpu.memref_slice %arg5[%mul3A_117] : memref<6528xi32, #tpu.memory_space<vmem>> -> memref<96xi32, #tpu.memory_space<vmem>>
      %dma_start3A_119 = arith.constant 0 : i32
      %dma_start3A_120 = arith.constant 0 : i32
      %dma_start3A_121 = tpu.memref_slice %arg3[%dma_start3A_119, %dma_start3A_120] : memref<1015808x64xf32, #tpu.memory_space<hbm>> -> memref<1015808x64xf32, #tpu.memory_space<hbm>>
      tpu.enqueue_indirect_dma source(%dma_start3A_121 : memref<1015808x64xf32, #tpu.memory_space<hbm>>) target(%arg6 : memref<96x64xf32, #tpu.memory_space<vmem>>) offsets(%dma_start3A_118 : memref<96xi32, #tpu.memory_space<vmem>>) semaphore(%arg10 : memref<!tpu.dma_semaphore, #tpu.memory_space<semaphore_mem>>)
      %mul3A_122 = arith.constant 4 : i32
      %mul3A_123 = arith.muli %mul3A_122, %scan3A_90 : i32
      %add3A_124 = arith.constant 2 : i32
      %add3A_125 = arith.addi %add3A_124, %mul3A_123 : i32
      %add3A_126 = arith.constant 1 : i32
      %add3A_127 = arith.addi %add3A_125, %add3A_126 : i32
      %dma_wait3A_128 = arith.constant 0 : i32
      %dma_wait3A_129 = tpu.memref_slice %arg5[%dma_wait3A_128] : memref<6528xi32, #tpu.memory_space<vmem>> -> memref<96xi32, #tpu.memory_space<vmem>>
      %dma_wait3A_130 = arith.constant 0 : i32
      %dma_wait3A_131 = arith.constant 0 : i32
      %dma_wait3A_132 = tpu.memref_slice %arg3[%dma_wait3A_130, %dma_wait3A_131] : memref<1015808x64xf32, #tpu.memory_space<hbm>> -> memref<1015808x64xf32, #tpu.memory_space<hbm>>
      tpu.wait_indirect_dma semaphore(%arg13 : memref<!tpu.dma_semaphore, #tpu.memory_space<semaphore_mem>>) src(%dma_wait3A_132 : memref<1015808x64xf32, #tpu.memory_space<hbm>>) dst(%arg9 : memref<96x64xf32, #tpu.memory_space<vmem>>)
      %mul3A_133 = arith.constant 96 : i32
      %mul3A_134 = arith.muli %add3A_127, %mul3A_133 : i32
      %add3A_135 = arith.addi %mul3A_2, %mul3A_134 : i32
      %dma_start3A_136 = arith.constant 0 : i32
      %dma_start3A_137 = tpu.memref_slice %arg4[%add3A_135, %dma_start3A_136] : memref<208896x64xf32, #tpu.memory_space<hbm>> -> memref<96x64xf32, #tpu.memory_space<hbm>>
      %dma_start3A_138 = arith.constant 0 : i32
      %dma_start3A_139 = tpu.memref_slice %arg4[%add3A_135, %dma_start3A_138] : memref<208896x64xf32, #tpu.memory_space<hbm>> -> memref<96x64xf32, #tpu.memory_space<hbm>>
      tpu.enqueue_dma source(%arg9 : memref<96x64xf32, #tpu.memory_space<vmem>>) target(%dma_start3A_139 : memref<96x64xf32, #tpu.memory_space<hbm>>) target_semaphore(%arg17 : memref<!tpu.dma_semaphore, #tpu.memory_space<semaphore_mem>>)
      %dma_wait3A_140 = arith.constant 0 : i32
      %dma_wait3A_141 = tpu.memref_slice %arg5[%dma_wait3A_140] : memref<6528xi32, #tpu.memory_space<vmem>> -> memref<96xi32, #tpu.memory_space<vmem>>
      %dma_wait3A_142 = arith.constant 0 : i32
      %dma_wait3A_143 = arith.constant 0 : i32
      %dma_wait3A_144 = tpu.memref_slice %arg3[%dma_wait3A_142, %dma_wait3A_143] : memref<1015808x64xf32, #tpu.memory_space<hbm>> -> memref<1015808x64xf32, #tpu.memory_space<hbm>>
      tpu.wait_indirect_dma semaphore(%arg15 : memref<!tpu.dma_semaphore, #tpu.memory_space<semaphore_mem>>) src(%dma_wait3A_144 : memref<1015808x64xf32, #tpu.memory_space<hbm>>) dst(%arg7 : memref<96x64xf32, #tpu.memory_space<vmem>>)
      %add3A_145 = arith.constant 2 : i32
      %add3A_146 = arith.addi %add3A_127, %add3A_145 : i32
      %mul3A_147 = arith.constant 96 : i32
      %mul3A_148 = arith.muli %add3A_146, %mul3A_147 : i32
      %dma_start3A_149 = tpu.memref_slice %arg5[%mul3A_148] : memref<6528xi32, #tpu.memory_space<vmem>> -> memref<96xi32, #tpu.memory_space<vmem>>
      %dma_start3A_150 = arith.constant 0 : i32
      %dma_start3A_151 = arith.constant 0 : i32
      %dma_start3A_152 = tpu.memref_slice %arg3[%dma_start3A_150, %dma_start3A_151] : memref<1015808x64xf32, #tpu.memory_space<hbm>> -> memref<1015808x64xf32, #tpu.memory_space<hbm>>
      tpu.enqueue_indirect_dma source(%dma_start3A_152 : memref<1015808x64xf32, #tpu.memory_space<hbm>>) target(%arg7 : memref<96x64xf32, #tpu.memory_space<vmem>>) offsets(%dma_start3A_149 : memref<96xi32, #tpu.memory_space<vmem>>) semaphore(%arg11 : memref<!tpu.dma_semaphore, #tpu.memory_space<semaphore_mem>>)
      %mul3A_153 = arith.constant 4 : i32
      %mul3A_154 = arith.muli %mul3A_153, %scan3A_90 : i32
      %add3A_155 = arith.constant 2 : i32
      %add3A_156 = arith.addi %add3A_155, %mul3A_154 : i32
      %add3A_157 = arith.constant 2 : i32
      %add3A_158 = arith.addi %add3A_156, %add3A_157 : i32
      %dma_wait3A_159 = arith.constant 0 : i32
      %dma_wait3A_160 = tpu.memref_slice %arg5[%dma_wait3A_159] : memref<6528xi32, #tpu.memory_space<vmem>> -> memref<96xi32, #tpu.memory_space<vmem>>
      %dma_wait3A_161 = arith.constant 0 : i32
      %dma_wait3A_162 = arith.constant 0 : i32
      %dma_wait3A_163 = tpu.memref_slice %arg3[%dma_wait3A_161, %dma_wait3A_162] : memref<1015808x64xf32, #tpu.memory_space<hbm>> -> memref<1015808x64xf32, #tpu.memory_space<hbm>>
      tpu.wait_indirect_dma semaphore(%arg10 : memref<!tpu.dma_semaphore, #tpu.memory_space<semaphore_mem>>) src(%dma_wait3A_163 : memref<1015808x64xf32, #tpu.memory_space<hbm>>) dst(%arg6 : memref<96x64xf32, #tpu.memory_space<vmem>>)
      %mul3A_164 = arith.constant 96 : i32
      %mul3A_165 = arith.muli %add3A_158, %mul3A_164 : i32
      %add3A_166 = arith.addi %mul3A_2, %mul3A_165 : i32
      %dma_start3A_167 = arith.constant 0 : i32
      %dma_start3A_168 = tpu.memref_slice %arg4[%add3A_166, %dma_start3A_167] : memref<208896x64xf32, #tpu.memory_space<hbm>> -> memref<96x64xf32, #tpu.memory_space<hbm>>
      %dma_start3A_169 = arith.constant 0 : i32
      %dma_start3A_170 = tpu.memref_slice %arg4[%add3A_166, %dma_start3A_169] : memref<208896x64xf32, #tpu.memory_space<hbm>> -> memref<96x64xf32, #tpu.memory_space<hbm>>
      tpu.enqueue_dma source(%arg6 : memref<96x64xf32, #tpu.memory_space<vmem>>) target(%dma_start3A_170 : memref<96x64xf32, #tpu.memory_space<hbm>>) target_semaphore(%arg14 : memref<!tpu.dma_semaphore, #tpu.memory_space<semaphore_mem>>)
      %dma_wait3A_171 = arith.constant 0 : i32
      %dma_wait3A_172 = tpu.memref_slice %arg5[%dma_wait3A_171] : memref<6528xi32, #tpu.memory_space<vmem>> -> memref<96xi32, #tpu.memory_space<vmem>>
      %dma_wait3A_173 = arith.constant 0 : i32
      %dma_wait3A_174 = arith.constant 0 : i32
      %dma_wait3A_175 = tpu.memref_slice %arg3[%dma_wait3A_173, %dma_wait3A_174] : memref<1015808x64xf32, #tpu.memory_space<hbm>> -> memref<1015808x64xf32, #tpu.memory_space<hbm>>
      tpu.wait_indirect_dma semaphore(%arg16 : memref<!tpu.dma_semaphore, #tpu.memory_space<semaphore_mem>>) src(%dma_wait3A_175 : memref<1015808x64xf32, #tpu.memory_space<hbm>>) dst(%arg8 : memref<96x64xf32, #tpu.memory_space<vmem>>)
      %add3A_176 = arith.constant 2 : i32
      %add3A_177 = arith.addi %add3A_158, %add3A_176 : i32
      %mul3A_178 = arith.constant 96 : i32
      %mul3A_179 = arith.muli %add3A_177, %mul3A_178 : i32
      %dma_start3A_180 = tpu.memref_slice %arg5[%mul3A_179] : memref<6528xi32, #tpu.memory_space<vmem>> -> memref<96xi32, #tpu.memory_space<vmem>>
      %dma_start3A_181 = arith.constant 0 : i32
      %dma_start3A_182 = arith.constant 0 : i32
      %dma_start3A_183 = tpu.memref_slice %arg3[%dma_start3A_181, %dma_start3A_182] : memref<1015808x64xf32, #tpu.memory_space<hbm>> -> memref<1015808x64xf32, #tpu.memory_space<hbm>>
      tpu.enqueue_indirect_dma source(%dma_start3A_183 : memref<1015808x64xf32, #tpu.memory_space<hbm>>) target(%arg8 : memref<96x64xf32, #tpu.memory_space<vmem>>) offsets(%dma_start3A_180 : memref<96xi32, #tpu.memory_space<vmem>>) semaphore(%arg12 : memref<!tpu.dma_semaphore, #tpu.memory_space<semaphore_mem>>)
      %mul3A_184 = arith.constant 4 : i32
      %mul3A_185 = arith.muli %mul3A_184, %scan3A_90 : i32
      %add3A_186 = arith.constant 2 : i32
      %add3A_187 = arith.addi %add3A_186, %mul3A_185 : i32
      %add3A_188 = arith.constant 3 : i32
      %add3A_189 = arith.addi %add3A_187, %add3A_188 : i32
      %dma_wait3A_190 = arith.constant 0 : i32
      %dma_wait3A_191 = tpu.memref_slice %arg5[%dma_wait3A_190] : memref<6528xi32, #tpu.memory_space<vmem>> -> memref<96xi32, #tpu.memory_space<vmem>>
      %dma_wait3A_192 = arith.constant 0 : i32
      %dma_wait3A_193 = arith.constant 0 : i32
      %dma_wait3A_194 = tpu.memref_slice %arg3[%dma_wait3A_192, %dma_wait3A_193] : memref<1015808x64xf32, #tpu.memory_space<hbm>> -> memref<1015808x64xf32, #tpu.memory_space<hbm>>
      tpu.wait_indirect_dma semaphore(%arg11 : memref<!tpu.dma_semaphore, #tpu.memory_space<semaphore_mem>>) src(%dma_wait3A_194 : memref<1015808x64xf32, #tpu.memory_space<hbm>>) dst(%arg7 : memref<96x64xf32, #tpu.memory_space<vmem>>)
      %mul3A_195 = arith.constant 96 : i32
      %mul3A_196 = arith.muli %add3A_189, %mul3A_195 : i32
      %add3A_197 = arith.addi %mul3A_2, %mul3A_196 : i32
      %dma_start3A_198 = arith.constant 0 : i32
      %dma_start3A_199 = tpu.memref_slice %arg4[%add3A_197, %dma_start3A_198] : memref<208896x64xf32, #tpu.memory_space<hbm>> -> memref<96x64xf32, #tpu.memory_space<hbm>>
      %dma_start3A_200 = arith.constant 0 : i32
      %dma_start3A_201 = tpu.memref_slice %arg4[%add3A_197, %dma_start3A_200] : memref<208896x64xf32, #tpu.memory_space<hbm>> -> memref<96x64xf32, #tpu.memory_space<hbm>>
      tpu.enqueue_dma source(%arg7 : memref<96x64xf32, #tpu.memory_space<vmem>>) target(%dma_start3A_201 : memref<96x64xf32, #tpu.memory_space<hbm>>) target_semaphore(%arg15 : memref<!tpu.dma_semaphore, #tpu.memory_space<semaphore_mem>>)
      %dma_wait3A_202 = arith.constant 0 : i32
      %dma_wait3A_203 = tpu.memref_slice %arg5[%dma_wait3A_202] : memref<6528xi32, #tpu.memory_space<vmem>> -> memref<96xi32, #tpu.memory_space<vmem>>
      %dma_wait3A_204 = arith.constant 0 : i32
      %dma_wait3A_205 = arith.constant 0 : i32
      %dma_wait3A_206 = tpu.memref_slice %arg3[%dma_wait3A_204, %dma_wait3A_205] : memref<1015808x64xf32, #tpu.memory_space<hbm>> -> memref<1015808x64xf32, #tpu.memory_space<hbm>>
      tpu.wait_indirect_dma semaphore(%arg17 : memref<!tpu.dma_semaphore, #tpu.memory_space<semaphore_mem>>) src(%dma_wait3A_206 : memref<1015808x64xf32, #tpu.memory_space<hbm>>) dst(%arg9 : memref<96x64xf32, #tpu.memory_space<vmem>>)
      %add3A_207 = arith.constant 2 : i32
      %add3A_208 = arith.addi %add3A_189, %add3A_207 : i32
      %mul3A_209 = arith.constant 96 : i32
      %mul3A_210 = arith.muli %add3A_208, %mul3A_209 : i32
      %dma_start3A_211 = tpu.memref_slice %arg5[%mul3A_210] : memref<6528xi32, #tpu.memory_space<vmem>> -> memref<96xi32, #tpu.memory_space<vmem>>
      %dma_start3A_212 = arith.constant 0 : i32
      %dma_start3A_213 = arith.constant 0 : i32
      %dma_start3A_214 = tpu.memref_slice %arg3[%dma_start3A_212, %dma_start3A_213] : memref<1015808x64xf32, #tpu.memory_space<hbm>> -> memref<1015808x64xf32, #tpu.memory_space<hbm>>
      tpu.enqueue_indirect_dma source(%dma_start3A_214 : memref<1015808x64xf32, #tpu.memory_space<hbm>>) target(%arg9 : memref<96x64xf32, #tpu.memory_space<vmem>>) offsets(%dma_start3A_211 : memref<96xi32, #tpu.memory_space<vmem>>) semaphore(%arg13 : memref<!tpu.dma_semaphore, #tpu.memory_space<semaphore_mem>>)
    }
    %scan3A_47 = arith.constant 16 : i32
    %dma_wait3A_48 = arith.constant 0 : i32
    %dma_wait3A_49 = tpu.memref_slice %arg5[%dma_wait3A_48] : memref<6528xi32, #tpu.memory_space<vmem>> -> memref<96xi32, #tpu.memory_space<vmem>>
    %dma_wait3A_50 = arith.constant 0 : i32
    %dma_wait3A_51 = arith.constant 0 : i32
    %dma_wait3A_52 = tpu.memref_slice %arg3[%dma_wait3A_50, %dma_wait3A_51] : memref<1015808x64xf32, #tpu.memory_space<hbm>> -> memref<1015808x64xf32, #tpu.memory_space<hbm>>
    tpu.wait_indirect_dma semaphore(%arg12 : memref<!tpu.dma_semaphore, #tpu.memory_space<semaphore_mem>>) src(%dma_wait3A_52 : memref<1015808x64xf32, #tpu.memory_space<hbm>>) dst(%arg8 : memref<96x64xf32, #tpu.memory_space<vmem>>)
    %add3A_53 = arith.constant 6336 : i32
    %add3A_54 = arith.addi %mul3A_2, %add3A_53 : i32
    %dma_start3A_55 = arith.constant 0 : i32
    %dma_start3A_56 = tpu.memref_slice %arg4[%add3A_54, %dma_start3A_55] : memref<208896x64xf32, #tpu.memory_space<hbm>> -> memref<96x64xf32, #tpu.memory_space<hbm>>
    %dma_start3A_57 = arith.constant 0 : i32
    %dma_start3A_58 = tpu.memref_slice %arg4[%add3A_54, %dma_start3A_57] : memref<208896x64xf32, #tpu.memory_space<hbm>> -> memref<96x64xf32, #tpu.memory_space<hbm>>
    tpu.enqueue_dma source(%arg8 : memref<96x64xf32, #tpu.memory_space<vmem>>) target(%dma_start3A_58 : memref<96x64xf32, #tpu.memory_space<hbm>>) target_semaphore(%arg16 : memref<!tpu.dma_semaphore, #tpu.memory_space<semaphore_mem>>)
    %dma_wait3A_59 = arith.constant 0 : i32
    %dma_wait3A_60 = tpu.memref_slice %arg5[%dma_wait3A_59] : memref<6528xi32, #tpu.memory_space<vmem>> -> memref<96xi32, #tpu.memory_space<vmem>>
    %dma_wait3A_61 = arith.constant 0 : i32
    %dma_wait3A_62 = arith.constant 0 : i32
    %dma_wait3A_63 = tpu.memref_slice %arg3[%dma_wait3A_61, %dma_wait3A_62] : memref<1015808x64xf32, #tpu.memory_space<hbm>> -> memref<1015808x64xf32, #tpu.memory_space<hbm>>
    tpu.wait_indirect_dma semaphore(%arg13 : memref<!tpu.dma_semaphore, #tpu.memory_space<semaphore_mem>>) src(%dma_wait3A_63 : memref<1015808x64xf32, #tpu.memory_space<hbm>>) dst(%arg9 : memref<96x64xf32, #tpu.memory_space<vmem>>)
    %add3A_64 = arith.constant 6432 : i32
    %add3A_65 = arith.addi %mul3A_2, %add3A_64 : i32
    %dma_start3A_66 = arith.constant 0 : i32
    %dma_start3A_67 = tpu.memref_slice %arg4[%add3A_65, %dma_start3A_66] : memref<208896x64xf32, #tpu.memory_space<hbm>> -> memref<96x64xf32, #tpu.memory_space<hbm>>
    %dma_start3A_68 = arith.constant 0 : i32
    %dma_start3A_69 = tpu.memref_slice %arg4[%add3A_65, %dma_start3A_68] : memref<208896x64xf32, #tpu.memory_space<hbm>> -> memref<96x64xf32, #tpu.memory_space<hbm>>
    tpu.enqueue_dma source(%arg9 : memref<96x64xf32, #tpu.memory_space<vmem>>) target(%dma_start3A_69 : memref<96x64xf32, #tpu.memory_space<hbm>>) target_semaphore(%arg17 : memref<!tpu.dma_semaphore, #tpu.memory_space<semaphore_mem>>)
    %dma_wait3A_70 = arith.constant 0 : i32
    %dma_wait3A_71 = tpu.memref_slice %arg5[%dma_wait3A_70] : memref<6528xi32, #tpu.memory_space<vmem>> -> memref<96xi32, #tpu.memory_space<vmem>>
    %dma_wait3A_72 = arith.constant 0 : i32
    %dma_wait3A_73 = arith.constant 0 : i32
    %dma_wait3A_74 = tpu.memref_slice %arg3[%dma_wait3A_72, %dma_wait3A_73] : memref<1015808x64xf32, #tpu.memory_space<hbm>> -> memref<1015808x64xf32, #tpu.memory_space<hbm>>
    tpu.wait_indirect_dma semaphore(%arg14 : memref<!tpu.dma_semaphore, #tpu.memory_space<semaphore_mem>>) src(%dma_wait3A_74 : memref<1015808x64xf32, #tpu.memory_space<hbm>>) dst(%arg6 : memref<96x64xf32, #tpu.memory_space<vmem>>)
    %dma_wait3A_75 = arith.constant 0 : i32
    %dma_wait3A_76 = tpu.memref_slice %arg5[%dma_wait3A_75] : memref<6528xi32, #tpu.memory_space<vmem>> -> memref<96xi32, #tpu.memory_space<vmem>>
    %dma_wait3A_77 = arith.constant 0 : i32
    %dma_wait3A_78 = arith.constant 0 : i32
    %dma_wait3A_79 = tpu.memref_slice %arg3[%dma_wait3A_77, %dma_wait3A_78] : memref<1015808x64xf32, #tpu.memory_space<hbm>> -> memref<1015808x64xf32, #tpu.memory_space<hbm>>
    tpu.wait_indirect_dma semaphore(%arg15 : memref<!tpu.dma_semaphore, #tpu.memory_space<semaphore_mem>>) src(%dma_wait3A_79 : memref<1015808x64xf32, #tpu.memory_space<hbm>>) dst(%arg7 : memref<96x64xf32, #tpu.memory_space<vmem>>)
    %dma_wait3A_80 = arith.constant 0 : i32
    %dma_wait3A_81 = tpu.memref_slice %arg5[%dma_wait3A_80] : memref<6528xi32, #tpu.memory_space<vmem>> -> memref<96xi32, #tpu.memory_space<vmem>>
    %dma_wait3A_82 = arith.constant 0 : i32
    %dma_wait3A_83 = arith.constant 0 : i32
    %dma_wait3A_84 = tpu.memref_slice %arg3[%dma_wait3A_82, %dma_wait3A_83] : memref<1015808x64xf32, #tpu.memory_space<hbm>> -> memref<1015808x64xf32, #tpu.memory_space<hbm>>
    tpu.wait_indirect_dma semaphore(%arg16 : memref<!tpu.dma_semaphore, #tpu.memory_space<semaphore_mem>>) src(%dma_wait3A_84 : memref<1015808x64xf32, #tpu.memory_space<hbm>>) dst(%arg8 : memref<96x64xf32, #tpu.memory_space<vmem>>)
    %dma_wait3A_85 = arith.constant 0 : i32
    %dma_wait3A_86 = tpu.memref_slice %arg5[%dma_wait3A_85] : memref<6528xi32, #tpu.memory_space<vmem>> -> memref<96xi32, #tpu.memory_space<vmem>>
    %dma_wait3A_87 = arith.constant 0 : i32
    %dma_wait3A_88 = arith.constant 0 : i32
    %dma_wait3A_89 = tpu.memref_slice %arg3[%dma_wait3A_87, %dma_wait3A_88] : memref<1015808x64xf32, #tpu.memory_space<hbm>> -> memref<1015808x64xf32, #tpu.memory_space<hbm>>
    tpu.wait_indirect_dma semaphore(%arg17 : memref<!tpu.dma_semaphore, #tpu.memory_space<semaphore_mem>>) src(%dma_wait3A_89 : memref<1015808x64xf32, #tpu.memory_space<hbm>>) dst(%arg9 : memref<96x64xf32, #tpu.memory_space<vmem>>)
    return
  }
}

module attributes {stable_mosaic.version = 14 : i64} {
  func.func @_repack_body(%arg0: i32, %arg1: memref<64x8192xf32, #tpu.memory_space<vmem>>, %arg2: memref<64x8192xf32, #tpu.memory_space<vmem>>, %arg3: memref<64x8192xf32, #tpu.memory_space<vmem>>, %arg4: memref<64x8192xf32, #tpu.memory_space<vmem>>, %arg5: memref<64x64xf32, #tpu.memory_space<vmem>>, %arg6: memref<16384x128xf32, #tpu.memory_space<vmem>>) attributes {dimension_semantics = [#tpu.dimension_semantics<arbitrary>], iteration_bounds = array<i64: 31>, scalar_prefetch = 0 : i64, scratch_operands = 0 : i64, tpu.core_type = #tpu.core_type<tc>, window_params = [{transform_indices = @transform_0, window_bounds = array<i64: 64, 8192>}, {transform_indices = @transform_1, window_bounds = array<i64: 64, 8192>}, {transform_indices = @transform_2, window_bounds = array<i64: 64, 8192>}, {transform_indices = @transform_3, window_bounds = array<i64: 64, 8192>}, {pipeline_mode = #tpu.pipeline_mode<synchronous>, transform_indices = @transform_4, window_bounds = array<i64: 64, 64>}, {transform_indices = @transform_5, window_bounds = array<i64: 16384, 128>}]} {
    %get3A = arith.constant 0 : index
    %get3A_0 = arith.constant 0 : index
    %get3A_1 = vector.load %arg5[%get3A, %get3A_0] : memref<64x64xf32, #tpu.memory_space<vmem>>, vector<64x64xf32>
    %get3A_2 = arith.constant 0 : index
    %get3A_3 = arith.constant 0 : index
    %get3A_4 = vector.load %arg1[%get3A_2, %get3A_3] : memref<64x8192xf32, #tpu.memory_space<vmem>>, vector<64x8192xf32>
    %transpose3A = tpu.transpose %get3A_4, [1, 0] : vector<64x8192xf32> -> vector<8192x64xf32>
    %dot_general3A = arith.constant dense<0.000000e+00> : vector<8192x64xf32>
    %dot_general3A_5 = tpu.matmul %transpose3A, %get3A_1, %dot_general3A {dimension_numbers = #tpu.dot_dimension_numbers<[1], [0], [0], [1], [0, 0, 1, 1], [], []>, transpose_lhs_hint = false} : vector<8192x64xf32>, vector<64x64xf32>, vector<8192x64xf32> -> vector<8192x64xf32>
    %get3A_6 = arith.constant 0 : index
    %get3A_7 = arith.constant 0 : index
    %get3A_8 = vector.load %arg2[%get3A_6, %get3A_7] : memref<64x8192xf32, #tpu.memory_space<vmem>>, vector<64x8192xf32>
    %transpose3A_9 = tpu.transpose %get3A_8, [1, 0] : vector<64x8192xf32> -> vector<8192x64xf32>
    %dot_general3A_10 = arith.constant dense<0.000000e+00> : vector<8192x64xf32>
    %dot_general3A_11 = tpu.matmul %transpose3A_9, %get3A_1, %dot_general3A_10 {dimension_numbers = #tpu.dot_dimension_numbers<[1], [0], [0], [1], [0, 0, 1, 1], [], []>, transpose_lhs_hint = false} : vector<8192x64xf32>, vector<64x64xf32>, vector<8192x64xf32> -> vector<8192x64xf32>
    %concatenate3A = tpu.concatenate %dot_general3A_5, %dot_general3A_11 in 1 : vector<8192x64xf32>, vector<8192x64xf32> -> vector<8192x128xf32>
    %get3A_12 = arith.constant 0 : index
    %get3A_13 = arith.constant 0 : index
    %get3A_14 = vector.load %arg3[%get3A_12, %get3A_13] : memref<64x8192xf32, #tpu.memory_space<vmem>>, vector<64x8192xf32>
    %transpose3A_15 = tpu.transpose %get3A_14, [1, 0] : vector<64x8192xf32> -> vector<8192x64xf32>
    %dot_general3A_16 = arith.constant dense<0.000000e+00> : vector<8192x64xf32>
    %dot_general3A_17 = tpu.matmul %transpose3A_15, %get3A_1, %dot_general3A_16 {dimension_numbers = #tpu.dot_dimension_numbers<[1], [0], [0], [1], [0, 0, 1, 1], [], []>, transpose_lhs_hint = false} : vector<8192x64xf32>, vector<64x64xf32>, vector<8192x64xf32> -> vector<8192x64xf32>
    %get3A_18 = arith.constant 0 : index
    %get3A_19 = arith.constant 0 : index
    %get3A_20 = vector.load %arg4[%get3A_18, %get3A_19] : memref<64x8192xf32, #tpu.memory_space<vmem>>, vector<64x8192xf32>
    %transpose3A_21 = tpu.transpose %get3A_20, [1, 0] : vector<64x8192xf32> -> vector<8192x64xf32>
    %dot_general3A_22 = arith.constant dense<0.000000e+00> : vector<8192x64xf32>
    %dot_general3A_23 = tpu.matmul %transpose3A_21, %get3A_1, %dot_general3A_22 {dimension_numbers = #tpu.dot_dimension_numbers<[1], [0], [0], [1], [0, 0, 1, 1], [], []>, transpose_lhs_hint = false} : vector<8192x64xf32>, vector<64x64xf32>, vector<8192x64xf32> -> vector<8192x64xf32>
    %concatenate3A_24 = tpu.concatenate %dot_general3A_17, %dot_general3A_23 in 1 : vector<8192x64xf32>, vector<8192x64xf32> -> vector<8192x128xf32>
    %concatenate3A_25 = tpu.concatenate %concatenate3A, %concatenate3A_24 in 0 : vector<8192x128xf32>, vector<8192x128xf32> -> vector<16384x128xf32>
    %swap3A = arith.constant 0 : index
    %swap3A_26 = arith.constant 0 : index
    %swap3A_27 = vector.load %arg6[%swap3A, %swap3A_26] : memref<16384x128xf32, #tpu.memory_space<vmem>>, vector<16384x128xf32>
    tpu.vector_store %arg6[%swap3A, %swap3A_26], %concatenate3A_25 {strides = array<i32>} : memref<16384x128xf32, #tpu.memory_space<vmem>>, vector<16384x128xf32>,
    return
  }
  func.func @transform_0(%arg0: i32) -> (i32, i32) {
    %add3A = arith.constant 0 : i32
    %add3A_0 = arith.addi %arg0, %add3A : i32
    %c0_i32 = arith.constant 0 : i32
    %c0_i32_1 = arith.constant 0 : i32
    return %c0_i32, %add3A_0 : i32, i32
  }
  func.func @transform_1(%arg0: i32) -> (i32, i32) {
    %add3A = arith.constant 31 : i32
    %add3A_0 = arith.addi %arg0, %add3A : i32
    %c0_i32 = arith.constant 0 : i32
    %c0_i32_1 = arith.constant 0 : i32
    return %c0_i32, %add3A_0 : i32, i32
  }
  func.func @transform_2(%arg0: i32) -> (i32, i32) {
    %add3A = arith.constant 62 : i32
    %add3A_0 = arith.addi %arg0, %add3A : i32
    %c0_i32 = arith.constant 0 : i32
    %c0_i32_1 = arith.constant 0 : i32
    return %c0_i32, %add3A_0 : i32, i32
  }
  func.func @transform_3(%arg0: i32) -> (i32, i32) {
    %add3A = arith.constant 92 : i32
    %add3A_0 = arith.addi %arg0, %add3A : i32
    %c0_i32 = arith.constant 0 : i32
    %c0_i32_1 = arith.constant 0 : i32
    return %c0_i32, %add3A_0 : i32, i32
  }
  func.func @transform_4(%arg0: i32) -> (i32, i32) {
    %c0_i32 = arith.constant 0 : i32
    %c0_i32_0 = arith.constant 0 : i32
    %c0_i32_1 = arith.constant 0 : i32
    return %c0_i32, %c0_i32_0 : i32, i32
  }
  func.func @transform_5(%arg0: i32) -> (i32, i32) {
    %c0_i32 = arith.constant 0 : i32
    %c0_i32_0 = arith.constant 0 : i32
    return %arg0, %c0_i32 : i32, i32
  }
}

module attributes {stable_mosaic.version = 14 : i64} {
  func.func @_mlp_body(%arg0: i32, %arg1: memref<51x256x128xf32, #tpu.memory_space<vmem>>, %arg2: memref<128x128xf32, #tpu.memory_space<vmem>>, %arg3: memref<128x128xf32, #tpu.memory_space<vmem>>, %arg4: memref<1x128xf32, #tpu.memory_space<vmem>>, %arg5: memref<128x128xf32, #tpu.memory_space<vmem>>, %arg6: memref<1x128xf32, #tpu.memory_space<vmem>>, %arg7: memref<128x2xf32, #tpu.memory_space<vmem>>, %arg8: memref<2x128xf32, #tpu.memory_space<vmem>>, %arg9: memref<128x128xf32, #tpu.memory_space<vmem>>, %arg10: memref<128x128xf32, #tpu.memory_space<vmem>>, %arg11: memref<1x128xf32, #tpu.memory_space<vmem>>, %arg12: memref<256x128xf32, #tpu.memory_space<vmem>>) attributes {dimension_semantics = [#tpu.dimension_semantics<arbitrary>], iteration_bounds = array<i64: 8>, scalar_prefetch = 0 : i64, scratch_operands = 0 : i64, tpu.core_type = #tpu.core_type<tc>, window_params = [{transform_indices = @transform_0, window_bounds = array<i64: 51, 256, 128>}, {pipeline_mode = #tpu.pipeline_mode<synchronous>, transform_indices = @transform_1, window_bounds = array<i64: 128, 128>}, {pipeline_mode = #tpu.pipeline_mode<synchronous>, transform_indices = @transform_2, window_bounds = array<i64: 128, 128>}, {pipeline_mode = #tpu.pipeline_mode<synchronous>, transform_indices = @transform_3, window_bounds = array<i64: 1, 128>}, {pipeline_mode = #tpu.pipeline_mode<synchronous>, transform_indices = @transform_4, window_bounds = array<i64: 128, 128>}, {pipeline_mode = #tpu.pipeline_mode<synchronous>, transform_indices = @transform_5, window_bounds = array<i64: 1, 128>}, {pipeline_mode = #tpu.pipeline_mode<synchronous>, transform_indices = @transform_6, window_bounds = array<i64: 128, 2>}, {pipeline_mode = #tpu.pipeline_mode<synchronous>, transform_indices = @transform_7, window_bounds = array<i64: 2, 128>}, {pipeline_mode = #tpu.pipeline_mode<synchronous>, transform_indices = @transform_8, window_bounds = array<i64: 128, 128>}, {pipeline_mode = #tpu.pipeline_mode<synchronous>, transform_indices = @transform_9, window_bounds = array<i64: 128, 128>}, {pipeline_mode = #tpu.pipeline_mode<synchronous>, transform_indices = @transform_10, window_bounds = array<i64: 1, 128>}, {transform_indices = @transform_11, window_bounds = array<i64: 256, 128>}]} {
    %get3A = arith.constant 0 : index
    %get3A_0 = arith.constant 0 : index
    %get3A_1 = arith.constant 0 : index
    %get3A_2 = vector.load %arg1[%get3A, %get3A_0, %get3A_1] : memref<51x256x128xf32, #tpu.memory_space<vmem>>, vector<51x256x128xf32>
    %slice3A = vector.extract_strided_slice %get3A_2 {offsets = [0, 0, 0], sizes = [1, 256, 128], strides = [1, 1, 1]} : vector<51x256x128xf32> to vector<1x256x128xf32>
    %squeeze3A = vector.shape_cast %slice3A : vector<1x256x128xf32> to vector<256x128xf32>
    %slice3A_3 = vector.extract_strided_slice %get3A_2 {offsets = [1, 0, 0], sizes = [50, 256, 128], strides = [1, 1, 1]} : vector<51x256x128xf32> to vector<50x256x128xf32>
    %reshape3A = vector.shape_cast %slice3A_3 : vector<50x256x128xf32> to vector<12800x128xf32>
    %get3A_4 = arith.constant 0 : index
    %get3A_5 = arith.constant 0 : index
    %get3A_6 = vector.load %arg3[%get3A_4, %get3A_5] : memref<128x128xf32, #tpu.memory_space<vmem>>, vector<128x128xf32>
    %dot_general3A = arith.constant dense<0.000000e+00> : vector<256x128xf32>
    %dot_general3A_7 = tpu.matmul %squeeze3A, %get3A_6, %dot_general3A {dimension_numbers = #tpu.dot_dimension_numbers<[1], [0], [0], [1], [0, 0, 1, 1], [], []>, transpose_lhs_hint = false} : vector<256x128xf32>, vector<128x128xf32>, vector<256x128xf32> -> vector<256x128xf32>
    %broadcast_in_dim3A = vector.shape_cast %dot_general3A_7 : vector<256x128xf32> to vector<1x256x128xf32>
    %broadcast_in_dim3A_8 = vector.shape_cast %broadcast_in_dim3A : vector<1x256x128xf32> to vector<1x256x128xf32>
    %broadcast_in_dim3A_9 = vector.broadcast %broadcast_in_dim3A_8 : vector<1x256x128xf32> to vector<50x256x128xf32>
    %reshape3A_10 = vector.shape_cast %broadcast_in_dim3A_9 : vector<50x256x128xf32> to vector<12800x128xf32>
    %get3A_11 = arith.constant 0 : index
    %get3A_12 = arith.constant 0 : index
    %get3A_13 = vector.load %arg2[%get3A_11, %get3A_12] : memref<128x128xf32, #tpu.memory_space<vmem>>, vector<128x128xf32>
    %dot_general3A_14 = arith.constant dense<0.000000e+00> : vector<12800x128xf32>
    %dot_general3A_15 = tpu.matmul %reshape3A, %get3A_13, %dot_general3A_14 {dimension_numbers = #tpu.dot_dimension_numbers<[1], [0], [0], [1], [0, 0, 1, 1], [], []>, transpose_lhs_hint = false} : vector<12800x128xf32>, vector<128x128xf32>, vector<12800x128xf32> -> vector<12800x128xf32>
    %add3A = arith.addf %dot_general3A_15, %reshape3A_10 : vector<12800x128xf32>
    %get3A_16 = arith.constant 0 : index
    %get3A_17 = arith.constant 0 : index
    %get3A_18 = vector.load %arg4[%get3A_16, %get3A_17] : memref<1x128xf32, #tpu.memory_space<vmem>>, vector<1x128xf32>
    %add3A_19 = vector.broadcast %get3A_18 : vector<1x128xf32> to vector<12800x128xf32>
    %add3A_20 = arith.addf %add3A, %add3A_19 : vector<12800x128xf32>
    %max3A = arith.constant 0.000000e+00 : f32
    %max3A_21 = vector.broadcast %max3A : f32 to vector<12800x128xf32>
    %max3A_22 = arith.maximumf %add3A_20, %max3A_21 : vector<12800x128xf32>
    %get3A_23 = arith.constant 0 : index
    %get3A_24 = arith.constant 0 : index
    %get3A_25 = vector.load %arg5[%get3A_23, %get3A_24] : memref<128x128xf32, #tpu.memory_space<vmem>>, vector<128x128xf32>
    %dot_general3A_26 = arith.constant dense<0.000000e+00> : vector<12800x128xf32>
    %dot_general3A_27 = tpu.matmul %max3A_22, %get3A_25, %dot_general3A_26 {dimension_numbers = #tpu.dot_dimension_numbers<[1], [0], [0], [1], [0, 0, 1, 1], [], []>, transpose_lhs_hint = false} : vector<12800x128xf32>, vector<128x128xf32>, vector<12800x128xf32> -> vector<12800x128xf32>
    %get3A_28 = arith.constant 0 : index
    %get3A_29 = arith.constant 0 : index
    %get3A_30 = vector.load %arg6[%get3A_28, %get3A_29] : memref<1x128xf32, #tpu.memory_space<vmem>>, vector<1x128xf32>
    %add3A_31 = vector.broadcast %get3A_30 : vector<1x128xf32> to vector<12800x128xf32>
    %add3A_32 = arith.addf %dot_general3A_27, %add3A_31 : vector<12800x128xf32>
    %max3A_33 = arith.constant 0.000000e+00 : f32
    %max3A_34 = vector.broadcast %max3A_33 : f32 to vector<12800x128xf32>
    %max3A_35 = arith.maximumf %add3A_32, %max3A_34 : vector<12800x128xf32>
    %get3A_36 = arith.constant 0 : index
    %get3A_37 = arith.constant 0 : index
    %get3A_38 = vector.load %arg7[%get3A_36, %get3A_37] : memref<128x2xf32, #tpu.memory_space<vmem>>, vector<128x2xf32>
    %dot_general3A_39 = arith.constant dense<0.000000e+00> : vector<12800x2xf32>
    %dot_general3A_40 = tpu.matmul %max3A_35, %get3A_38, %dot_general3A_39 {dimension_numbers = #tpu.dot_dimension_numbers<[1], [0], [0], [1], [0, 0, 1, 1], [], []>, transpose_lhs_hint = false} : vector<12800x128xf32>, vector<128x2xf32>, vector<12800x2xf32> -> vector<12800x2xf32>
    %reshape3A_41 = vector.shape_cast %dot_general3A_40 : vector<12800x2xf32> to vector<50x256x2xf32>
    %reduce_max3A = arith.constant dense<0xFF800000> : vector<256x2xf32>
    %reduce_max3A_42 = vector.multi_reduction <maximumf>, %reshape3A_41, %reduce_max3A [0] : vector<50x256x2xf32> to vector<256x2xf32>
    %broadcast_in_dim3A_43 = vector.shape_cast %reduce_max3A_42 : vector<256x2xf32> to vector<1x256x2xf32>
    %sub3A = vector.broadcast %broadcast_in_dim3A_43 : vector<1x256x2xf32> to vector<50x256x2xf32>
    %sub3A_44 = arith.subf %reshape3A_41, %sub3A : vector<50x256x2xf32>
    %exp3A = math.exp %sub3A_44 : vector<50x256x2xf32>
    %reduce_sum3A = arith.constant dense<0.000000e+00> : vector<256x2xf32>
    %reduce_sum3A_45 = vector.multi_reduction <add>, %exp3A, %reduce_sum3A [0] : vector<50x256x2xf32> to vector<256x2xf32>
    %broadcast_in_dim3A_46 = vector.shape_cast %reduce_sum3A_45 : vector<256x2xf32> to vector<1x256x2xf32>
    %div3A = vector.broadcast %broadcast_in_dim3A_46 : vector<1x256x2xf32> to vector<50x256x2xf32>
    %div3A_47 = arith.divf %exp3A, %div3A : vector<50x256x2xf32>
    %reshape3A_48 = vector.shape_cast %div3A_47 : vector<50x256x2xf32> to vector<12800x2xf32>
    %get3A_49 = arith.constant 0 : index
    %get3A_50 = arith.constant 0 : index
    %get3A_51 = vector.load %arg8[%get3A_49, %get3A_50] : memref<2x128xf32, #tpu.memory_space<vmem>>, vector<2x128xf32>
    %dot_general3A_52 = arith.constant dense<0.000000e+00> : vector<12800x128xf32>
    %dot_general3A_53 = tpu.matmul %reshape3A_48, %get3A_51, %dot_general3A_52 {dimension_numbers = #tpu.dot_dimension_numbers<[1], [0], [0], [1], [0, 0, 1, 1], [], []>, transpose_lhs_hint = false} : vector<12800x2xf32>, vector<2x128xf32>, vector<12800x128xf32> -> vector<12800x128xf32>
    %reshape3A_54 = vector.shape_cast %dot_general3A_53 : vector<12800x128xf32> to vector<50x256x128xf32>
    %mul3A = arith.mulf %slice3A_3, %reshape3A_54 : vector<50x256x128xf32>
    %reduce_sum3A_55 = arith.constant dense<0.000000e+00> : vector<256x128xf32>
    %reduce_sum3A_56 = vector.multi_reduction <add>, %mul3A, %reduce_sum3A_55 [0] : vector<50x256x128xf32> to vector<256x128xf32>
    %get3A_57 = arith.constant 0 : index
    %get3A_58 = arith.constant 0 : index
    %get3A_59 = vector.load %arg9[%get3A_57, %get3A_58] : memref<128x128xf32, #tpu.memory_space<vmem>>, vector<128x128xf32>
    %dot_general3A_60 = arith.constant dense<0.000000e+00> : vector<256x128xf32>
    %dot_general3A_61 = tpu.matmul %squeeze3A, %get3A_59, %dot_general3A_60 {dimension_numbers = #tpu.dot_dimension_numbers<[1], [0], [0], [1], [0, 0, 1, 1], [], []>, transpose_lhs_hint = false} : vector<256x128xf32>, vector<128x128xf32>, vector<256x128xf32> -> vector<256x128xf32>
    %get3A_62 = arith.constant 0 : index
    %get3A_63 = arith.constant 0 : index
    %get3A_64 = vector.load %arg10[%get3A_62, %get3A_63] : memref<128x128xf32, #tpu.memory_space<vmem>>, vector<128x128xf32>
    %dot_general3A_65 = arith.constant dense<0.000000e+00> : vector<256x128xf32>
    %dot_general3A_66 = tpu.matmul %reduce_sum3A_56, %get3A_64, %dot_general3A_65 {dimension_numbers = #tpu.dot_dimension_numbers<[1], [0], [0], [1], [0, 0, 1, 1], [], []>, transpose_lhs_hint = false} : vector<256x128xf32>, vector<128x128xf32>, vector<256x128xf32> -> vector<256x128xf32>
    %add3A_67 = arith.addf %dot_general3A_61, %dot_general3A_66 : vector<256x128xf32>
    %get3A_68 = arith.constant 0 : index
    %get3A_69 = arith.constant 0 : index
    %get3A_70 = vector.load %arg11[%get3A_68, %get3A_69] : memref<1x128xf32, #tpu.memory_space<vmem>>, vector<1x128xf32>
    %add3A_71 = vector.broadcast %get3A_70 : vector<1x128xf32> to vector<256x128xf32>
    %add3A_72 = arith.addf %add3A_67, %add3A_71 : vector<256x128xf32>
    %max3A_73 = arith.constant 0.000000e+00 : f32
    %max3A_74 = vector.broadcast %max3A_73 : f32 to vector<256x128xf32>
    %max3A_75 = arith.maximumf %add3A_72, %max3A_74 : vector<256x128xf32>
    %swap3A = arith.constant 0 : index
    %swap3A_76 = arith.constant 0 : index
    %swap3A_77 = vector.load %arg12[%swap3A, %swap3A_76] : memref<256x128xf32, #tpu.memory_space<vmem>>, vector<256x128xf32>
    tpu.vector_store %arg12[%swap3A, %swap3A_76], %max3A_75 {strides = array<i32>} : memref<256x128xf32, #tpu.memory_space<vmem>>, vector<256x128xf32>,
    return
  }
  func.func @transform_0(%arg0: i32) -> (i32, i32, i32) {
    %c0_i32 = arith.constant 0 : i32
    %c0_i32_0 = arith.constant 0 : i32
    %c0_i32_1 = arith.constant 0 : i32
    return %c0_i32, %arg0, %c0_i32_0 : i32, i32, i32
  }
  func.func @transform_1(%arg0: i32) -> (i32, i32) {
    %c0_i32 = arith.constant 0 : i32
    %c0_i32_0 = arith.constant 0 : i32
    %c0_i32_1 = arith.constant 0 : i32
    return %c0_i32, %c0_i32_0 : i32, i32
  }
  func.func @transform_2(%arg0: i32) -> (i32, i32) {
    %c0_i32 = arith.constant 0 : i32
    %c0_i32_0 = arith.constant 0 : i32
    %c0_i32_1 = arith.constant 0 : i32
    return %c0_i32, %c0_i32_0 : i32, i32
  }
  func.func @transform_3(%arg0: i32) -> (i32, i32) {
    %c0_i32 = arith.constant 0 : i32
    %c0_i32_0 = arith.constant 0 : i32
    %c0_i32_1 = arith.constant 0 : i32
    return %c0_i32, %c0_i32_0 : i32, i32
  }
  func.func @transform_4(%arg0: i32) -> (i32, i32) {
    %c0_i32 = arith.constant 0 : i32
    %c0_i32_0 = arith.constant 0 : i32
    %c0_i32_1 = arith.constant 0 : i32
    return %c0_i32, %c0_i32_0 : i32, i32
  }
  func.func @transform_5(%arg0: i32) -> (i32, i32) {
    %c0_i32 = arith.constant 0 : i32
    %c0_i32_0 = arith.constant 0 : i32
    %c0_i32_1 = arith.constant 0 : i32
    return %c0_i32, %c0_i32_0 : i32, i32
  }
  func.func @transform_6(%arg0: i32) -> (i32, i32) {
    %c0_i32 = arith.constant 0 : i32
    %c0_i32_0 = arith.constant 0 : i32
    %c0_i32_1 = arith.constant 0 : i32
    return %c0_i32, %c0_i32_0 : i32, i32
  }
  func.func @transform_7(%arg0: i32) -> (i32, i32) {
    %c0_i32 = arith.constant 0 : i32
    %c0_i32_0 = arith.constant 0 : i32
    %c0_i32_1 = arith.constant 0 : i32
    return %c0_i32, %c0_i32_0 : i32, i32
  }
  func.func @transform_8(%arg0: i32) -> (i32, i32) {
    %c0_i32 = arith.constant 0 : i32
    %c0_i32_0 = arith.constant 0 : i32
    %c0_i32_1 = arith.constant 0 : i32
    return %c0_i32, %c0_i32_0 : i32, i32
  }
  func.func @transform_9(%arg0: i32) -> (i32, i32) {
    %c0_i32 = arith.constant 0 : i32
    %c0_i32_0 = arith.constant 0 : i32
    %c0_i32_1 = arith.constant 0 : i32
    return %c0_i32, %c0_i32_0 : i32, i32
  }
  func.func @transform_10(%arg0: i32) -> (i32, i32) {
    %c0_i32 = arith.constant 0 : i32
    %c0_i32_0 = arith.constant 0 : i32
    %c0_i32_1 = arith.constant 0 : i32
    return %c0_i32, %c0_i32_0 : i32, i32
  }
  func.func @transform_11(%arg0: i32) -> (i32, i32) {
    %c0_i32 = arith.constant 0 : i32
    %c0_i32_0 = arith.constant 0 : i32
    return %arg0, %c0_i32 : i32, i32
  }
}

</mosaic_0001>

<sc_bundles>
// kernel: kernel.11.cloned.1.call-start
scs
__scs_entry_jumppad:
0x0: {  	(pc) =	sbr.rel $0x88, $3  }
0x1: {  	(tag) =	ssettag $0x0;
	lr =	simm.s32 $0x1  }
0x2: {  	[smem:$0x3F97] =	sst lr;
	_ =	strace $0xD0000000  }
0x3: {  	_ = 	snop  }
0x4: {  	_ = 	snop  }
0x5: {  	_ = 	snop  }
0x6: {  	_ = 	snop  }
0x7: {  	_ = 	snop  }
__scs_overlays_trampoline_lowered:
0x8: {  	[smem:$0x3FA6] =	sst s0  }
0x9: {  	[smem:$0x3FA7] =	sst s1  }
0xa: {  	[smem:$0x3FA8] =	sst s2  }
0xb: {  	[smem:$0x3FA9] =	sst s3  }
0xc: {  	[smem:$0x3FAA] =	sst s4  }
0xd: {  	[smem:$0x3FAB] =	sst s5  }
0xe: {  	[smem:$0x3FAC] =	sst s6  }
0xf: {  	[smem:$0x3FAD] =	sst s7  }
0x10: {  	[smem:$0x3FAE] =	sst s8  }
0x11: {  	[smem:$0x3FAF] =	sst s9;
	s0 =	simm.s32 @!p0 $0x0  }
0x12: {  	s1 =	sld [smem:$0x3F95];
	s0 =	simm.s32 @p0 $0x1  }
0x13: {  	[smem:$0x3FB0] =	sst s0;
	s0 =	simm.s32 @!p1 $0x0  }
0x14: {  	s2 =	sld [smem:$0x3F94];
	s0 =	simm.s32 @p1 $0x1  }
0x15: {  	[smem:$0x3FB1] =	sst s0;
	s0 =	simm.s32 @!p2 $0x0  }
0x16: {  	s3 =	sld [smem:$0x3FDB];
	s0 =	simm.s32 @p2 $0x1  }
0x17: {  	s4 =	simm.s32 $0x1BF5;
	[smem:$0x3FB3] =	sst s0  }
0x18: {  	s0 =	sld [smem:$0x3F96];
	_ =	swait.ge [sflag:s4], $0x0  }
0x19: {  	s7 =	sld [smem:$0x3F97]  }
0x1a: {  	s8 =	sadd.s32 $0xFFFFE003, lr  }
0x1b: {  	s9 =	sadd.s32 $0xFFFFFEF7, lr;
	s5 =	simm.s32 $0xFFFFFFFF;
	p2 =	slt.u32 s8, $0xFFFFF086  }
0x1c: {  	p1 =	slt.u32 s9, $0xF7A;
	s5 =	simm.s32 @!p2 $0x0  }
0x1d: {  	s5 =	simm.s32 @p1 $0x1;
	p0 =	seq.s32 s7, s2  }
0x1e: {  	s7 =	smul.u32 @!p0 $0xF7A, s2;
	p2 =	seq.s32 @!p0 s5, $0x0  }
0x1f: {  	s9 =	smul.u32 $0xF7A, s1;
	s8 =	simm.s32 @!p0 $0x1BF5;
	p2 =	por !p2, p0  }
0x20: {  	[sflag:s8] =	ssyncset.s32 @!p0 $0xFFFFF086;
	s6 =	sadd.s32 @!p0 s3, s7;
	s7 =	simm.s32 @!p0 $0x108  }
0x21: {  	s3 =	sadd.s32 s3, s9;
	s6 =	sadd.s32 @!p0 $0x88, s6;
	s7 =	simm.s32 @p2 $0x1082  }
0x22: {  	[simem:s7], [sflag:s8] =	dma.local @!p0 [hbm:s6], $0xF7A  }
0x23: {  	s9 =	sor.u32 $0xD0000000, s2;
	s6 =	simm.s32 $0x108;
	_ =	swait.ge @!p0 [sflag:s8], $0x0  }
0x24: {  	s3 =	sadd.s32 $0x88, s3;
	s6 =	simm.s32 @!p1 $0x1082;
	[sflag:s4] =	ssyncset.s32 $0xFFFFF086  }
0x25: {  	[simem:s6], [sflag:s4] =	dma.local [hbm:s3], $0xF7A  }
0x26: {  	[smem:$0x3F97] =	sst s1;
	(tag) =	ssettag s2;
	_ =	strace s9  }
0x27: {  	s1 =	sld [smem:$0x3FA7]  }
0x28: {  	s2 =	sld [smem:$0x3FA8]  }
0x29: {  	s4 =	sld [smem:$0x3FAA]  }
0x2a: {  	p0 =	seq.s32 s5, $0x0;
	s5 =	sld [smem:$0x3FAB]  }
0x2b: {  	s6 =	sld [smem:$0x3FAC]  }
0x2c: {  	s7 =	sld [smem:$0x3FAD]  }
0x2d: {  	s3 =	simm.s32 $0x108;
	s8 =	sld [smem:$0x3FAE]  }
0x2e: {  	s3 =	simm.s32 @!p0 $0x1082;
	s9 =	sld [smem:$0x3FAF]  }
0x2f: {  	lr =	sadd.s32 s0, s3;
	s0 =	sld [smem:$0x3FA6]  }
0x30: {  	s3 =	sld [smem:$0x3FA9]  }
0x31: {  	[smem:$0x3FB2] =	sst s10  }
0x32: {  	s10 =	sld [smem:$0x3FB0];
	_ =	sdelay $0x3  }
0x33: {  	p0 =	seq.s32 s10, $0x1;
	s10 =	sld [smem:$0x3FB2];
	_ =	sdelay $0x3  }
0x34: {  	[smem:$0x3FB2] =	sst s10  }
0x35: {  	s10 =	sld [smem:$0x3FB1];
	_ =	sdelay $0x3  }
0x36: {  	p1 =	seq.s32 s10, $0x1;
	s10 =	sld [smem:$0x3FB2];
	_ =	sdelay $0x3  }
0x37: {  	[smem:$0x3FB2] =	sst s10  }
0x38: {  	s10 =	sld [smem:$0x3FB3]  }
0x39: {  	_ = 	snop;
	(pc) =	sbr.ind lr, $3  }
0x3a: {  	_ = 	snop  }
0x3b: {  	_ = 	snop  }
0x3c: {  	p2 =	seq.s32 s10, $0x1;
	s10 =	sld [smem:$0x3FB2]  }
0x3d: {  	_ =	shalt  }
0x3e: {  	_ =	shalt  }
0x3f: {  	_ =	shalt  }
0x40: {  	_ =	shalt  }
0x41: {  	_ =	shalt  }
0x42: {  	_ =	shalt  }
0x43: {  	_ =	shalt  }
0x44: {  	_ =	shalt  }
0x45: {  	_ =	shalt  }
0x46: {  	_ =	shalt  }
0x47: {  	_ =	shalt  }
0x48: {  	_ =	shalt  }
0x49: {  	_ =	shalt  }
0x4a: {  	_ =	shalt  }
0x4b: {  	_ =	shalt  }
0x4c: {  	_ =	shalt  }
0x4d: {  	_ =	shalt  }
0x4e: {  	_ =	shalt  }
0x4f: {  	_ =	shalt  }
0x50: {  	_ =	shalt  }
0x51: {  	_ =	shalt  }
0x52: {  	_ =	shalt  }
0x53: {  	_ =	shalt  }
0x54: {  	_ =	shalt  }
0x55: {  	_ =	shalt  }
0x56: {  	_ =	shalt  }
0x57: {  	_ =	shalt  }
0x58: {  	_ =	shalt  }
0x59: {  	_ =	shalt  }
0x5a: {  	_ =	shalt  }
0x5b: {  	_ =	shalt  }
0x5c: {  	_ =	shalt  }
0x5d: {  	_ =	shalt  }
0x5e: {  	_ =	shalt  }
0x5f: {  	_ =	shalt  }
0x60: {  	_ =	shalt  }
0x61: {  	_ =	shalt  }
0x62: {  	_ =	shalt  }
0x63: {  	_ =	shalt  }
0x64: {  	_ =	shalt  }
0x65: {  	_ =	shalt  }
0x66: {  	_ =	shalt  }
0x67: {  	_ =	shalt  }
0x68: {  	_ =	shalt  }
0x69: {  	_ =	shalt  }
0x6a: {  	_ =	shalt  }
0x6b: {  	_ =	shalt  }
0x6c: {  	_ =	shalt  }
0x6d: {  	_ =	shalt  }
0x6e: {  	_ =	shalt  }
0x6f: {  	_ =	shalt  }
0x70: {  	_ =	shalt  }
0x71: {  	_ =	shalt  }
0x72: {  	_ =	shalt  }
0x73: {  	_ =	shalt  }
0x74: {  	_ =	shalt  }
0x75: {  	_ =	shalt  }
0x76: {  	_ =	shalt  }
0x77: {  	_ =	shalt  }
0x78: {  	_ =	shalt  }
0x79: {  	_ =	shalt  }
0x7a: {  	_ =	shalt  }
0x7b: {  	_ =	shalt  }
0x7c: {  	_ =	shalt  }
0x7d: {  	_ =	shalt  }
0x7e: {  	_ =	shalt  }
0x7f: {  	_ =	shalt  }
0x80: {  	_ =	shalt  }
0x81: {  	_ =	shalt  }
0x82: {  	_ =	shalt  }
0x83: {  	_ =	shalt  }
0x84: {  	_ =	shalt  }
0x85: {  	_ =	shalt  }
0x86: {  	_ =	shalt  }
0x87: {  	_ =	shalt  }
.Lfunc_end0:
.L_simem_size_0:
called_computation_lowered:
.L_overlay_start_0:
0x88: {  	s2 =	sld [smem:$0x3FD9]  }
0x89: {  	s3 =	sld [smem:$0x3FFE];
	_ =	sdelay $0x1  }
0x8a: {  	s1 =	srdreg.scid  }
0x8b: {  	s0 =	sand.u32 $0x1, s1  }
0x8c: {  	s17 =	sshll.u32 s0, $0xA;
	s2 =	sadd.s32 s3, s2  }
0x8d: {  	s2 =	sadd.s32 s2, s17  }
0x8e: {  	[smem:$0x3FBE] =	sst s2  }
0x8f: {  	_ = 	snop  }
0x90: {  	(tm) =	ssettm $0x1  }
0x91: {  	s18 =	sld [smem:$0x3FFB];
	_ =	sdelay $0x3  }
0x92: {  	_ =	strace s18  }
0x93: {  	s2 =	sld [smem:$0x3FFC];
	_ =	sdelay $0x3  }
0x94: {  	_ =	strace s2  }
0x95: {  	s2 =	sld [smem:$0x3FFD];
	_ =	sdelay $0x3  }
0x96: {  	_ =	strace s2  }
0x97: {  	_ =	strace $0x8FFFFFFF  }
0x98: {  	s19 =	sld [smem:$0x3FDB];
	_ =	sdelay $0x1  }
0x99: {  	s20 =	simm.s32 $_scs_section_size  }
0x9a: {  	s4 =	simm.s32 $_size__tile_overlayer_lowered;
	s5 =	simm.s32 $_tile_overlayer_lowered  }
0x9b: {  	s6 =	simm.s32 $0x1BFF;
	s21 =	sshll.u32 s5, $0x1;
	s3 =	sadd.s32 s20, s19  }
0x9c: {  	s22 =	simm.s32 $0x0;
	s4 =	sshll.u32 s4, $0x1;
	s5 =	sadd.s32 s21, s3  }
0x9d: {  	[timem:s22], [sflag:s6] =	dma.local [hbm:s5], s4  }
0x9e: {  	_ =	swait.ge [sflag:s6], s4  }
0x9f: {  	s4 =	ssub.s32 $0x0, s4;
	[sflag:s6] =	ssyncset.done $0x0  }
0xa0: {  	[sflag:s6] =	ssyncadd.s32 s4;
	_ =	sdelay $0x1  }
0xa1: {  	s23 =	simm.s32 $0x1B8B  }
0xa2: {  	_ =	swait.ge [sflag:s23], $0x1  }
0xa3: {  	[sflag:s23] =	ssyncset.done $0x0  }
0xa4: {  	[sflag:s23] =	ssyncadd.s32 $0xFFFFFFFF  }
0xa5: {  	s4 =	sld [smem:$0x0]  }
0xa6: {  	s5 =	sand.u32 $0xFFFFFFFE, s1  }
0xa7: {  	p0 =	sne.s32 s1, s5  }
0xa8: {  	s5 =	sshll.u32 @p0 s5, $0xE  }
0xa9: {  	s5 =	sadd.s32 @p0 $0x11B8D, s5;
	s6 =	sshll.u32 @p0 s4, $0x11  }
0xaa: {  	s5 =	sor.u32 @p0 s6, s5  }
0xab: {  	[sflag:s5] =	ssyncadd.remote.s32 @p0 $0x1;
	_ =	sdelay $0x1  }
0xac: {  	s5 =	simm.s32 @p0 $0x1B8D  }
0xad: {  	_ =	swait.eq @p0 [sflag:s5], $0x1  }
0xae: {  	[sflag:s5] =	ssyncadd.s32 @p0 $0xFFFFFFFF  }
0xaf: {  	s6 =	sshll.u32 @!p0 s1, $0xE  }
0xb0: {  	s6 =	sor.u32 @!p0 $0x4000, s6;
	s5 =	simm.s32 @!p0 $0x1B8D  }
0xb1: {  	s4 =	sshll.u32 @!p0 s4, $0x11;
	s6 =	sadd.s32 @!p0 $0x11B8D, s6;
	_ =	swait.eq @!p0 [sflag:s5], $0x1  }
0xb2: {  	s4 =	sor.u32 @!p0 s4, s6;
	[sflag:s5] =	ssyncadd.s32 @!p0 $0xFFFFFFFF  }
0xb3: {  	s25 =	simm.s32 $0x1B8E;
	s24 =	sld [smem:$0x3FFE];
	[sflag:s4] =	ssyncadd.remote.s32 @!p0 $0x1  }
0xb4: {  	s26 =	simm.s32 $execute0_lowered;
	[smem:$0x3FD2] =	sst s25  }
0xb5: {  	s5 =	sshll.u32 s26, $0x1;
	_ =	strace $0x8000004F;
	[dreg:$0x1] =	wrdreg $0xFFFFFFFF  }
0xb6: {  	s28 =	simm.s32 $_size_execute0_lowered;
	s3 =	sadd.s32 s3, s5;
	[dreg:$0x0] =	wrdreg $0x0  }
0xb7: {  	s5 =	sshll.u32 s28, $0x1;
	[dreg:$0x2] =	wrdreg s3  }
0xb8: {  	[dreg:$0x3] =	wrdreg s5  }
0xb9: {  	[dreg:$0x4] =	wrdreg $0xC0  }
0xba: {  	_ =	task [dreg:s22], $0x5FFFF  }
0xbb: {  	[dreg:$0x1] =	wrdreg $0xFFFFFFFF  }
0xbc: {  	[dreg:$0x0] =	wrdreg $0x60  }
0xbd: {  	[dreg:$0x2] =	wrdreg s24  }
0xbe: {  	[dreg:$0x3] =	wrdreg $0x9  }
0xbf: {  	_ =	task.clear_ibuf [dreg:s22], $0x4FFFF;
	_ =	strace $0x9000004F  }
0xc0: {  	s29 =	simm.s32 $0x9;
	_ =	strace $0x80000051  }
0xc1: {  	_ =	swait.ge [sflag:s29], $0x1  }
0xc2: {  	[sflag:s29] =	ssyncadd.s32 $0xFFFFFFFF  }
0xc3: {  	_ =	strace $0x90000051  }
0xc4: {  	_ =	sfence  }
0xc5: {  	s30 =	sld [smem:$0x0];
	_ =	sdelay $0x2  }
0xc6: {  	s31 =	sshll.u32 s1, $0xD;
	s1 =	sshrl.u32 s1, $0x2  }
0xc7: {  	s4 =	sand.u32 $0x4000, s31;
	s1 =	sadd.s32 s1, s30  }
0xc8: {  	s0 =	sor.u32 s4, s0;
	s1 =	sshll.u32 s1, $0x11  }
0xc9: {  	s0 =	sor.u32 s1, s0  }
0xca: {  	s0 =	sadd.s32 $0x8F2B, s0  }
0xcb: {  	[sflag:s0] =	ssyncadd.remote.s32 $0x1  }
0xcc: {  	_ =	sfence.sel $0xFFFF  }
0xcd: {  	[dreg:$0x0] =	wrdreg $0xFFFFFFFF;
	(pc) =	sbr.abs _section_cstart, $3  }
0xce: {  	[dreg:$0x1] =	wrdreg $0xFFFFFFFF  }
0xcf: {  	_ =	task.clear_ibuf [dreg:s22], $0x2FFFF;
	_ =	strace $0x9FFFFFFF  }
0xd0: {  	(tm) =	ssettm $0x7FFFFFFF  }
0xd1: {  	_ =	shalt  }
tec
execute0_lowered:
.L_overlay_start_1:
0x0: {  	(tag) =	ssettag $0x1  }
0x1: {  	s0 =	srdreg.scid  }
0x2: {  	s8 =	stileid.u32;
	s4 =	rddreg [dreg:$0x0]  }
0x3: {  	s2 =	simm.s32 $0x0;
	s14 =	simm.s32 $0x9;
	s15 =	simm.s32 $0x60  }
0x4: {  	s16 =	simm.s32 $0x1980;
	s17 =	simm.s32 $0x3180;
	s18 =	simm.s32 $0x1  }
0x5: {  	s20 =	simm.s32 $0x4980;
	s21 =	simm.s32 $0x2;
	s23 =	simm.s32 $0x6180  }
0x6: {  	s0 =	sand.u32 $0x1, s0;
	s1 =	sshll.u32 s8, $0x1;
	s8 =	smul.u32 $0x3300, s8  }
0x7: {  	s1 =	sor.u32 s0, s1;
	s7 =	ssub.s32 $0x2, s0;
	s0 =	smul.u32 $0x1980, s0  }
0x8: {  	s24 =	simm.s32 $0x3;
	s28 =	simm.s32 $0x6;
	s3 =	smul.u32 $0x1980, s1  }
0x9: {  	s29 =	simm.s32 $0x7;
	s30 =	simm.s32 $0x8;
	s5 =	smul.u32 $0xCC00, s1  }
0xa: {  	[smem:$0x7FF] =	sst s2;
	s1 =	smul.u32 $0x66000, s1;
	s9 =	sshrl.u32 s7, $0x1  }
0xb: {  	s31 =	simm.s32 $0x0;
	_ =	strace $0x80000050;
	s9 =	ssub.s32 s7, s9  }
0xc: {  	s0 =	sadd.s32 s0, s8;
	s3 =	sshrl.u32 s3, $0x3;
	s1 =	sshrl.u32 s1, $0x3  }
0xd: {  	s0 =	sshll.u32 s0, $0x3;
	s9 =	smax.u32 s9, $0x1;
	s6 =	sadd.s32 s3, s4  }
0xe: {  	s3 =	sadd.s32 $0x17E00, s4;
	s4 =	sadd.s32 $0xCACA00, s4;
	s6 =	sadd.s32 $0x3A00, s6  }
0xf: {  	s5 =	sadd.s32 s4, s5;
	s1 =	sadd.s32 s4, s1;
	s0 =	sadd.s32 s4, s0  }
0x10: {  	[dreg:$0x2] =	wrdreg s6;
	s25 =	sadd.s32 $0x300, s5;
	s26 =	sadd.s32 $0xC600, s1  }
0x11: {  	s8 =	sadd.s32 $0xC900, s1;
	s10 =	sadd.s32 $0x900, s0;
	s11 =	sadd.s32 $0x600, s0  }
0x12: {  	s12 =	sadd.s32 $0xF00, s0;
	s13 =	sadd.s32 $0xC00, s0;
	[dreg:$0x3] =	wrdreg s25  }
0x13: {  	[dreg:$0x4] =	wrdreg s26;
	s25 =	simm.s32 $0x5;
	s26 =	simm.s32 $0x4  }
.LBB2_1:
0x14: {  	s0 =	rddreg [dreg:$0x2]  }
0x15: {  	[tilespmem:s2], [sflag:$0x9] =	stream.linear.gather [hbm4b:s0+s2], $0x1980, $0x38;
	[tilespmem:$0x7980] =	vst v63  }
0x16: {  	_ =	swait.ge [sflag:s14], $0x1980  }
0x17: {  	[sflag:s14] =	ssyncset.done $0x0  }
0x18: {  	[sflag:s14] =	ssyncadd.s32 $0xFFFFE680  }
0x19: {  	[tilespmem:s16], [sflag:$0x1] =	stream.indirect.gather [hbm4b:s3+s15], $0x40, s2, s15, $0xb8;
	[tilespmem:$0x7980] =	vst v63  }
0x1a: {  	_ = 	snop  }
0x1b: {  	[tilespmem:s17], [sflag:$0x2] =	stream.indirect.gather [hbm4b:s3+s15], $0x40, s15, s15, $0xb8;
	[tilespmem:$0x7980] =	vst v63  }
0x1c: {  	_ =	swait.ge [sflag:s18], $0x1800  }
0x1d: {  	[sflag:s18] =	ssyncset.done $0x0  }
0x1e: {  	[sflag:s18] =	ssyncadd.s32 $0xFFFFE800  }
0x1f: {  	[hbm4b:s5+s2] =	stream.linear.scatter [tilespmem:s16], [sflag:$0x5], $0x1800, $0x38;
	[tilespmem:$0x7980] =	vst v63  }
0x20: {  	s1 =	simm.s32 $0xC0  }
0x21: {  	[tilespmem:s20], [sflag:$0x3] =	stream.indirect.gather [hbm4b:s3+s15], $0x40, s1, s15, $0xb8;
	[tilespmem:$0x7980] =	vst v63  }
0x22: {  	_ =	swait.ge [sflag:s21], $0x1800  }
0x23: {  	[sflag:s21] =	ssyncset.done $0x0  }
0x24: {  	s4 =	rddreg [dreg:$0x3];
	[sflag:s21] =	ssyncadd.s32 $0xFFFFE800  }
0x25: {  	[hbm4b:s4+s2] =	stream.linear.scatter [tilespmem:s17], [sflag:$0x6], $0x1800, $0x38;
	[tilespmem:$0x7980] =	vst v63  }
0x26: {  	s6 =	simm.s32 $0x120  }
0x27: {  	[tilespmem:s23], [sflag:$0x4] =	stream.indirect.gather [hbm4b:s3+s15], $0x40, s6, s15, $0xb8;
	[tilespmem:$0x7980] =	vst v63  }
0x28: {  	_ =	swait.ge [sflag:s24], $0x1800  }
0x29: {  	[sflag:s24] =	ssyncset.done $0x0  }
0x2a: {  	[sflag:s24] =	ssyncadd.s32 $0xFFFFE800  }
0x2b: {  	[hbm4b:s11+s2] =	stream.linear.scatter [tilespmem:s20], [sflag:$0x7], $0x1800, $0x38;
	[tilespmem:$0x7980] =	vst v63  }
0x2c: {  	_ =	swait.ge [sflag:s25], $0x1800  }
0x2d: {  	[sflag:s25] =	ssyncset.done $0x0  }
0x2e: {  	s7 =	simm.s32 $0x180;
	[sflag:s25] =	ssyncadd.s32 $0xFFFFE800  }
0x2f: {  	[tilespmem:s16], [sflag:$0x1] =	stream.indirect.gather [hbm4b:s3+s15], $0x40, s7, s15, $0xb8;
	[tilespmem:$0x7980] =	vst v63  }
0x30: {  	_ =	swait.ge [sflag:s26], $0x1800  }
0x31: {  	[sflag:s26] =	ssyncset.done $0x0  }
0x32: {  	[sflag:s26] =	ssyncadd.s32 $0xFFFFE800  }
0x33: {  	[hbm4b:s10+s2] =	stream.linear.scatter [tilespmem:s23], [sflag:$0x8], $0x1800, $0x38;
	[tilespmem:$0x7980] =	vst v63  }
0x34: {  	_ =	swait.ge [sflag:s28], $0x1800  }
0x35: {  	[sflag:s28] =	ssyncset.done $0x0  }
0x36: {  	s19 =	simm.s32 $0x1E0;
	[sflag:s28] =	ssyncadd.s32 $0xFFFFE800  }
0x37: {  	[tilespmem:s17], [sflag:$0x2] =	stream.indirect.gather [hbm4b:s3+s15], $0x40, s19, s15, $0xb8;
	[tilespmem:$0x7980] =	vst v63  }
0x38: {  	_ =	swait.ge [sflag:s18], $0x1800  }
0x39: {  	[sflag:s18] =	ssyncset.done $0x0  }
0x3a: {  	[sflag:s18] =	ssyncadd.s32 $0xFFFFE800  }
0x3b: {  	[hbm4b:s13+s2] =	stream.linear.scatter [tilespmem:s16], [sflag:$0x5], $0x1800, $0x38;
	[tilespmem:$0x7980] =	vst v63  }
0x3c: {  	_ =	swait.ge [sflag:s29], $0x1800  }
0x3d: {  	[sflag:s29] =	ssyncset.done $0x0  }
0x3e: {  	s22 =	simm.s32 $0x240;
	[sflag:s29] =	ssyncadd.s32 $0xFFFFE800  }
0x3f: {  	[tilespmem:s20], [sflag:$0x3] =	stream.indirect.gather [hbm4b:s3+s15], $0x40, s22, s15, $0xb8;
	[tilespmem:$0x7980] =	vst v63  }
0x40: {  	_ =	swait.ge [sflag:s21], $0x1800  }
0x41: {  	[sflag:s21] =	ssyncset.done $0x0  }
0x42: {  	[sflag:s21] =	ssyncadd.s32 $0xFFFFE800  }
0x43: {  	[hbm4b:s12+s2] =	stream.linear.scatter [tilespmem:s17], [sflag:$0x6], $0x1800, $0x38;
	[tilespmem:$0x7980] =	vst v63  }
0x44: {  	s0 =	sadd.s32 $0xC00, s13;
	s1 =	simm.s32 $0x600;
	_ =	swait.ge [sflag:s30], $0x1800  }
0x45: {  	s4 =	sadd.s32 $0xC00, s10;
	s6 =	simm.s32 $0x2A0;
	[sflag:s30] =	ssyncset.done $0x0  }
0x46: {  	s19 =	sadd.s32 $0xC00, s11;
	s22 =	sadd.s32 $0xC00, s12;
	[sflag:s30] =	ssyncadd.s32 $0xFFFFE800  }
.LBB2_2:
0x47: {  	[tilespmem:s23], [sflag:$0x4] =	stream.indirect.gather [hbm4b:s3+s15], $0x40, s6, s15, $0xb8;
	[tilespmem:$0x7980] =	vst v63  }
0x48: {  	s6 =	smov.u32 s1  }
0x49: {  	p0 =	sne.s32 s1, $0x5A00;
	s1 =	sadd.s32 $0x600, s1;
	_ =	swait.ge [sflag:s24], $0x1800  }
0x4a: {  	[sflag:s24] =	ssyncset.done $0x0  }
0x4b: {  	[sflag:s24] =	ssyncadd.s32 $0xFFFFE800  }
0x4c: {  	[hbm4b:s19+s2] =	stream.linear.scatter [tilespmem:s20], [sflag:$0x7], $0x1800, $0x38;
	[tilespmem:$0x7980] =	vst v63  }
0x4d: {  	_ =	swait.ge [sflag:s25], $0x1800  }
0x4e: {  	s6 =	sshra.s32 s6, $0x2;
	[sflag:s25] =	ssyncset.done $0x0  }
0x4f: {  	s7 =	sadd.s32 $0x180, s6;
	[sflag:s25] =	ssyncadd.s32 $0xFFFFE800  }
0x50: {  	[tilespmem:s16], [sflag:$0x1] =	stream.indirect.gather [hbm4b:s3+s15], $0x40, s7, s15, $0xb8;
	[tilespmem:$0x7980] =	vst v63  }
0x51: {  	_ =	swait.ge [sflag:s26], $0x1800  }
0x52: {  	[sflag:s26] =	ssyncset.done $0x0  }
0x53: {  	[sflag:s26] =	ssyncadd.s32 $0xFFFFE800  }
0x54: {  	[hbm4b:s4+s2] =	stream.linear.scatter [tilespmem:s23], [sflag:$0x8], $0x1800, $0x38;
	[tilespmem:$0x7980] =	vst v63  }
0x55: {  	_ =	swait.ge [sflag:s28], $0x1800  }
0x56: {  	[sflag:s28] =	ssyncset.done $0x0  }
0x57: {  	s7 =	sadd.s32 $0x1E0, s6;
	[sflag:s28] =	ssyncadd.s32 $0xFFFFE800  }
0x58: {  	[tilespmem:s17], [sflag:$0x2] =	stream.indirect.gather [hbm4b:s3+s15], $0x40, s7, s15, $0xb8;
	[tilespmem:$0x7980] =	vst v63  }
0x59: {  	_ =	swait.ge [sflag:s18], $0x1800  }
0x5a: {  	[sflag:s18] =	ssyncset.done $0x0  }
0x5b: {  	[sflag:s18] =	ssyncadd.s32 $0xFFFFE800  }
0x5c: {  	[hbm4b:s0+s2] =	stream.linear.scatter [tilespmem:s16], [sflag:$0x5], $0x1800, $0x38;
	[tilespmem:$0x7980] =	vst v63  }
0x5d: {  	_ =	swait.ge [sflag:s29], $0x1800  }
0x5e: {  	[sflag:s29] =	ssyncset.done $0x0  }
0x5f: {  	s7 =	sadd.s32 $0x240, s6;
	[sflag:s29] =	ssyncadd.s32 $0xFFFFE800  }
0x60: {  	[tilespmem:s20], [sflag:$0x3] =	stream.indirect.gather [hbm4b:s3+s15], $0x40, s7, s15, $0xb8;
	[tilespmem:$0x7980] =	vst v63  }
0x61: {  	_ =	swait.ge [sflag:s21], $0x1800  }
0x62: {  	[sflag:s21] =	ssyncset.done $0x0  }
.Ltmp0:
0x63: {  	[sflag:s21] =	ssyncadd.s32 $0xFFFFE800;
	(pc) =	sbr.rel @p0 .LBB2_2-.Ltmp0, $4  }
0x64: {  	[hbm4b:s22+s2] =	stream.linear.scatter [tilespmem:s17], [sflag:$0x6], $0x1800, $0x38;
	[tilespmem:$0x7980] =	vst v63  }
0x65: {  	s0 =	sadd.s32 $0xC00, s0;
	_ =	swait.ge [sflag:s30], $0x1800  }
0x66: {  	s19 =	sadd.s32 $0xC00, s19;
	s22 =	sadd.s32 $0xC00, s22;
	[sflag:s30] =	ssyncset.done $0x0  }
0x67: {  	s4 =	sadd.s32 $0xC00, s4;
	s6 =	sadd.s32 $0x2A0, s6;
	[sflag:s30] =	ssyncadd.s32 $0xFFFFE800  }
0x68: {  	[tilespmem:s23], [sflag:$0x4] =	stream.indirect.gather [hbm4b:s3+s15], $0x40, s6, s15, $0xb8;
	[tilespmem:$0x7980] =	vst v63  }
0x69: {  	_ =	swait.ge [sflag:s24], $0x1800  }
0x6a: {  	[sflag:s24] =	ssyncset.done $0x0  }
0x6b: {  	s0 =	rddreg [dreg:$0x4];
	[sflag:s24] =	ssyncadd.s32 $0xFFFFE800  }
0x6c: {  	[hbm4b:s0+s2] =	stream.linear.scatter [tilespmem:s20], [sflag:$0x7], $0x1800, $0x38;
	[tilespmem:$0x7980] =	vst v63  }
0x6d: {  	_ =	swait.ge [sflag:s26], $0x1800  }
0x6e: {  	[sflag:s26] =	ssyncset.done $0x0  }
0x6f: {  	[sflag:s26] =	ssyncadd.s32 $0xFFFFE800  }
0x70: {  	[hbm4b:s8+s2] =	stream.linear.scatter [tilespmem:s23], [sflag:$0x8], $0x1800, $0x38;
	[tilespmem:$0x7980] =	vst v63  }
0x71: {  	_ =	swait.ge [sflag:s25], $0x1800  }
0x72: {  	[sflag:s25] =	ssyncset.done $0x0  }
0x73: {  	[sflag:s25] =	ssyncadd.s32 $0xFFFFE800  }
0x74: {  	_ =	swait.ge [sflag:s28], $0x1800  }
0x75: {  	[sflag:s28] =	ssyncset.done $0x0  }
0x76: {  	s31 =	sadd.s32 $0x1, s31;
	[sflag:s28] =	ssyncadd.s32 $0xFFFFE800  }
0x77: {  	p0 =	sne.s32 s31, s9;
	_ =	swait.ge [sflag:s29], $0x1800  }
.Ltmp1:
0x78: {  	[sflag:s29] =	ssyncset.done $0x0;
	(pc) =	sbr.rel @p0 .LBB2_1-.Ltmp1, $4  }
0x79: {  	[sflag:s29] =	ssyncadd.s32 $0xFFFFE800  }
0x7a: {  	_ =	swait.ge [sflag:s30], $0x1800  }
0x7b: {  	[sflag:s30] =	ssyncset.done $0x0  }
0x7c: {  	[sflag:s30] =	ssyncadd.s32 $0xFFFFE800  }
0x7d: {  	_ =	sfence.sel $0x180000  }
0x7e: {  	[bflag:$0x0] =	sbarrier.arrive $0xFFFF  }
0x7f: {  	_ =	strace $0x90000050  }
0x80: {  	s0 =	stileid.u32;
	[bflag:$0x2] =	sbarrier.arrive $0xFFFF  }
0x81: {  	p0 =	sne.s32 s0, $0x0;
	s0 =	rddreg [dreg:$0x1]  }
0x82: {  	s0 =	sadd.s32 @!p0 $0x100000, s0  }
0x83: {  	[sflag:s0] =	ssyncadd.tile.s32 @!p0 $0x1;
	_ =	shalt  }
.Lfunc_end2:
_tile_overlayer_lowered:
.L_overlay_start_2:
0x84: {  	(tag) =	ssettag $0x2  }
0x85: {  	s0 =	rddreg [dreg:$0x0];
	s2 =	stileid.u32  }
0x86: {  	s1 =	rddreg [dreg:$0x1];
	p0 =	sne.s32 s2, $0x0  }
0x87: {  	s3 =	rddreg [dreg:$0x2];
	[bflag:$0x3] =	sbarrier.arrive $0xFFFF;
	s2 =	simm.s32 @!p0 $0x1C09  }
0x88: {  	[timem:s3], [sflag:s2] =	dma.local @!p0 [hbm:s0], s1  }
0x89: {  	s0 =	simm.s32 @!p0 $0x9  }
0x8a: {  	_ =	swait.ge @!p0 [sflag:s0], s1  }
0x8b: {  	s1 =	ssub.s32 @!p0 $0x0, s1;
	[sflag:s0] =	ssyncset.done @!p0 $0x0  }
0x8c: {  	[sflag:s0] =	ssyncadd.s32 @!p0 s1  }
0x8d: {  	[bflag:$0x3] =	sbarrier.arrive $0xFFFF  }
0x8e: {  	_ =	shalt  }

// kernel: kernel.14.cloned.1.call-start
scs
__scs_entry_jumppad:
0x0: {  	(pc) =	sbr.rel $0x88, $3  }
0x1: {  	(tag) =	ssettag $0x0;
	lr =	simm.s32 $0x1  }
0x2: {  	[smem:$0x3F97] =	sst lr;
	_ =	strace $0xD0000000  }
0x3: {  	_ = 	snop  }
0x4: {  	_ = 	snop  }
0x5: {  	_ = 	snop  }
0x6: {  	_ = 	snop  }
0x7: {  	_ = 	snop  }
__scs_overlays_trampoline_lowered:
0x8: {  	[smem:$0x3FA6] =	sst s0  }
0x9: {  	[smem:$0x3FA7] =	sst s1  }
0xa: {  	[smem:$0x3FA8] =	sst s2  }
0xb: {  	[smem:$0x3FA9] =	sst s3  }
0xc: {  	[smem:$0x3FAA] =	sst s4  }
0xd: {  	[smem:$0x3FAB] =	sst s5  }
0xe: {  	[smem:$0x3FAC] =	sst s6  }
0xf: {  	[smem:$0x3FAD] =	sst s7  }
0x10: {  	[smem:$0x3FAE] =	sst s8  }
0x11: {  	[smem:$0x3FAF] =	sst s9;
	s0 =	simm.s32 @!p0 $0x0  }
0x12: {  	s1 =	sld [smem:$0x3F95];
	s0 =	simm.s32 @p0 $0x1  }
0x13: {  	[smem:$0x3FB0] =	sst s0;
	s0 =	simm.s32 @!p1 $0x0  }
0x14: {  	s2 =	sld [smem:$0x3F94];
	s0 =	simm.s32 @p1 $0x1  }
0x15: {  	[smem:$0x3FB1] =	sst s0;
	s0 =	simm.s32 @!p2 $0x0  }
0x16: {  	s3 =	sld [smem:$0x3FDB];
	s0 =	simm.s32 @p2 $0x1  }
0x17: {  	s4 =	simm.s32 $0x1BF5;
	[smem:$0x3FB3] =	sst s0  }
0x18: {  	s0 =	sld [smem:$0x3F96];
	_ =	swait.ge [sflag:s4], $0x0  }
0x19: {  	s7 =	sld [smem:$0x3F97]  }
0x1a: {  	s8 =	sadd.s32 $0xFFFFE003, lr  }
0x1b: {  	s9 =	sadd.s32 $0xFFFFFEF7, lr;
	s5 =	simm.s32 $0xFFFFFFFF;
	p2 =	slt.u32 s8, $0xFFFFF086  }
0x1c: {  	p1 =	slt.u32 s9, $0xF7A;
	s5 =	simm.s32 @!p2 $0x0  }
0x1d: {  	s5 =	simm.s32 @p1 $0x1;
	p0 =	seq.s32 s7, s2  }
0x1e: {  	s7 =	smul.u32 @!p0 $0xF7A, s2;
	p2 =	seq.s32 @!p0 s5, $0x0  }
0x1f: {  	s9 =	smul.u32 $0xF7A, s1;
	s8 =	simm.s32 @!p0 $0x1BF5;
	p2 =	por !p2, p0  }
0x20: {  	[sflag:s8] =	ssyncset.s32 @!p0 $0xFFFFF086;
	s6 =	sadd.s32 @!p0 s3, s7;
	s7 =	simm.s32 @!p0 $0x108  }
0x21: {  	s3 =	sadd.s32 s3, s9;
	s6 =	sadd.s32 @!p0 $0x88, s6;
	s7 =	simm.s32 @p2 $0x1082  }
0x22: {  	[simem:s7], [sflag:s8] =	dma.local @!p0 [hbm:s6], $0xF7A  }
0x23: {  	s9 =	sor.u32 $0xD0000000, s2;
	s6 =	simm.s32 $0x108;
	_ =	swait.ge @!p0 [sflag:s8], $0x0  }
0x24: {  	s3 =	sadd.s32 $0x88, s3;
	s6 =	simm.s32 @!p1 $0x1082;
	[sflag:s4] =	ssyncset.s32 $0xFFFFF086  }
0x25: {  	[simem:s6], [sflag:s4] =	dma.local [hbm:s3], $0xF7A  }
0x26: {  	[smem:$0x3F97] =	sst s1;
	(tag) =	ssettag s2;
	_ =	strace s9  }
0x27: {  	s1 =	sld [smem:$0x3FA7]  }
0x28: {  	s2 =	sld [smem:$0x3FA8]  }
0x29: {  	s4 =	sld [smem:$0x3FAA]  }
0x2a: {  	p0 =	seq.s32 s5, $0x0;
	s5 =	sld [smem:$0x3FAB]  }
0x2b: {  	s6 =	sld [smem:$0x3FAC]  }
0x2c: {  	s7 =	sld [smem:$0x3FAD]  }
0x2d: {  	s3 =	simm.s32 $0x108;
	s8 =	sld [smem:$0x3FAE]  }
0x2e: {  	s3 =	simm.s32 @!p0 $0x1082;
	s9 =	sld [smem:$0x3FAF]  }
0x2f: {  	lr =	sadd.s32 s0, s3;
	s0 =	sld [smem:$0x3FA6]  }
0x30: {  	s3 =	sld [smem:$0x3FA9]  }
0x31: {  	[smem:$0x3FB2] =	sst s10  }
0x32: {  	s10 =	sld [smem:$0x3FB0];
	_ =	sdelay $0x3  }
0x33: {  	p0 =	seq.s32 s10, $0x1;
	s10 =	sld [smem:$0x3FB2];
	_ =	sdelay $0x3  }
0x34: {  	[smem:$0x3FB2] =	sst s10  }
0x35: {  	s10 =	sld [smem:$0x3FB1];
	_ =	sdelay $0x3  }
0x36: {  	p1 =	seq.s32 s10, $0x1;
	s10 =	sld [smem:$0x3FB2];
	_ =	sdelay $0x3  }
0x37: {  	[smem:$0x3FB2] =	sst s10  }
0x38: {  	s10 =	sld [smem:$0x3FB3]  }
0x39: {  	_ = 	snop;
	(pc) =	sbr.ind lr, $3  }
0x3a: {  	_ = 	snop  }
0x3b: {  	_ = 	snop  }
0x3c: {  	p2 =	seq.s32 s10, $0x1;
	s10 =	sld [smem:$0x3FB2]  }
0x3d: {  	_ =	shalt  }
0x3e: {  	_ =	shalt  }
0x3f: {  	_ =	shalt  }
0x40: {  	_ =	shalt  }
0x41: {  	_ =	shalt  }
0x42: {  	_ =	shalt  }
0x43: {  	_ =	shalt  }
0x44: {  	_ =	shalt  }
0x45: {  	_ =	shalt  }
0x46: {  	_ =	shalt  }
0x47: {  	_ =	shalt  }
0x48: {  	_ =	shalt  }
0x49: {  	_ =	shalt  }
0x4a: {  	_ =	shalt  }
0x4b: {  	_ =	shalt  }
0x4c: {  	_ =	shalt  }
0x4d: {  	_ =	shalt  }
0x4e: {  	_ =	shalt  }
0x4f: {  	_ =	shalt  }
0x50: {  	_ =	shalt  }
0x51: {  	_ =	shalt  }
0x52: {  	_ =	shalt  }
0x53: {  	_ =	shalt  }
0x54: {  	_ =	shalt  }
0x55: {  	_ =	shalt  }
0x56: {  	_ =	shalt  }
0x57: {  	_ =	shalt  }
0x58: {  	_ =	shalt  }
0x59: {  	_ =	shalt  }
0x5a: {  	_ =	shalt  }
0x5b: {  	_ =	shalt  }
0x5c: {  	_ =	shalt  }
0x5d: {  	_ =	shalt  }
0x5e: {  	_ =	shalt  }
0x5f: {  	_ =	shalt  }
0x60: {  	_ =	shalt  }
0x61: {  	_ =	shalt  }
0x62: {  	_ =	shalt  }
0x63: {  	_ =	shalt  }
0x64: {  	_ =	shalt  }
0x65: {  	_ =	shalt  }
0x66: {  	_ =	shalt  }
0x67: {  	_ =	shalt  }
0x68: {  	_ =	shalt  }
0x69: {  	_ =	shalt  }
0x6a: {  	_ =	shalt  }
0x6b: {  	_ =	shalt  }
0x6c: {  	_ =	shalt  }
0x6d: {  	_ =	shalt  }
0x6e: {  	_ =	shalt  }
0x6f: {  	_ =	shalt  }
0x70: {  	_ =	shalt  }
0x71: {  	_ =	shalt  }
0x72: {  	_ =	shalt  }
0x73: {  	_ =	shalt  }
0x74: {  	_ =	shalt  }
0x75: {  	_ =	shalt  }
0x76: {  	_ =	shalt  }
0x77: {  	_ =	shalt  }
0x78: {  	_ =	shalt  }
0x79: {  	_ =	shalt  }
0x7a: {  	_ =	shalt  }
0x7b: {  	_ =	shalt  }
0x7c: {  	_ =	shalt  }
0x7d: {  	_ =	shalt  }
0x7e: {  	_ =	shalt  }
0x7f: {  	_ =	shalt  }
0x80: {  	_ =	shalt  }
0x81: {  	_ =	shalt  }
0x82: {  	_ =	shalt  }
0x83: {  	_ =	shalt  }
0x84: {  	_ =	shalt  }
0x85: {  	_ =	shalt  }
0x86: {  	_ =	shalt  }
0x87: {  	_ =	shalt  }
.Lfunc_end0:
.L_simem_size_0:
called_computation.1_lowered:
.L_overlay_start_0:
0x88: {  	s2 =	sld [smem:$0x3FD9]  }
0x89: {  	s3 =	sld [smem:$0x3FFE];
	_ =	sdelay $0x1  }
0x8a: {  	s1 =	srdreg.scid  }
0x8b: {  	s0 =	sand.u32 $0x1, s1  }
0x8c: {  	s17 =	sshll.u32 s0, $0xA;
	s2 =	sadd.s32 s3, s2  }
0x8d: {  	s2 =	sadd.s32 s2, s17  }
0x8e: {  	[smem:$0x3FBE] =	sst s2  }
0x8f: {  	_ = 	snop  }
0x90: {  	s18 =	sld [smem:$0x3FD0];
	(tm) =	ssettm $0x1  }
0x91: {  	s19 =	sld [smem:$0x3FFB];
	_ =	sdelay $0x3  }
0x92: {  	_ =	strace s19  }
0x93: {  	s2 =	sld [smem:$0x3FFC];
	_ =	sdelay $0x3  }
0x94: {  	_ =	strace s2  }
0x95: {  	s2 =	sld [smem:$0x3FFD];
	_ =	sdelay $0x3  }
0x96: {  	_ =	strace s2  }
0x97: {  	_ =	strace $0x8FFFFFFF  }
0x98: {  	s20 =	sld [smem:$0x3FDB];
	_ =	sdelay $0x1  }
0x99: {  	s4 =	simm.s32 $_scs_section_size  }
0x9a: {  	s5 =	simm.s32 $_size__tile_overlayer_lowered;
	s6 =	simm.s32 $_tile_overlayer_lowered  }
0x9b: {  	s7 =	simm.s32 $0x1BFF;
	s21 =	sshll.u32 s6, $0x1;
	s4 =	sadd.s32 s4, s20  }
0x9c: {  	s22 =	simm.s32 $0x0;
	s5 =	sshll.u32 s5, $0x1;
	s6 =	sadd.s32 s21, s4  }
0x9d: {  	[timem:s22], [sflag:s7] =	dma.local [hbm:s6], s5  }
0x9e: {  	_ =	swait.ge [sflag:s7], s5  }
0x9f: {  	s5 =	ssub.s32 $0x0, s5;
	[sflag:s7] =	ssyncset.done $0x0  }
0xa0: {  	[sflag:s7] =	ssyncadd.s32 s5;
	_ =	sdelay $0x1  }
0xa1: {  	s23 =	simm.s32 $0x1B8B  }
0xa2: {  	_ =	swait.ge [sflag:s23], $0x1  }
0xa3: {  	[sflag:s23] =	ssyncset.done $0x0  }
0xa4: {  	[sflag:s23] =	ssyncadd.s32 $0xFFFFFFFF  }
0xa5: {  	s5 =	sld [smem:$0x0]  }
0xa6: {  	s6 =	sand.u32 $0xFFFFFFFE, s1  }
0xa7: {  	p0 =	sne.s32 s1, s6  }
0xa8: {  	s6 =	sshll.u32 @p0 s6, $0xE  }
0xa9: {  	s6 =	sadd.s32 @p0 $0x11B8D, s6;
	s7 =	sshll.u32 @p0 s5, $0x11  }
0xaa: {  	s6 =	sor.u32 @p0 s7, s6  }
0xab: {  	[sflag:s6] =	ssyncadd.remote.s32 @p0 $0x1;
	_ =	sdelay $0x1  }
0xac: {  	s6 =	simm.s32 @p0 $0x1B8D  }
0xad: {  	_ =	swait.eq @p0 [sflag:s6], $0x1  }
0xae: {  	[sflag:s6] =	ssyncadd.s32 @p0 $0xFFFFFFFF  }
0xaf: {  	s7 =	sshll.u32 @!p0 s1, $0xE  }
0xb0: {  	s7 =	sor.u32 @!p0 $0x4000, s7;
	s6 =	simm.s32 @!p0 $0x1B8D  }
0xb1: {  	s5 =	sshll.u32 @!p0 s5, $0x11;
	s7 =	sadd.s32 @!p0 $0x11B8D, s7;
	_ =	swait.eq @!p0 [sflag:s6], $0x1  }
0xb2: {  	s5 =	sor.u32 @!p0 s5, s7;
	[sflag:s6] =	ssyncadd.s32 @!p0 $0xFFFFFFFF  }
0xb3: {  	s25 =	simm.s32 $0x1B8E;
	s24 =	sld [smem:$0x3FFE];
	[sflag:s5] =	ssyncadd.remote.s32 @!p0 $0x1  }
0xb4: {  	s26 =	simm.s32 $execute0_lowered;
	[smem:$0x3FD2] =	sst s25  }
0xb5: {  	s6 =	sshll.u32 s26, $0x1;
	_ =	strace $0x8000004C;
	[dreg:$0x1] =	wrdreg $0xFFFFFFFF  }
0xb6: {  	s28 =	simm.s32 $_size_execute0_lowered;
	s4 =	sadd.s32 s4, s6;
	[dreg:$0x0] =	wrdreg $0x0  }
0xb7: {  	s6 =	sshll.u32 s28, $0x1;
	[dreg:$0x2] =	wrdreg s4  }
0xb8: {  	[dreg:$0x3] =	wrdreg s6  }
0xb9: {  	[dreg:$0x4] =	wrdreg $0xC0  }
0xba: {  	_ =	task [dreg:s22], $0x5FFFF  }
0xbb: {  	[dreg:$0x1] =	wrdreg $0xFFFFFFFF  }
0xbc: {  	[dreg:$0x0] =	wrdreg $0x60  }
0xbd: {  	[dreg:$0x2] =	wrdreg s18  }
0xbe: {  	[dreg:$0x3] =	wrdreg s24  }
0xbf: {  	[dreg:$0x4] =	wrdreg $0xA  }
0xc0: {  	_ =	task.clear_ibuf [dreg:s22], $0x5FFFF;
	_ =	strace $0x9000004C  }
0xc1: {  	s29 =	simm.s32 $0xA;
	_ =	strace $0x8000004E  }
0xc2: {  	_ =	swait.ge [sflag:s29], $0x1  }
0xc3: {  	[sflag:s29] =	ssyncadd.s32 $0xFFFFFFFF  }
0xc4: {  	_ =	strace $0x9000004E  }
0xc5: {  	_ =	sfence  }
0xc6: {  	s30 =	sld [smem:$0x0];
	_ =	sdelay $0x2  }
0xc7: {  	s31 =	sshll.u32 s1, $0xD;
	s1 =	sshrl.u32 s1, $0x2  }
0xc8: {  	s4 =	sand.u32 $0x4000, s31;
	s1 =	sadd.s32 s1, s30  }
0xc9: {  	s0 =	sor.u32 s4, s0;
	s1 =	sshll.u32 s1, $0x11  }
0xca: {  	s0 =	sor.u32 s1, s0  }
0xcb: {  	s0 =	sadd.s32 $0x8F2B, s0  }
0xcc: {  	[sflag:s0] =	ssyncadd.remote.s32 $0x1  }
0xcd: {  	_ =	sfence.sel $0xFFFF  }
0xce: {  	[dreg:$0x0] =	wrdreg $0xFFFFFFFF;
	(pc) =	sbr.abs _section_cstart, $3  }
0xcf: {  	[dreg:$0x1] =	wrdreg $0xFFFFFFFF  }
0xd0: {  	_ =	task.clear_ibuf [dreg:s22], $0x2FFFF;
	_ =	strace $0x9FFFFFFF  }
0xd1: {  	(tm) =	ssettm $0x7FFFFFFF  }
tec
execute0_lowered:
.L_overlay_start_1:
0x0: {  	(tag) =	ssettag $0x1  }
0x1: {  	s0 =	srdreg.scid  }
0x2: {  	s9 =	stileid.u32;
	s1 =	rddreg [dreg:$0x0]  }
0x3: {  	s4 =	rddreg [dreg:$0x1];
	s14 =	simm.s32 $0x9;
	s15 =	simm.s32 $0x60  }
0x4: {  	s16 =	simm.s32 $0x1980;
	s17 =	simm.s32 $0x3180;
	s18 =	simm.s32 $0x1  }
0x5: {  	s20 =	simm.s32 $0x4980;
	s21 =	simm.s32 $0x2;
	s23 =	simm.s32 $0x6180  }
0x6: {  	s28 =	simm.s32 $0x6;
	s29 =	simm.s32 $0x7;
	s30 =	simm.s32 $0x8  }
0x7: {  	s0 =	sand.u32 $0x1, s0;
	s2 =	sshll.u32 s9, $0x1;
	s9 =	smul.u32 $0x3300, s9  }
0x8: {  	s5 =	sor.u32 s0, s2;
	s8 =	ssub.s32 $0x2, s0;
	s0 =	smul.u32 $0x1980, s0  }
0x9: {  	s31 =	simm.s32 $0x0;
	s3 =	sadd.s32 $0x17E00, s4;
	s6 =	smul.u32 $0x1980, s5  }
0xa: {  	s4 =	sadd.s32 $0xB14A00, s4;
	s2 =	simm.s32 $0x0;
	s7 =	smul.u32 $0xCC00, s5  }
0xb: {  	[smem:$0x7FF] =	sst s2;
	s5 =	smul.u32 $0x66000, s5;
	s10 =	sshrl.u32 s8, $0x1  }
0xc: {  	_ =	strace $0x8000004D;
	s10 =	ssub.s32 s8, s10;
	s0 =	sadd.s32 s0, s9  }
0xd: {  	s6 =	sshrl.u32 s6, $0x3;
	s24 =	sshrl.u32 s5, $0x3;
	s5 =	sadd.s32 s4, s7  }
0xe: {  	s0 =	sshll.u32 s0, $0x3;
	s9 =	smax.u32 s10, $0x1;
	s1 =	sadd.s32 s1, s6  }
0xf: {  	s25 =	sadd.s32 $0x300, s5;
	s0 =	sadd.s32 s4, s0;
	[dreg:$0x3] =	wrdreg s1  }
0x10: {  	s1 =	sadd.s32 s4, s24;
	[dreg:$0x4] =	wrdreg s25;
	s10 =	sadd.s32 $0x900, s0  }
0x11: {  	s11 =	sadd.s32 $0x600, s0;
	s12 =	sadd.s32 $0xF00, s0;
	s13 =	sadd.s32 $0xC00, s0  }
0x12: {  	s24 =	simm.s32 $0x3;
	s25 =	simm.s32 $0x5;
	s26 =	sadd.s32 $0xC600, s1  }
0x13: {  	s8 =	sadd.s32 $0xC900, s1;
	[dreg:$0x5] =	wrdreg s26;
	s26 =	simm.s32 $0x4  }
.LBB2_1:
0x14: {  	s0 =	rddreg [dreg:$0x3]  }
0x15: {  	[tilespmem:s2], [sflag:$0x9] =	stream.linear.gather [hbm4b:s0+s2], $0x1980, $0x38;
	[tilespmem:$0x7980] =	vst v63  }
0x16: {  	_ =	swait.ge [sflag:s14], $0x1980  }
0x17: {  	[sflag:s14] =	ssyncset.done $0x0  }
0x18: {  	[sflag:s14] =	ssyncadd.s32 $0xFFFFE680  }
0x19: {  	[tilespmem:s16], [sflag:$0x1] =	stream.indirect.gather [hbm4b:s3+s15], $0x40, s2, s15, $0xb8;
	[tilespmem:$0x7980] =	vst v63  }
0x1a: {  	_ = 	snop  }
0x1b: {  	[tilespmem:s17], [sflag:$0x2] =	stream.indirect.gather [hbm4b:s3+s15], $0x40, s15, s15, $0xb8;
	[tilespmem:$0x7980] =	vst v63  }
0x1c: {  	_ =	swait.ge [sflag:s18], $0x1800  }
0x1d: {  	[sflag:s18] =	ssyncset.done $0x0  }
0x1e: {  	[sflag:s18] =	ssyncadd.s32 $0xFFFFE800  }
0x1f: {  	[hbm4b:s5+s2] =	stream.linear.scatter [tilespmem:s16], [sflag:$0x5], $0x1800, $0x38;
	[tilespmem:$0x7980] =	vst v63  }
0x20: {  	s1 =	simm.s32 $0xC0  }
0x21: {  	[tilespmem:s20], [sflag:$0x3] =	stream.indirect.gather [hbm4b:s3+s15], $0x40, s1, s15, $0xb8;
	[tilespmem:$0x7980] =	vst v63  }
0x22: {  	_ =	swait.ge [sflag:s21], $0x1800  }
0x23: {  	[sflag:s21] =	ssyncset.done $0x0  }
0x24: {  	s4 =	rddreg [dreg:$0x4];
	[sflag:s21] =	ssyncadd.s32 $0xFFFFE800  }
0x25: {  	[hbm4b:s4+s2] =	stream.linear.scatter [tilespmem:s17], [sflag:$0x6], $0x1800, $0x38;
	[tilespmem:$0x7980] =	vst v63  }
0x26: {  	s6 =	simm.s32 $0x120  }
0x27: {  	[tilespmem:s23], [sflag:$0x4] =	stream.indirect.gather [hbm4b:s3+s15], $0x40, s6, s15, $0xb8;
	[tilespmem:$0x7980] =	vst v63  }
0x28: {  	_ =	swait.ge [sflag:s24], $0x1800  }
0x29: {  	[sflag:s24] =	ssyncset.done $0x0  }
0x2a: {  	[sflag:s24] =	ssyncadd.s32 $0xFFFFE800  }
0x2b: {  	[hbm4b:s11+s2] =	stream.linear.scatter [tilespmem:s20], [sflag:$0x7], $0x1800, $0x38;
	[tilespmem:$0x7980] =	vst v63  }
0x2c: {  	_ =	swait.ge [sflag:s25], $0x1800  }
0x2d: {  	[sflag:s25] =	ssyncset.done $0x0  }
0x2e: {  	s7 =	simm.s32 $0x180;
	[sflag:s25] =	ssyncadd.s32 $0xFFFFE800  }
0x2f: {  	[tilespmem:s16], [sflag:$0x1] =	stream.indirect.gather [hbm4b:s3+s15], $0x40, s7, s15, $0xb8;
	[tilespmem:$0x7980] =	vst v63  }
0x30: {  	_ =	swait.ge [sflag:s26], $0x1800  }
0x31: {  	[sflag:s26] =	ssyncset.done $0x0  }
0x32: {  	[sflag:s26] =	ssyncadd.s32 $0xFFFFE800  }
0x33: {  	[hbm4b:s10+s2] =	stream.linear.scatter [tilespmem:s23], [sflag:$0x8], $0x1800, $0x38;
	[tilespmem:$0x7980] =	vst v63  }
0x34: {  	_ =	swait.ge [sflag:s28], $0x1800  }
0x35: {  	[sflag:s28] =	ssyncset.done $0x0  }
0x36: {  	s19 =	simm.s32 $0x1E0;
	[sflag:s28] =	ssyncadd.s32 $0xFFFFE800  }
0x37: {  	[tilespmem:s17], [sflag:$0x2] =	stream.indirect.gather [hbm4b:s3+s15], $0x40, s19, s15, $0xb8;
	[tilespmem:$0x7980] =	vst v63  }
0x38: {  	_ =	swait.ge [sflag:s18], $0x1800  }
0x39: {  	[sflag:s18] =	ssyncset.done $0x0  }
0x3a: {  	[sflag:s18] =	ssyncadd.s32 $0xFFFFE800  }
0x3b: {  	[hbm4b:s13+s2] =	stream.linear.scatter [tilespmem:s16], [sflag:$0x5], $0x1800, $0x38;
	[tilespmem:$0x7980] =	vst v63  }
0x3c: {  	_ =	swait.ge [sflag:s29], $0x1800  }
0x3d: {  	[sflag:s29] =	ssyncset.done $0x0  }
0x3e: {  	s22 =	simm.s32 $0x240;
	[sflag:s29] =	ssyncadd.s32 $0xFFFFE800  }
0x3f: {  	[tilespmem:s20], [sflag:$0x3] =	stream.indirect.gather [hbm4b:s3+s15], $0x40, s22, s15, $0xb8;
	[tilespmem:$0x7980] =	vst v63  }
0x40: {  	_ =	swait.ge [sflag:s21], $0x1800  }
0x41: {  	[sflag:s21] =	ssyncset.done $0x0  }
0x42: {  	[sflag:s21] =	ssyncadd.s32 $0xFFFFE800  }
0x43: {  	[hbm4b:s12+s2] =	stream.linear.scatter [tilespmem:s17], [sflag:$0x6], $0x1800, $0x38;
	[tilespmem:$0x7980] =	vst v63  }
0x44: {  	s0 =	sadd.s32 $0xC00, s13;
	s1 =	simm.s32 $0x600;
	_ =	swait.ge [sflag:s30], $0x1800  }
0x45: {  	s4 =	sadd.s32 $0xC00, s10;
	s6 =	simm.s32 $0x2A0;
	[sflag:s30] =	ssyncset.done $0x0  }
0x46: {  	s19 =	sadd.s32 $0xC00, s11;
	s22 =	sadd.s32 $0xC00, s12;
	[sflag:s30] =	ssyncadd.s32 $0xFFFFE800  }
.LBB2_2:
0x47: {  	[tilespmem:s23], [sflag:$0x4] =	stream.indirect.gather [hbm4b:s3+s15], $0x40, s6, s15, $0xb8;
	[tilespmem:$0x7980] =	vst v63  }
0x48: {  	s6 =	smov.u32 s1  }
0x49: {  	p0 =	sne.s32 s1, $0x5A00;
	s1 =	sadd.s32 $0x600, s1;
	_ =	swait.ge [sflag:s24], $0x1800  }
0x4a: {  	[sflag:s24] =	ssyncset.done $0x0  }
0x4b: {  	[sflag:s24] =	ssyncadd.s32 $0xFFFFE800  }
0x4c: {  	[hbm4b:s19+s2] =	stream.linear.scatter [tilespmem:s20], [sflag:$0x7], $0x1800, $0x38;
	[tilespmem:$0x7980] =	vst v63  }
0x4d: {  	_ =	swait.ge [sflag:s25], $0x1800  }
0x4e: {  	s6 =	sshra.s32 s6, $0x2;
	[sflag:s25] =	ssyncset.done $0x0  }
0x4f: {  	s7 =	sadd.s32 $0x180, s6;
	[sflag:s25] =	ssyncadd.s32 $0xFFFFE800  }
0x50: {  	[tilespmem:s16], [sflag:$0x1] =	stream.indirect.gather [hbm4b:s3+s15], $0x40, s7, s15, $0xb8;
	[tilespmem:$0x7980] =	vst v63  }
0x51: {  	_ =	swait.ge [sflag:s26], $0x1800  }
0x52: {  	[sflag:s26] =	ssyncset.done $0x0  }
0x53: {  	[sflag:s26] =	ssyncadd.s32 $0xFFFFE800  }
0x54: {  	[hbm4b:s4+s2] =	stream.linear.scatter [tilespmem:s23], [sflag:$0x8], $0x1800, $0x38;
	[tilespmem:$0x7980] =	vst v63  }
0x55: {  	_ =	swait.ge [sflag:s28], $0x1800  }
0x56: {  	[sflag:s28] =	ssyncset.done $0x0  }
0x57: {  	s7 =	sadd.s32 $0x1E0, s6;
	[sflag:s28] =	ssyncadd.s32 $0xFFFFE800  }
0x58: {  	[tilespmem:s17], [sflag:$0x2] =	stream.indirect.gather [hbm4b:s3+s15], $0x40, s7, s15, $0xb8;
	[tilespmem:$0x7980] =	vst v63  }
0x59: {  	_ =	swait.ge [sflag:s18], $0x1800  }
0x5a: {  	[sflag:s18] =	ssyncset.done $0x0  }
0x5b: {  	[sflag:s18] =	ssyncadd.s32 $0xFFFFE800  }
0x5c: {  	[hbm4b:s0+s2] =	stream.linear.scatter [tilespmem:s16], [sflag:$0x5], $0x1800, $0x38;
	[tilespmem:$0x7980] =	vst v63  }
0x5d: {  	_ =	swait.ge [sflag:s29], $0x1800  }
0x5e: {  	[sflag:s29] =	ssyncset.done $0x0  }
0x5f: {  	s7 =	sadd.s32 $0x240, s6;
	[sflag:s29] =	ssyncadd.s32 $0xFFFFE800  }
0x60: {  	[tilespmem:s20], [sflag:$0x3] =	stream.indirect.gather [hbm4b:s3+s15], $0x40, s7, s15, $0xb8;
	[tilespmem:$0x7980] =	vst v63  }
0x61: {  	_ =	swait.ge [sflag:s21], $0x1800  }
0x62: {  	[sflag:s21] =	ssyncset.done $0x0  }
.Ltmp0:
0x63: {  	[sflag:s21] =	ssyncadd.s32 $0xFFFFE800;
	(pc) =	sbr.rel @p0 .LBB2_2-.Ltmp0, $4  }
0x64: {  	[hbm4b:s22+s2] =	stream.linear.scatter [tilespmem:s17], [sflag:$0x6], $0x1800, $0x38;
	[tilespmem:$0x7980] =	vst v63  }
0x65: {  	s0 =	sadd.s32 $0xC00, s0;
	_ =	swait.ge [sflag:s30], $0x1800  }
0x66: {  	s19 =	sadd.s32 $0xC00, s19;
	s22 =	sadd.s32 $0xC00, s22;
	[sflag:s30] =	ssyncset.done $0x0  }
0x67: {  	s4 =	sadd.s32 $0xC00, s4;
	s6 =	sadd.s32 $0x2A0, s6;
	[sflag:s30] =	ssyncadd.s32 $0xFFFFE800  }
0x68: {  	[tilespmem:s23], [sflag:$0x4] =	stream.indirect.gather [hbm4b:s3+s15], $0x40, s6, s15, $0xb8;
	[tilespmem:$0x7980] =	vst v63  }
0x69: {  	_ =	swait.ge [sflag:s24], $0x1800  }
0x6a: {  	[sflag:s24] =	ssyncset.done $0x0  }
0x6b: {  	s0 =	rddreg [dreg:$0x5];
	[sflag:s24] =	ssyncadd.s32 $0xFFFFE800  }
0x6c: {  	[hbm4b:s0+s2] =	stream.linear.scatter [tilespmem:s20], [sflag:$0x7], $0x1800, $0x38;
	[tilespmem:$0x7980] =	vst v63  }
0x6d: {  	_ =	swait.ge [sflag:s26], $0x1800  }
0x6e: {  	[sflag:s26] =	ssyncset.done $0x0  }
0x6f: {  	[sflag:s26] =	ssyncadd.s32 $0xFFFFE800  }
0x70: {  	[hbm4b:s8+s2] =	stream.linear.scatter [tilespmem:s23], [sflag:$0x8], $0x1800, $0x38;
	[tilespmem:$0x7980] =	vst v63  }
0x71: {  	_ =	swait.ge [sflag:s25], $0x1800  }
0x72: {  	[sflag:s25] =	ssyncset.done $0x0  }
0x73: {  	[sflag:s25] =	ssyncadd.s32 $0xFFFFE800  }
0x74: {  	_ =	swait.ge [sflag:s28], $0x1800  }
0x75: {  	[sflag:s28] =	ssyncset.done $0x0  }
0x76: {  	s31 =	sadd.s32 $0x1, s31;
	[sflag:s28] =	ssyncadd.s32 $0xFFFFE800  }
0x77: {  	p0 =	sne.s32 s31, s9;
	_ =	swait.ge [sflag:s29], $0x1800  }
.Ltmp1:
0x78: {  	[sflag:s29] =	ssyncset.done $0x0;
	(pc) =	sbr.rel @p0 .LBB2_1-.Ltmp1, $4  }
0x79: {  	[sflag:s29] =	ssyncadd.s32 $0xFFFFE800  }
0x7a: {  	_ =	swait.ge [sflag:s30], $0x1800  }
0x7b: {  	[sflag:s30] =	ssyncset.done $0x0  }
0x7c: {  	[sflag:s30] =	ssyncadd.s32 $0xFFFFE800  }
0x7d: {  	_ =	sfence.sel $0x180000  }
0x7e: {  	[bflag:$0x0] =	sbarrier.arrive $0xFFFF  }
0x7f: {  	_ =	strace $0x9000004D  }
0x80: {  	s0 =	stileid.u32;
	[bflag:$0x2] =	sbarrier.arrive $0xFFFF  }
0x81: {  	p0 =	sne.s32 s0, $0x0;
	s0 =	rddreg [dreg:$0x2]  }
0x82: {  	s0 =	sadd.s32 @!p0 $0x100000, s0  }
0x83: {  	[sflag:s0] =	ssyncadd.tile.s32 @!p0 $0x1;
	_ =	shalt  }
.Lfunc_end2:
_tile_overlayer_lowered:
.L_overlay_start_2:
0x84: {  	(tag) =	ssettag $0x2  }
0x85: {  	s0 =	rddreg [dreg:$0x0];
	s2 =	stileid.u32  }
0x86: {  	s1 =	rddreg [dreg:$0x1];
	p0 =	sne.s32 s2, $0x0  }
0x87: {  	s3 =	rddreg [dreg:$0x2];
	[bflag:$0x3] =	sbarrier.arrive $0xFFFF;
	s2 =	simm.s32 @!p0 $0x1C09  }
0x88: {  	[timem:s3], [sflag:s2] =	dma.local @!p0 [hbm:s0], s1  }
0x89: {  	s0 =	simm.s32 @!p0 $0x9  }
0x8a: {  	_ =	swait.ge @!p0 [sflag:s0], s1  }
0x8b: {  	s1 =	ssub.s32 @!p0 $0x0, s1;
	[sflag:s0] =	ssyncset.done @!p0 $0x0  }
0x8c: {  	[sflag:s0] =	ssyncadd.s32 @!p0 s1  }
0x8d: {  	[bflag:$0x3] =	sbarrier.arrive $0xFFFF  }
0x8e: {  	_ =	shalt  }

// kernel: kernel.17.cloned.1.call-start
scs
__scs_entry_jumppad:
0x0: {  	(pc) =	sbr.rel $0x88, $3  }
0x1: {  	(tag) =	ssettag $0x0;
	lr =	simm.s32 $0x1  }
0x2: {  	[smem:$0x3F97] =	sst lr;
	_ =	strace $0xD0000000  }
0x3: {  	_ = 	snop  }
0x4: {  	_ = 	snop  }
0x5: {  	_ = 	snop  }
0x6: {  	_ = 	snop  }
0x7: {  	_ = 	snop  }
__scs_overlays_trampoline_lowered:
0x8: {  	[smem:$0x3FA6] =	sst s0  }
0x9: {  	[smem:$0x3FA7] =	sst s1  }
0xa: {  	[smem:$0x3FA8] =	sst s2  }
0xb: {  	[smem:$0x3FA9] =	sst s3  }
0xc: {  	[smem:$0x3FAA] =	sst s4  }
0xd: {  	[smem:$0x3FAB] =	sst s5  }
0xe: {  	[smem:$0x3FAC] =	sst s6  }
0xf: {  	[smem:$0x3FAD] =	sst s7  }
0x10: {  	[smem:$0x3FAE] =	sst s8  }
0x11: {  	[smem:$0x3FAF] =	sst s9;
	s0 =	simm.s32 @!p0 $0x0  }
0x12: {  	s1 =	sld [smem:$0x3F95];
	s0 =	simm.s32 @p0 $0x1  }
0x13: {  	[smem:$0x3FB0] =	sst s0;
	s0 =	simm.s32 @!p1 $0x0  }
0x14: {  	s2 =	sld [smem:$0x3F94];
	s0 =	simm.s32 @p1 $0x1  }
0x15: {  	[smem:$0x3FB1] =	sst s0;
	s0 =	simm.s32 @!p2 $0x0  }
0x16: {  	s3 =	sld [smem:$0x3FDB];
	s0 =	simm.s32 @p2 $0x1  }
0x17: {  	s4 =	simm.s32 $0x1BF5;
	[smem:$0x3FB3] =	sst s0  }
0x18: {  	s0 =	sld [smem:$0x3F96];
	_ =	swait.ge [sflag:s4], $0x0  }
0x19: {  	s7 =	sld [smem:$0x3F97]  }
0x1a: {  	s8 =	sadd.s32 $0xFFFFE003, lr  }
0x1b: {  	s9 =	sadd.s32 $0xFFFFFEF7, lr;
	s5 =	simm.s32 $0xFFFFFFFF;
	p2 =	slt.u32 s8, $0xFFFFF086  }
0x1c: {  	p1 =	slt.u32 s9, $0xF7A;
	s5 =	simm.s32 @!p2 $0x0  }
0x1d: {  	s5 =	simm.s32 @p1 $0x1;
	p0 =	seq.s32 s7, s2  }
0x1e: {  	s7 =	smul.u32 @!p0 $0xF7A, s2;
	p2 =	seq.s32 @!p0 s5, $0x0  }
0x1f: {  	s9 =	smul.u32 $0xF7A, s1;
	s8 =	simm.s32 @!p0 $0x1BF5;
	p2 =	por !p2, p0  }
0x20: {  	[sflag:s8] =	ssyncset.s32 @!p0 $0xFFFFF086;
	s6 =	sadd.s32 @!p0 s3, s7;
	s7 =	simm.s32 @!p0 $0x108  }
0x21: {  	s3 =	sadd.s32 s3, s9;
	s6 =	sadd.s32 @!p0 $0x88, s6;
	s7 =	simm.s32 @p2 $0x1082  }
0x22: {  	[simem:s7], [sflag:s8] =	dma.local @!p0 [hbm:s6], $0xF7A  }
0x23: {  	s9 =	sor.u32 $0xD0000000, s2;
	s6 =	simm.s32 $0x108;
	_ =	swait.ge @!p0 [sflag:s8], $0x0  }
0x24: {  	s3 =	sadd.s32 $0x88, s3;
	s6 =	simm.s32 @!p1 $0x1082;
	[sflag:s4] =	ssyncset.s32 $0xFFFFF086  }
0x25: {  	[simem:s6], [sflag:s4] =	dma.local [hbm:s3], $0xF7A  }
0x26: {  	[smem:$0x3F97] =	sst s1;
	(tag) =	ssettag s2;
	_ =	strace s9  }
0x27: {  	s1 =	sld [smem:$0x3FA7]  }
0x28: {  	s2 =	sld [smem:$0x3FA8]  }
0x29: {  	s4 =	sld [smem:$0x3FAA]  }
0x2a: {  	p0 =	seq.s32 s5, $0x0;
	s5 =	sld [smem:$0x3FAB]  }
0x2b: {  	s6 =	sld [smem:$0x3FAC]  }
0x2c: {  	s7 =	sld [smem:$0x3FAD]  }
0x2d: {  	s3 =	simm.s32 $0x108;
	s8 =	sld [smem:$0x3FAE]  }
0x2e: {  	s3 =	simm.s32 @!p0 $0x1082;
	s9 =	sld [smem:$0x3FAF]  }
0x2f: {  	lr =	sadd.s32 s0, s3;
	s0 =	sld [smem:$0x3FA6]  }
0x30: {  	s3 =	sld [smem:$0x3FA9]  }
0x31: {  	[smem:$0x3FB2] =	sst s10  }
0x32: {  	s10 =	sld [smem:$0x3FB0];
	_ =	sdelay $0x3  }
0x33: {  	p0 =	seq.s32 s10, $0x1;
	s10 =	sld [smem:$0x3FB2];
	_ =	sdelay $0x3  }
0x34: {  	[smem:$0x3FB2] =	sst s10  }
0x35: {  	s10 =	sld [smem:$0x3FB1];
	_ =	sdelay $0x3  }
0x36: {  	p1 =	seq.s32 s10, $0x1;
	s10 =	sld [smem:$0x3FB2];
	_ =	sdelay $0x3  }
0x37: {  	[smem:$0x3FB2] =	sst s10  }
0x38: {  	s10 =	sld [smem:$0x3FB3]  }
0x39: {  	_ = 	snop;
	(pc) =	sbr.ind lr, $3  }
0x3a: {  	_ = 	snop  }
0x3b: {  	_ = 	snop  }
0x3c: {  	p2 =	seq.s32 s10, $0x1;
	s10 =	sld [smem:$0x3FB2]  }
0x3d: {  	_ =	shalt  }
0x3e: {  	_ =	shalt  }
0x3f: {  	_ =	shalt  }
0x40: {  	_ =	shalt  }
0x41: {  	_ =	shalt  }
0x42: {  	_ =	shalt  }
0x43: {  	_ =	shalt  }
0x44: {  	_ =	shalt  }
0x45: {  	_ =	shalt  }
0x46: {  	_ =	shalt  }
0x47: {  	_ =	shalt  }
0x48: {  	_ =	shalt  }
0x49: {  	_ =	shalt  }
0x4a: {  	_ =	shalt  }
0x4b: {  	_ =	shalt  }
0x4c: {  	_ =	shalt  }
0x4d: {  	_ =	shalt  }
0x4e: {  	_ =	shalt  }
0x4f: {  	_ =	shalt  }
0x50: {  	_ =	shalt  }
0x51: {  	_ =	shalt  }
0x52: {  	_ =	shalt  }
0x53: {  	_ =	shalt  }
0x54: {  	_ =	shalt  }
0x55: {  	_ =	shalt  }
0x56: {  	_ =	shalt  }
0x57: {  	_ =	shalt  }
0x58: {  	_ =	shalt  }
0x59: {  	_ =	shalt  }
0x5a: {  	_ =	shalt  }
0x5b: {  	_ =	shalt  }
0x5c: {  	_ =	shalt  }
0x5d: {  	_ =	shalt  }
0x5e: {  	_ =	shalt  }
0x5f: {  	_ =	shalt  }
0x60: {  	_ =	shalt  }
0x61: {  	_ =	shalt  }
0x62: {  	_ =	shalt  }
0x63: {  	_ =	shalt  }
0x64: {  	_ =	shalt  }
0x65: {  	_ =	shalt  }
0x66: {  	_ =	shalt  }
0x67: {  	_ =	shalt  }
0x68: {  	_ =	shalt  }
0x69: {  	_ =	shalt  }
0x6a: {  	_ =	shalt  }
0x6b: {  	_ =	shalt  }
0x6c: {  	_ =	shalt  }
0x6d: {  	_ =	shalt  }
0x6e: {  	_ =	shalt  }
0x6f: {  	_ =	shalt  }
0x70: {  	_ =	shalt  }
0x71: {  	_ =	shalt  }
0x72: {  	_ =	shalt  }
0x73: {  	_ =	shalt  }
0x74: {  	_ =	shalt  }
0x75: {  	_ =	shalt  }
0x76: {  	_ =	shalt  }
0x77: {  	_ =	shalt  }
0x78: {  	_ =	shalt  }
0x79: {  	_ =	shalt  }
0x7a: {  	_ =	shalt  }
0x7b: {  	_ =	shalt  }
0x7c: {  	_ =	shalt  }
0x7d: {  	_ =	shalt  }
0x7e: {  	_ =	shalt  }
0x7f: {  	_ =	shalt  }
0x80: {  	_ =	shalt  }
0x81: {  	_ =	shalt  }
0x82: {  	_ =	shalt  }
0x83: {  	_ =	shalt  }
0x84: {  	_ =	shalt  }
0x85: {  	_ =	shalt  }
0x86: {  	_ =	shalt  }
0x87: {  	_ =	shalt  }
.Lfunc_end0:
.L_simem_size_0:
called_computation.2_lowered:
.L_overlay_start_0:
0x88: {  	s2 =	sld [smem:$0x3FD9]  }
0x89: {  	s3 =	sld [smem:$0x3FFE];
	_ =	sdelay $0x1  }
0x8a: {  	s1 =	srdreg.scid  }
0x8b: {  	s0 =	sand.u32 $0x1, s1  }
0x8c: {  	s17 =	sshll.u32 s0, $0xA;
	s2 =	sadd.s32 s3, s2  }
0x8d: {  	s2 =	sadd.s32 s2, s17  }
0x8e: {  	[smem:$0x3FBE] =	sst s2  }
0x8f: {  	_ = 	snop  }
0x90: {  	(tm) =	ssettm $0x1  }
0x91: {  	s18 =	sld [smem:$0x3FFB];
	_ =	sdelay $0x3  }
0x92: {  	_ =	strace s18  }
0x93: {  	s2 =	sld [smem:$0x3FFC];
	_ =	sdelay $0x3  }
0x94: {  	_ =	strace s2  }
0x95: {  	s2 =	sld [smem:$0x3FFD];
	_ =	sdelay $0x3  }
0x96: {  	_ =	strace s2  }
0x97: {  	_ =	strace $0x8FFFFFFF  }
0x98: {  	s19 =	sld [smem:$0x3FDB];
	_ =	sdelay $0x1  }
0x99: {  	s20 =	simm.s32 $_scs_section_size  }
0x9a: {  	s4 =	simm.s32 $_size__tile_overlayer_lowered;
	s5 =	simm.s32 $_tile_overlayer_lowered  }
0x9b: {  	s6 =	simm.s32 $0x1BFF;
	s21 =	sshll.u32 s5, $0x1;
	s3 =	sadd.s32 s20, s19  }
0x9c: {  	s22 =	simm.s32 $0x0;
	s4 =	sshll.u32 s4, $0x1;
	s5 =	sadd.s32 s21, s3  }
0x9d: {  	[timem:s22], [sflag:s6] =	dma.local [hbm:s5], s4  }
0x9e: {  	_ =	swait.ge [sflag:s6], s4  }
0x9f: {  	s4 =	ssub.s32 $0x0, s4;
	[sflag:s6] =	ssyncset.done $0x0  }
0xa0: {  	[sflag:s6] =	ssyncadd.s32 s4;
	_ =	sdelay $0x1  }
0xa1: {  	s23 =	simm.s32 $0x1B8B  }
0xa2: {  	_ =	swait.ge [sflag:s23], $0x1  }
0xa3: {  	[sflag:s23] =	ssyncset.done $0x0  }
0xa4: {  	[sflag:s23] =	ssyncadd.s32 $0xFFFFFFFF  }
0xa5: {  	s4 =	sld [smem:$0x0]  }
0xa6: {  	s5 =	sand.u32 $0xFFFFFFFE, s1  }
0xa7: {  	p0 =	sne.s32 s1, s5  }
0xa8: {  	s5 =	sshll.u32 @p0 s5, $0xE  }
0xa9: {  	s5 =	sadd.s32 @p0 $0x11B8D, s5;
	s6 =	sshll.u32 @p0 s4, $0x11  }
0xaa: {  	s5 =	sor.u32 @p0 s6, s5  }
0xab: {  	[sflag:s5] =	ssyncadd.remote.s32 @p0 $0x1;
	_ =	sdelay $0x1  }
0xac: {  	s5 =	simm.s32 @p0 $0x1B8D  }
0xad: {  	_ =	swait.eq @p0 [sflag:s5], $0x1  }
0xae: {  	[sflag:s5] =	ssyncadd.s32 @p0 $0xFFFFFFFF  }
0xaf: {  	s6 =	sshll.u32 @!p0 s1, $0xE  }
0xb0: {  	s6 =	sor.u32 @!p0 $0x4000, s6;
	s5 =	simm.s32 @!p0 $0x1B8D  }
0xb1: {  	s4 =	sshll.u32 @!p0 s4, $0x11;
	s6 =	sadd.s32 @!p0 $0x11B8D, s6;
	_ =	swait.eq @!p0 [sflag:s5], $0x1  }
0xb2: {  	s4 =	sor.u32 @!p0 s4, s6;
	[sflag:s5] =	ssyncadd.s32 @!p0 $0xFFFFFFFF  }
0xb3: {  	s25 =	simm.s32 $0x1B8E;
	s24 =	sld [smem:$0x3FFE];
	[sflag:s4] =	ssyncadd.remote.s32 @!p0 $0x1  }
0xb4: {  	s26 =	simm.s32 $execute0_lowered;
	[smem:$0x3FD2] =	sst s25  }
0xb5: {  	s5 =	sshll.u32 s26, $0x1;
	_ =	strace $0x80000049;
	[dreg:$0x1] =	wrdreg $0xFFFFFFFF  }
0xb6: {  	s28 =	simm.s32 $_size_execute0_lowered;
	s3 =	sadd.s32 s3, s5;
	[dreg:$0x0] =	wrdreg $0x0  }
0xb7: {  	s5 =	sshll.u32 s28, $0x1;
	[dreg:$0x2] =	wrdreg s3  }
0xb8: {  	[dreg:$0x3] =	wrdreg s5  }
0xb9: {  	[dreg:$0x4] =	wrdreg $0xC0  }
0xba: {  	_ =	task [dreg:s22], $0x5FFFF  }
0xbb: {  	[dreg:$0x1] =	wrdreg $0xFFFFFFFF  }
0xbc: {  	[dreg:$0x0] =	wrdreg $0x60  }
0xbd: {  	[dreg:$0x2] =	wrdreg s24  }
0xbe: {  	[dreg:$0x3] =	wrdreg $0xB  }
0xbf: {  	_ =	task.clear_ibuf [dreg:s22], $0x4FFFF;
	_ =	strace $0x90000049  }
0xc0: {  	s29 =	simm.s32 $0xB;
	_ =	strace $0x8000004B  }
0xc1: {  	_ =	swait.ge [sflag:s29], $0x1  }
0xc2: {  	[sflag:s29] =	ssyncadd.s32 $0xFFFFFFFF  }
0xc3: {  	_ =	strace $0x9000004B  }
0xc4: {  	_ =	sfence  }
0xc5: {  	s30 =	sld [smem:$0x0];
	_ =	sdelay $0x2  }
0xc6: {  	s31 =	sshll.u32 s1, $0xD;
	s1 =	sshrl.u32 s1, $0x2  }
0xc7: {  	s4 =	sand.u32 $0x4000, s31;
	s1 =	sadd.s32 s1, s30  }
0xc8: {  	s0 =	sor.u32 s4, s0;
	s1 =	sshll.u32 s1, $0x11  }
0xc9: {  	s0 =	sor.u32 s1, s0  }
0xca: {  	s0 =	sadd.s32 $0x8F2B, s0  }
0xcb: {  	[sflag:s0] =	ssyncadd.remote.s32 $0x1  }
0xcc: {  	_ =	sfence.sel $0xFFFF  }
0xcd: {  	[dreg:$0x0] =	wrdreg $0xFFFFFFFF;
	(pc) =	sbr.abs _section_cstart, $3  }
0xce: {  	[dreg:$0x1] =	wrdreg $0xFFFFFFFF  }
0xcf: {  	_ =	task.clear_ibuf [dreg:s22], $0x2FFFF;
	_ =	strace $0x9FFFFFFF  }
0xd0: {  	(tm) =	ssettm $0x7FFFFFFF  }
0xd1: {  	_ =	shalt  }
tec
execute0_lowered:
.L_overlay_start_1:
0x0: {  	(tag) =	ssettag $0x1  }
0x1: {  	s0 =	srdreg.scid  }
0x2: {  	s8 =	stileid.u32;
	s4 =	rddreg [dreg:$0x0]  }
0x3: {  	s2 =	simm.s32 $0x0;
	s14 =	simm.s32 $0x9;
	s15 =	simm.s32 $0x60  }
0x4: {  	s16 =	simm.s32 $0x1980;
	s17 =	simm.s32 $0x3180;
	s18 =	simm.s32 $0x1  }
0x5: {  	s20 =	simm.s32 $0x4980;
	s21 =	simm.s32 $0x2;
	s23 =	simm.s32 $0x6180  }
0x6: {  	s0 =	sand.u32 $0x1, s0;
	s1 =	sshll.u32 s8, $0x1;
	s8 =	smul.u32 $0x3300, s8  }
0x7: {  	s1 =	sor.u32 s0, s1;
	s7 =	ssub.s32 $0x2, s0;
	s0 =	smul.u32 $0x1980, s0  }
0x8: {  	s24 =	simm.s32 $0x3;
	s28 =	simm.s32 $0x6;
	s3 =	smul.u32 $0x1980, s1  }
0x9: {  	s29 =	simm.s32 $0x7;
	s30 =	simm.s32 $0x8;
	s5 =	smul.u32 $0xCC00, s1  }
0xa: {  	[smem:$0x7FF] =	sst s2;
	s1 =	smul.u32 $0x66000, s1;
	s9 =	sshrl.u32 s7, $0x1  }
0xb: {  	s31 =	simm.s32 $0x0;
	_ =	strace $0x8000004A;
	s9 =	ssub.s32 s7, s9  }
0xc: {  	s0 =	sadd.s32 s0, s8;
	s3 =	sshrl.u32 s3, $0x3;
	s1 =	sshrl.u32 s1, $0x3  }
0xd: {  	s0 =	sshll.u32 s0, $0x3;
	s6 =	sadd.s32 s3, s4;
	s3 =	sadd.s32 $0x17E00, s4  }
0xe: {  	s9 =	smax.u32 s9, $0x1;
	s4 =	sadd.s32 $0x97CA00, s4;
	s6 =	sadd.s32 $0x7DE400, s6  }
0xf: {  	s5 =	sadd.s32 s4, s5;
	s1 =	sadd.s32 s4, s1;
	s0 =	sadd.s32 s4, s0  }
0x10: {  	[dreg:$0x2] =	wrdreg s6;
	s25 =	sadd.s32 $0x300, s5;
	s26 =	sadd.s32 $0xC600, s1  }
0x11: {  	s8 =	sadd.s32 $0xC900, s1;
	s10 =	sadd.s32 $0x900, s0;
	s11 =	sadd.s32 $0x600, s0  }
0x12: {  	s12 =	sadd.s32 $0xF00, s0;
	s13 =	sadd.s32 $0xC00, s0;
	[dreg:$0x3] =	wrdreg s25  }
0x13: {  	[dreg:$0x4] =	wrdreg s26;
	s25 =	simm.s32 $0x5;
	s26 =	simm.s32 $0x4  }
.LBB2_1:
0x14: {  	s0 =	rddreg [dreg:$0x2]  }
0x15: {  	[tilespmem:s2], [sflag:$0x9] =	stream.linear.gather [hbm4b:s0+s2], $0x1980, $0x38;
	[tilespmem:$0x7980] =	vst v63  }
0x16: {  	_ =	swait.ge [sflag:s14], $0x1980  }
0x17: {  	[sflag:s14] =	ssyncset.done $0x0  }
0x18: {  	[sflag:s14] =	ssyncadd.s32 $0xFFFFE680  }
0x19: {  	[tilespmem:s16], [sflag:$0x1] =	stream.indirect.gather [hbm4b:s3+s15], $0x40, s2, s15, $0xb8;
	[tilespmem:$0x7980] =	vst v63  }
0x1a: {  	_ = 	snop  }
0x1b: {  	[tilespmem:s17], [sflag:$0x2] =	stream.indirect.gather [hbm4b:s3+s15], $0x40, s15, s15, $0xb8;
	[tilespmem:$0x7980] =	vst v63  }
0x1c: {  	_ =	swait.ge [sflag:s18], $0x1800  }
0x1d: {  	[sflag:s18] =	ssyncset.done $0x0  }
0x1e: {  	[sflag:s18] =	ssyncadd.s32 $0xFFFFE800  }
0x1f: {  	[hbm4b:s5+s2] =	stream.linear.scatter [tilespmem:s16], [sflag:$0x5], $0x1800, $0x38;
	[tilespmem:$0x7980] =	vst v63  }
0x20: {  	s1 =	simm.s32 $0xC0  }
0x21: {  	[tilespmem:s20], [sflag:$0x3] =	stream.indirect.gather [hbm4b:s3+s15], $0x40, s1, s15, $0xb8;
	[tilespmem:$0x7980] =	vst v63  }
0x22: {  	_ =	swait.ge [sflag:s21], $0x1800  }
0x23: {  	[sflag:s21] =	ssyncset.done $0x0  }
0x24: {  	s4 =	rddreg [dreg:$0x3];
	[sflag:s21] =	ssyncadd.s32 $0xFFFFE800  }
0x25: {  	[hbm4b:s4+s2] =	stream.linear.scatter [tilespmem:s17], [sflag:$0x6], $0x1800, $0x38;
	[tilespmem:$0x7980] =	vst v63  }
0x26: {  	s6 =	simm.s32 $0x120  }
0x27: {  	[tilespmem:s23], [sflag:$0x4] =	stream.indirect.gather [hbm4b:s3+s15], $0x40, s6, s15, $0xb8;
	[tilespmem:$0x7980] =	vst v63  }
0x28: {  	_ =	swait.ge [sflag:s24], $0x1800  }
0x29: {  	[sflag:s24] =	ssyncset.done $0x0  }
0x2a: {  	[sflag:s24] =	ssyncadd.s32 $0xFFFFE800  }
0x2b: {  	[hbm4b:s11+s2] =	stream.linear.scatter [tilespmem:s20], [sflag:$0x7], $0x1800, $0x38;
	[tilespmem:$0x7980] =	vst v63  }
0x2c: {  	_ =	swait.ge [sflag:s25], $0x1800  }
0x2d: {  	[sflag:s25] =	ssyncset.done $0x0  }
0x2e: {  	s7 =	simm.s32 $0x180;
	[sflag:s25] =	ssyncadd.s32 $0xFFFFE800  }
0x2f: {  	[tilespmem:s16], [sflag:$0x1] =	stream.indirect.gather [hbm4b:s3+s15], $0x40, s7, s15, $0xb8;
	[tilespmem:$0x7980] =	vst v63  }
0x30: {  	_ =	swait.ge [sflag:s26], $0x1800  }
0x31: {  	[sflag:s26] =	ssyncset.done $0x0  }
0x32: {  	[sflag:s26] =	ssyncadd.s32 $0xFFFFE800  }
0x33: {  	[hbm4b:s10+s2] =	stream.linear.scatter [tilespmem:s23], [sflag:$0x8], $0x1800, $0x38;
	[tilespmem:$0x7980] =	vst v63  }
0x34: {  	_ =	swait.ge [sflag:s28], $0x1800  }
0x35: {  	[sflag:s28] =	ssyncset.done $0x0  }
0x36: {  	s19 =	simm.s32 $0x1E0;
	[sflag:s28] =	ssyncadd.s32 $0xFFFFE800  }
0x37: {  	[tilespmem:s17], [sflag:$0x2] =	stream.indirect.gather [hbm4b:s3+s15], $0x40, s19, s15, $0xb8;
	[tilespmem:$0x7980] =	vst v63  }
0x38: {  	_ =	swait.ge [sflag:s18], $0x1800  }
0x39: {  	[sflag:s18] =	ssyncset.done $0x0  }
0x3a: {  	[sflag:s18] =	ssyncadd.s32 $0xFFFFE800  }
0x3b: {  	[hbm4b:s13+s2] =	stream.linear.scatter [tilespmem:s16], [sflag:$0x5], $0x1800, $0x38;
	[tilespmem:$0x7980] =	vst v63  }
0x3c: {  	_ =	swait.ge [sflag:s29], $0x1800  }
0x3d: {  	[sflag:s29] =	ssyncset.done $0x0  }
0x3e: {  	s22 =	simm.s32 $0x240;
	[sflag:s29] =	ssyncadd.s32 $0xFFFFE800  }
0x3f: {  	[tilespmem:s20], [sflag:$0x3] =	stream.indirect.gather [hbm4b:s3+s15], $0x40, s22, s15, $0xb8;
	[tilespmem:$0x7980] =	vst v63  }
0x40: {  	_ =	swait.ge [sflag:s21], $0x1800  }
0x41: {  	[sflag:s21] =	ssyncset.done $0x0  }
0x42: {  	[sflag:s21] =	ssyncadd.s32 $0xFFFFE800  }
0x43: {  	[hbm4b:s12+s2] =	stream.linear.scatter [tilespmem:s17], [sflag:$0x6], $0x1800, $0x38;
	[tilespmem:$0x7980] =	vst v63  }
0x44: {  	s0 =	sadd.s32 $0xC00, s13;
	s1 =	simm.s32 $0x600;
	_ =	swait.ge [sflag:s30], $0x1800  }
0x45: {  	s4 =	sadd.s32 $0xC00, s10;
	s6 =	simm.s32 $0x2A0;
	[sflag:s30] =	ssyncset.done $0x0  }
0x46: {  	s19 =	sadd.s32 $0xC00, s11;
	s22 =	sadd.s32 $0xC00, s12;
	[sflag:s30] =	ssyncadd.s32 $0xFFFFE800  }
.LBB2_2:
0x47: {  	[tilespmem:s23], [sflag:$0x4] =	stream.indirect.gather [hbm4b:s3+s15], $0x40, s6, s15, $0xb8;
	[tilespmem:$0x7980] =	vst v63  }
0x48: {  	s6 =	smov.u32 s1  }
0x49: {  	p0 =	sne.s32 s1, $0x5A00;
	s1 =	sadd.s32 $0x600, s1;
	_ =	swait.ge [sflag:s24], $0x1800  }
0x4a: {  	[sflag:s24] =	ssyncset.done $0x0  }
0x4b: {  	[sflag:s24] =	ssyncadd.s32 $0xFFFFE800  }
0x4c: {  	[hbm4b:s19+s2] =	stream.linear.scatter [tilespmem:s20], [sflag:$0x7], $0x1800, $0x38;
	[tilespmem:$0x7980] =	vst v63  }
0x4d: {  	_ =	swait.ge [sflag:s25], $0x1800  }
0x4e: {  	s6 =	sshra.s32 s6, $0x2;
	[sflag:s25] =	ssyncset.done $0x0  }
0x4f: {  	s7 =	sadd.s32 $0x180, s6;
	[sflag:s25] =	ssyncadd.s32 $0xFFFFE800  }
0x50: {  	[tilespmem:s16], [sflag:$0x1] =	stream.indirect.gather [hbm4b:s3+s15], $0x40, s7, s15, $0xb8;
	[tilespmem:$0x7980] =	vst v63  }
0x51: {  	_ =	swait.ge [sflag:s26], $0x1800  }
0x52: {  	[sflag:s26] =	ssyncset.done $0x0  }
0x53: {  	[sflag:s26] =	ssyncadd.s32 $0xFFFFE800  }
0x54: {  	[hbm4b:s4+s2] =	stream.linear.scatter [tilespmem:s23], [sflag:$0x8], $0x1800, $0x38;
	[tilespmem:$0x7980] =	vst v63  }
0x55: {  	_ =	swait.ge [sflag:s28], $0x1800  }
0x56: {  	[sflag:s28] =	ssyncset.done $0x0  }
0x57: {  	s7 =	sadd.s32 $0x1E0, s6;
	[sflag:s28] =	ssyncadd.s32 $0xFFFFE800  }
0x58: {  	[tilespmem:s17], [sflag:$0x2] =	stream.indirect.gather [hbm4b:s3+s15], $0x40, s7, s15, $0xb8;
	[tilespmem:$0x7980] =	vst v63  }
0x59: {  	_ =	swait.ge [sflag:s18], $0x1800  }
0x5a: {  	[sflag:s18] =	ssyncset.done $0x0  }
0x5b: {  	[sflag:s18] =	ssyncadd.s32 $0xFFFFE800  }
0x5c: {  	[hbm4b:s0+s2] =	stream.linear.scatter [tilespmem:s16], [sflag:$0x5], $0x1800, $0x38;
	[tilespmem:$0x7980] =	vst v63  }
0x5d: {  	_ =	swait.ge [sflag:s29], $0x1800  }
0x5e: {  	[sflag:s29] =	ssyncset.done $0x0  }
0x5f: {  	s7 =	sadd.s32 $0x240, s6;
	[sflag:s29] =	ssyncadd.s32 $0xFFFFE800  }
0x60: {  	[tilespmem:s20], [sflag:$0x3] =	stream.indirect.gather [hbm4b:s3+s15], $0x40, s7, s15, $0xb8;
	[tilespmem:$0x7980] =	vst v63  }
0x61: {  	_ =	swait.ge [sflag:s21], $0x1800  }
0x62: {  	[sflag:s21] =	ssyncset.done $0x0  }
.Ltmp0:
0x63: {  	[sflag:s21] =	ssyncadd.s32 $0xFFFFE800;
	(pc) =	sbr.rel @p0 .LBB2_2-.Ltmp0, $4  }
0x64: {  	[hbm4b:s22+s2] =	stream.linear.scatter [tilespmem:s17], [sflag:$0x6], $0x1800, $0x38;
	[tilespmem:$0x7980] =	vst v63  }
0x65: {  	s0 =	sadd.s32 $0xC00, s0;
	_ =	swait.ge [sflag:s30], $0x1800  }
0x66: {  	s19 =	sadd.s32 $0xC00, s19;
	s22 =	sadd.s32 $0xC00, s22;
	[sflag:s30] =	ssyncset.done $0x0  }
0x67: {  	s4 =	sadd.s32 $0xC00, s4;
	s6 =	sadd.s32 $0x2A0, s6;
	[sflag:s30] =	ssyncadd.s32 $0xFFFFE800  }
0x68: {  	[tilespmem:s23], [sflag:$0x4] =	stream.indirect.gather [hbm4b:s3+s15], $0x40, s6, s15, $0xb8;
	[tilespmem:$0x7980] =	vst v63  }
0x69: {  	_ =	swait.ge [sflag:s24], $0x1800  }
0x6a: {  	[sflag:s24] =	ssyncset.done $0x0  }
0x6b: {  	s0 =	rddreg [dreg:$0x4];
	[sflag:s24] =	ssyncadd.s32 $0xFFFFE800  }
0x6c: {  	[hbm4b:s0+s2] =	stream.linear.scatter [tilespmem:s20], [sflag:$0x7], $0x1800, $0x38;
	[tilespmem:$0x7980] =	vst v63  }
0x6d: {  	_ =	swait.ge [sflag:s26], $0x1800  }
0x6e: {  	[sflag:s26] =	ssyncset.done $0x0  }
0x6f: {  	[sflag:s26] =	ssyncadd.s32 $0xFFFFE800  }
0x70: {  	[hbm4b:s8+s2] =	stream.linear.scatter [tilespmem:s23], [sflag:$0x8], $0x1800, $0x38;
	[tilespmem:$0x7980] =	vst v63  }
0x71: {  	_ =	swait.ge [sflag:s25], $0x1800  }
0x72: {  	[sflag:s25] =	ssyncset.done $0x0  }
0x73: {  	[sflag:s25] =	ssyncadd.s32 $0xFFFFE800  }
0x74: {  	_ =	swait.ge [sflag:s28], $0x1800  }
0x75: {  	[sflag:s28] =	ssyncset.done $0x0  }
0x76: {  	s31 =	sadd.s32 $0x1, s31;
	[sflag:s28] =	ssyncadd.s32 $0xFFFFE800  }
0x77: {  	p0 =	sne.s32 s31, s9;
	_ =	swait.ge [sflag:s29], $0x1800  }
.Ltmp1:
0x78: {  	[sflag:s29] =	ssyncset.done $0x0;
	(pc) =	sbr.rel @p0 .LBB2_1-.Ltmp1, $4  }
0x79: {  	[sflag:s29] =	ssyncadd.s32 $0xFFFFE800  }
0x7a: {  	_ =	swait.ge [sflag:s30], $0x1800  }
0x7b: {  	[sflag:s30] =	ssyncset.done $0x0  }
0x7c: {  	[sflag:s30] =	ssyncadd.s32 $0xFFFFE800  }
0x7d: {  	_ =	sfence.sel $0x180000  }
0x7e: {  	[bflag:$0x0] =	sbarrier.arrive $0xFFFF  }
0x7f: {  	_ =	strace $0x9000004A  }
0x80: {  	s0 =	stileid.u32;
	[bflag:$0x2] =	sbarrier.arrive $0xFFFF  }
0x81: {  	p0 =	sne.s32 s0, $0x0;
	s0 =	rddreg [dreg:$0x1]  }
0x82: {  	s0 =	sadd.s32 @!p0 $0x100000, s0  }
0x83: {  	[sflag:s0] =	ssyncadd.tile.s32 @!p0 $0x1;
	_ =	shalt  }
.Lfunc_end2:
_tile_overlayer_lowered:
.L_overlay_start_2:
0x84: {  	(tag) =	ssettag $0x2  }
0x85: {  	s0 =	rddreg [dreg:$0x0];
	s2 =	stileid.u32  }
0x86: {  	s1 =	rddreg [dreg:$0x1];
	p0 =	sne.s32 s2, $0x0  }
0x87: {  	s3 =	rddreg [dreg:$0x2];
	[bflag:$0x3] =	sbarrier.arrive $0xFFFF;
	s2 =	simm.s32 @!p0 $0x1C09  }
0x88: {  	[timem:s3], [sflag:s2] =	dma.local @!p0 [hbm:s0], s1  }
0x89: {  	s0 =	simm.s32 @!p0 $0x9  }
0x8a: {  	_ =	swait.ge @!p0 [sflag:s0], s1  }
0x8b: {  	s1 =	ssub.s32 @!p0 $0x0, s1;
	[sflag:s0] =	ssyncset.done @!p0 $0x0  }
0x8c: {  	[sflag:s0] =	ssyncadd.s32 @!p0 s1  }
0x8d: {  	[bflag:$0x3] =	sbarrier.arrive $0xFFFF  }
0x8e: {  	_ =	shalt  }

// kernel: kernel.20.cloned.1.call-start
scs
__scs_entry_jumppad:
0x0: {  	(pc) =	sbr.rel $0x88, $3  }
0x1: {  	(tag) =	ssettag $0x0;
	lr =	simm.s32 $0x1  }
0x2: {  	[smem:$0x3F97] =	sst lr;
	_ =	strace $0xD0000000  }
0x3: {  	_ = 	snop  }
0x4: {  	_ = 	snop  }
0x5: {  	_ = 	snop  }
0x6: {  	_ = 	snop  }
0x7: {  	_ = 	snop  }
__scs_overlays_trampoline_lowered:
0x8: {  	[smem:$0x3FA6] =	sst s0  }
0x9: {  	[smem:$0x3FA7] =	sst s1  }
0xa: {  	[smem:$0x3FA8] =	sst s2  }
0xb: {  	[smem:$0x3FA9] =	sst s3  }
0xc: {  	[smem:$0x3FAA] =	sst s4  }
0xd: {  	[smem:$0x3FAB] =	sst s5  }
0xe: {  	[smem:$0x3FAC] =	sst s6  }
0xf: {  	[smem:$0x3FAD] =	sst s7  }
0x10: {  	[smem:$0x3FAE] =	sst s8  }
0x11: {  	[smem:$0x3FAF] =	sst s9;
	s0 =	simm.s32 @!p0 $0x0  }
0x12: {  	s1 =	sld [smem:$0x3F95];
	s0 =	simm.s32 @p0 $0x1  }
0x13: {  	[smem:$0x3FB0] =	sst s0;
	s0 =	simm.s32 @!p1 $0x0  }
0x14: {  	s2 =	sld [smem:$0x3F94];
	s0 =	simm.s32 @p1 $0x1  }
0x15: {  	[smem:$0x3FB1] =	sst s0;
	s0 =	simm.s32 @!p2 $0x0  }
0x16: {  	s3 =	sld [smem:$0x3FDB];
	s0 =	simm.s32 @p2 $0x1  }
0x17: {  	s4 =	simm.s32 $0x1BF5;
	[smem:$0x3FB3] =	sst s0  }
0x18: {  	s0 =	sld [smem:$0x3F96];
	_ =	swait.ge [sflag:s4], $0x0  }
0x19: {  	s7 =	sld [smem:$0x3F97]  }
0x1a: {  	s8 =	sadd.s32 $0xFFFFE003, lr  }
0x1b: {  	s9 =	sadd.s32 $0xFFFFFEF7, lr;
	s5 =	simm.s32 $0xFFFFFFFF;
	p2 =	slt.u32 s8, $0xFFFFF086  }
0x1c: {  	p1 =	slt.u32 s9, $0xF7A;
	s5 =	simm.s32 @!p2 $0x0  }
0x1d: {  	s5 =	simm.s32 @p1 $0x1;
	p0 =	seq.s32 s7, s2  }
0x1e: {  	s7 =	smul.u32 @!p0 $0xF7A, s2;
	p2 =	seq.s32 @!p0 s5, $0x0  }
0x1f: {  	s9 =	smul.u32 $0xF7A, s1;
	s8 =	simm.s32 @!p0 $0x1BF5;
	p2 =	por !p2, p0  }
0x20: {  	[sflag:s8] =	ssyncset.s32 @!p0 $0xFFFFF086;
	s6 =	sadd.s32 @!p0 s3, s7;
	s7 =	simm.s32 @!p0 $0x108  }
0x21: {  	s3 =	sadd.s32 s3, s9;
	s6 =	sadd.s32 @!p0 $0x88, s6;
	s7 =	simm.s32 @p2 $0x1082  }
0x22: {  	[simem:s7], [sflag:s8] =	dma.local @!p0 [hbm:s6], $0xF7A  }
0x23: {  	s9 =	sor.u32 $0xD0000000, s2;
	s6 =	simm.s32 $0x108;
	_ =	swait.ge @!p0 [sflag:s8], $0x0  }
0x24: {  	s3 =	sadd.s32 $0x88, s3;
	s6 =	simm.s32 @!p1 $0x1082;
	[sflag:s4] =	ssyncset.s32 $0xFFFFF086  }
0x25: {  	[simem:s6], [sflag:s4] =	dma.local [hbm:s3], $0xF7A  }
0x26: {  	[smem:$0x3F97] =	sst s1;
	(tag) =	ssettag s2;
	_ =	strace s9  }
0x27: {  	s1 =	sld [smem:$0x3FA7]  }
0x28: {  	s2 =	sld [smem:$0x3FA8]  }
0x29: {  	s4 =	sld [smem:$0x3FAA]  }
0x2a: {  	p0 =	seq.s32 s5, $0x0;
	s5 =	sld [smem:$0x3FAB]  }
0x2b: {  	s6 =	sld [smem:$0x3FAC]  }
0x2c: {  	s7 =	sld [smem:$0x3FAD]  }
0x2d: {  	s3 =	simm.s32 $0x108;
	s8 =	sld [smem:$0x3FAE]  }
0x2e: {  	s3 =	simm.s32 @!p0 $0x1082;
	s9 =	sld [smem:$0x3FAF]  }
0x2f: {  	lr =	sadd.s32 s0, s3;
	s0 =	sld [smem:$0x3FA6]  }
0x30: {  	s3 =	sld [smem:$0x3FA9]  }
0x31: {  	[smem:$0x3FB2] =	sst s10  }
0x32: {  	s10 =	sld [smem:$0x3FB0];
	_ =	sdelay $0x3  }
0x33: {  	p0 =	seq.s32 s10, $0x1;
	s10 =	sld [smem:$0x3FB2];
	_ =	sdelay $0x3  }
0x34: {  	[smem:$0x3FB2] =	sst s10  }
0x35: {  	s10 =	sld [smem:$0x3FB1];
	_ =	sdelay $0x3  }
0x36: {  	p1 =	seq.s32 s10, $0x1;
	s10 =	sld [smem:$0x3FB2];
	_ =	sdelay $0x3  }
0x37: {  	[smem:$0x3FB2] =	sst s10  }
0x38: {  	s10 =	sld [smem:$0x3FB3]  }
0x39: {  	_ = 	snop;
	(pc) =	sbr.ind lr, $3  }
0x3a: {  	_ = 	snop  }
0x3b: {  	_ = 	snop  }
0x3c: {  	p2 =	seq.s32 s10, $0x1;
	s10 =	sld [smem:$0x3FB2]  }
0x3d: {  	_ =	shalt  }
0x3e: {  	_ =	shalt  }
0x3f: {  	_ =	shalt  }
0x40: {  	_ =	shalt  }
0x41: {  	_ =	shalt  }
0x42: {  	_ =	shalt  }
0x43: {  	_ =	shalt  }
0x44: {  	_ =	shalt  }
0x45: {  	_ =	shalt  }
0x46: {  	_ =	shalt  }
0x47: {  	_ =	shalt  }
0x48: {  	_ =	shalt  }
0x49: {  	_ =	shalt  }
0x4a: {  	_ =	shalt  }
0x4b: {  	_ =	shalt  }
0x4c: {  	_ =	shalt  }
0x4d: {  	_ =	shalt  }
0x4e: {  	_ =	shalt  }
0x4f: {  	_ =	shalt  }
0x50: {  	_ =	shalt  }
0x51: {  	_ =	shalt  }
0x52: {  	_ =	shalt  }
0x53: {  	_ =	shalt  }
0x54: {  	_ =	shalt  }
0x55: {  	_ =	shalt  }
0x56: {  	_ =	shalt  }
0x57: {  	_ =	shalt  }
0x58: {  	_ =	shalt  }
0x59: {  	_ =	shalt  }
0x5a: {  	_ =	shalt  }
0x5b: {  	_ =	shalt  }
0x5c: {  	_ =	shalt  }
0x5d: {  	_ =	shalt  }
0x5e: {  	_ =	shalt  }
0x5f: {  	_ =	shalt  }
0x60: {  	_ =	shalt  }
0x61: {  	_ =	shalt  }
0x62: {  	_ =	shalt  }
0x63: {  	_ =	shalt  }
0x64: {  	_ =	shalt  }
0x65: {  	_ =	shalt  }
0x66: {  	_ =	shalt  }
0x67: {  	_ =	shalt  }
0x68: {  	_ =	shalt  }
0x69: {  	_ =	shalt  }
0x6a: {  	_ =	shalt  }
0x6b: {  	_ =	shalt  }
0x6c: {  	_ =	shalt  }
0x6d: {  	_ =	shalt  }
0x6e: {  	_ =	shalt  }
0x6f: {  	_ =	shalt  }
0x70: {  	_ =	shalt  }
0x71: {  	_ =	shalt  }
0x72: {  	_ =	shalt  }
0x73: {  	_ =	shalt  }
0x74: {  	_ =	shalt  }
0x75: {  	_ =	shalt  }
0x76: {  	_ =	shalt  }
0x77: {  	_ =	shalt  }
0x78: {  	_ =	shalt  }
0x79: {  	_ =	shalt  }
0x7a: {  	_ =	shalt  }
0x7b: {  	_ =	shalt  }
0x7c: {  	_ =	shalt  }
0x7d: {  	_ =	shalt  }
0x7e: {  	_ =	shalt  }
0x7f: {  	_ =	shalt  }
0x80: {  	_ =	shalt  }
0x81: {  	_ =	shalt  }
0x82: {  	_ =	shalt  }
0x83: {  	_ =	shalt  }
0x84: {  	_ =	shalt  }
0x85: {  	_ =	shalt  }
0x86: {  	_ =	shalt  }
0x87: {  	_ =	shalt  }
.Lfunc_end0:
.L_simem_size_0:
called_computation.3_lowered:
.L_overlay_start_0:
0x88: {  	s2 =	sld [smem:$0x3FD9]  }
0x89: {  	s3 =	sld [smem:$0x3FFE];
	_ =	sdelay $0x1  }
0x8a: {  	s1 =	srdreg.scid  }
0x8b: {  	s0 =	sand.u32 $0x1, s1  }
0x8c: {  	s16 =	sshll.u32 s0, $0xA;
	s2 =	sadd.s32 s3, s2  }
0x8d: {  	s2 =	sadd.s32 s2, s16  }
0x8e: {  	[smem:$0x3FBE] =	sst s2  }
0x8f: {  	_ = 	snop  }
0x90: {  	(tm) =	ssettm $0x1  }
0x91: {  	s17 =	sld [smem:$0x3FFB];
	_ =	sdelay $0x3  }
0x92: {  	_ =	strace s17  }
0x93: {  	s2 =	sld [smem:$0x3FFC];
	_ =	sdelay $0x3  }
0x94: {  	_ =	strace s2  }
0x95: {  	s2 =	sld [smem:$0x3FFD];
	_ =	sdelay $0x3  }
0x96: {  	_ =	strace s2  }
0x97: {  	_ =	strace $0x8FFFFFFF  }
0x98: {  	s18 =	sld [smem:$0x3FDB];
	_ =	sdelay $0x1  }
0x99: {  	s19 =	simm.s32 $_scs_section_size  }
0x9a: {  	s4 =	simm.s32 $_size__tile_overlayer_lowered;
	s5 =	simm.s32 $_tile_overlayer_lowered  }
0x9b: {  	s22 =	simm.s32 $0x1BFF;
	s21 =	sshll.u32 s5, $0x1;
	s2 =	sadd.s32 s19, s18  }
0x9c: {  	s6 =	simm.s32 $0x0;
	s20 =	sshll.u32 s4, $0x1;
	s4 =	sadd.s32 s21, s2  }
0x9d: {  	[timem:s6], [sflag:s22] =	dma.local [hbm:s4], s20  }
0x9e: {  	_ =	swait.ge [sflag:s22], s20  }
0x9f: {  	s3 =	ssub.s32 $0x0, s20;
	[sflag:s22] =	ssyncset.done $0x0  }
0xa0: {  	[sflag:s22] =	ssyncadd.s32 s3;
	_ =	sdelay $0x1  }
0xa1: {  	s23 =	simm.s32 $0x1B8B  }
0xa2: {  	_ =	swait.ge [sflag:s23], $0x1  }
0xa3: {  	[sflag:s23] =	ssyncset.done $0x0  }
0xa4: {  	s25 =	simm.s32 $0x1B8E;
	s24 =	sld [smem:$0x3FFE];
	[sflag:s23] =	ssyncadd.s32 $0xFFFFFFFF  }
0xa5: {  	s26 =	simm.s32 $execute0_lowered;
	[smem:$0x3FD2] =	sst s25  }
0xa6: {  	s4 =	sshll.u32 s26, $0x1;
	_ =	strace $0x80000046;
	[dreg:$0x1] =	wrdreg $0xFFFFFFFF  }
0xa7: {  	s28 =	simm.s32 $_size_execute0_lowered;
	s2 =	sadd.s32 s2, s4;
	[dreg:$0x0] =	wrdreg $0x0  }
0xa8: {  	s4 =	sshll.u32 s28, $0x1;
	[dreg:$0x2] =	wrdreg s2  }
0xa9: {  	[dreg:$0x3] =	wrdreg s4  }
0xaa: {  	[dreg:$0x4] =	wrdreg $0xC0  }
0xab: {  	_ =	task [dreg:s6], $0x5FFFF  }
0xac: {  	[dreg:$0x1] =	wrdreg $0xFFFFFFFF  }
0xad: {  	[dreg:$0x0] =	wrdreg $0x60  }
0xae: {  	[dreg:$0x2] =	wrdreg s24  }
0xaf: {  	[dreg:$0x3] =	wrdreg $0xC  }
0xb0: {  	_ =	task.clear_ibuf [dreg:s6], $0x4FFFF;
	_ =	strace $0x90000046  }
0xb1: {  	s29 =	simm.s32 $0xC;
	_ =	strace $0x80000048  }
0xb2: {  	_ =	swait.ge [sflag:s29], $0x1  }
0xb3: {  	[sflag:s29] =	ssyncadd.s32 $0xFFFFFFFF  }
0xb4: {  	_ =	strace $0x90000048  }
0xb5: {  	_ =	sfence  }
0xb6: {  	s30 =	sld [smem:$0x0];
	_ =	sdelay $0x2  }
0xb7: {  	s31 =	sshll.u32 s1, $0xD;
	s1 =	sshrl.u32 s1, $0x2  }
0xb8: {  	s3 =	sand.u32 $0x4000, s31;
	s1 =	sadd.s32 s1, s30  }
0xb9: {  	s0 =	sor.u32 s3, s0;
	s1 =	sshll.u32 s1, $0x11  }
0xba: {  	s0 =	sor.u32 s1, s0  }
0xbb: {  	s0 =	sadd.s32 $0x8F2B, s0  }
0xbc: {  	[sflag:s0] =	ssyncadd.remote.s32 $0x1  }
0xbd: {  	_ =	sfence.sel $0xFFFF  }
0xbe: {  	[dreg:$0x0] =	wrdreg $0xFFFFFFFF;
	(pc) =	sbr.abs _section_cstart, $3  }
0xbf: {  	[dreg:$0x1] =	wrdreg $0xFFFFFFFF  }
0xc0: {  	_ =	task.clear_ibuf [dreg:s6], $0x2FFFF;
	_ =	strace $0x9FFFFFFF  }
0xc1: {  	(tm) =	ssettm $0x7FFFFFFF  }
tec
execute0_lowered:
.L_overlay_start_1:
0x0: {  	(tag) =	ssettag $0x1  }
0x1: {  	s0 =	srdreg.scid  }
0x2: {  	s8 =	stileid.u32;
	s4 =	rddreg [dreg:$0x0]  }
0x3: {  	s2 =	simm.s32 $0x0;
	s14 =	simm.s32 $0x9;
	s15 =	simm.s32 $0x60  }
0x4: {  	s16 =	simm.s32 $0x1980;
	s17 =	simm.s32 $0x3180;
	s18 =	simm.s32 $0x1  }
0x5: {  	s20 =	simm.s32 $0x4980;
	s21 =	simm.s32 $0x2;
	s23 =	simm.s32 $0x6180  }
0x6: {  	s0 =	sand.u32 $0x1, s0;
	s1 =	sshll.u32 s8, $0x1;
	s8 =	smul.u32 $0x3300, s8  }
0x7: {  	s1 =	sor.u32 s0, s1;
	s7 =	ssub.s32 $0x2, s0;
	s0 =	smul.u32 $0x1980, s0  }
0x8: {  	s24 =	simm.s32 $0x3;
	s28 =	simm.s32 $0x6;
	s3 =	smul.u32 $0x1980, s1  }
0x9: {  	s29 =	simm.s32 $0x7;
	s30 =	simm.s32 $0x8;
	s5 =	smul.u32 $0xCC00, s1  }
0xa: {  	[smem:$0x7FF] =	sst s2;
	s1 =	smul.u32 $0x66000, s1;
	s9 =	sshrl.u32 s7, $0x1  }
0xb: {  	s31 =	simm.s32 $0x0;
	_ =	strace $0x80000047;
	s9 =	ssub.s32 s7, s9  }
0xc: {  	s0 =	sadd.s32 s0, s8;
	s3 =	sshrl.u32 s3, $0x3;
	s1 =	sshrl.u32 s1, $0x3  }
0xd: {  	s0 =	sshll.u32 s0, $0x3;
	s6 =	sadd.s32 s3, s4;
	s3 =	sadd.s32 $0x17E00, s4  }
0xe: {  	s9 =	smax.u32 s9, $0x1;
	s4 =	sadd.s32 $0x7E4A00, s4;
	s6 =	sadd.s32 $0x7D7E00, s6  }
0xf: {  	s5 =	sadd.s32 s4, s5;
	s1 =	sadd.s32 s4, s1;
	s0 =	sadd.s32 s4, s0  }
0x10: {  	[dreg:$0x2] =	wrdreg s6;
	s25 =	sadd.s32 $0x300, s5;
	s26 =	sadd.s32 $0xC600, s1  }
0x11: {  	s8 =	sadd.s32 $0xC900, s1;
	s10 =	sadd.s32 $0x900, s0;
	s11 =	sadd.s32 $0x600, s0  }
0x12: {  	s12 =	sadd.s32 $0xF00, s0;
	s13 =	sadd.s32 $0xC00, s0;
	[dreg:$0x3] =	wrdreg s25  }
0x13: {  	[dreg:$0x4] =	wrdreg s26;
	s25 =	simm.s32 $0x5;
	s26 =	simm.s32 $0x4  }
.LBB2_1:
0x14: {  	s0 =	rddreg [dreg:$0x2]  }
0x15: {  	[tilespmem:s2], [sflag:$0x9] =	stream.linear.gather [hbm4b:s0+s2], $0x1980, $0x38;
	[tilespmem:$0x7980] =	vst v63  }
0x16: {  	_ =	swait.ge [sflag:s14], $0x1980  }
0x17: {  	[sflag:s14] =	ssyncset.done $0x0  }
0x18: {  	[sflag:s14] =	ssyncadd.s32 $0xFFFFE680  }
0x19: {  	[tilespmem:s16], [sflag:$0x1] =	stream.indirect.gather [hbm4b:s3+s15], $0x40, s2, s15, $0xb8;
	[tilespmem:$0x7980] =	vst v63  }
0x1a: {  	_ = 	snop  }
0x1b: {  	[tilespmem:s17], [sflag:$0x2] =	stream.indirect.gather [hbm4b:s3+s15], $0x40, s15, s15, $0xb8;
	[tilespmem:$0x7980] =	vst v63  }
0x1c: {  	_ =	swait.ge [sflag:s18], $0x1800  }
0x1d: {  	[sflag:s18] =	ssyncset.done $0x0  }
0x1e: {  	[sflag:s18] =	ssyncadd.s32 $0xFFFFE800  }
0x1f: {  	[hbm4b:s5+s2] =	stream.linear.scatter [tilespmem:s16], [sflag:$0x5], $0x1800, $0x38;
	[tilespmem:$0x7980] =	vst v63  }
0x20: {  	s1 =	simm.s32 $0xC0  }
0x21: {  	[tilespmem:s20], [sflag:$0x3] =	stream.indirect.gather [hbm4b:s3+s15], $0x40, s1, s15, $0xb8;
	[tilespmem:$0x7980] =	vst v63  }
0x22: {  	_ =	swait.ge [sflag:s21], $0x1800  }
0x23: {  	[sflag:s21] =	ssyncset.done $0x0  }
0x24: {  	s4 =	rddreg [dreg:$0x3];
	[sflag:s21] =	ssyncadd.s32 $0xFFFFE800  }
0x25: {  	[hbm4b:s4+s2] =	stream.linear.scatter [tilespmem:s17], [sflag:$0x6], $0x1800, $0x38;
	[tilespmem:$0x7980] =	vst v63  }
0x26: {  	s6 =	simm.s32 $0x120  }
0x27: {  	[tilespmem:s23], [sflag:$0x4] =	stream.indirect.gather [hbm4b:s3+s15], $0x40, s6, s15, $0xb8;
	[tilespmem:$0x7980] =	vst v63  }
0x28: {  	_ =	swait.ge [sflag:s24], $0x1800  }
0x29: {  	[sflag:s24] =	ssyncset.done $0x0  }
0x2a: {  	[sflag:s24] =	ssyncadd.s32 $0xFFFFE800  }
0x2b: {  	[hbm4b:s11+s2] =	stream.linear.scatter [tilespmem:s20], [sflag:$0x7], $0x1800, $0x38;
	[tilespmem:$0x7980] =	vst v63  }
0x2c: {  	_ =	swait.ge [sflag:s25], $0x1800  }
0x2d: {  	[sflag:s25] =	ssyncset.done $0x0  }
0x2e: {  	s7 =	simm.s32 $0x180;
	[sflag:s25] =	ssyncadd.s32 $0xFFFFE800  }
0x2f: {  	[tilespmem:s16], [sflag:$0x1] =	stream.indirect.gather [hbm4b:s3+s15], $0x40, s7, s15, $0xb8;
	[tilespmem:$0x7980] =	vst v63  }
0x30: {  	_ =	swait.ge [sflag:s26], $0x1800  }
0x31: {  	[sflag:s26] =	ssyncset.done $0x0  }
0x32: {  	[sflag:s26] =	ssyncadd.s32 $0xFFFFE800  }
0x33: {  	[hbm4b:s10+s2] =	stream.linear.scatter [tilespmem:s23], [sflag:$0x8], $0x1800, $0x38;
	[tilespmem:$0x7980] =	vst v63  }
0x34: {  	_ =	swait.ge [sflag:s28], $0x1800  }
0x35: {  	[sflag:s28] =	ssyncset.done $0x0  }
0x36: {  	s19 =	simm.s32 $0x1E0;
	[sflag:s28] =	ssyncadd.s32 $0xFFFFE800  }
0x37: {  	[tilespmem:s17], [sflag:$0x2] =	stream.indirect.gather [hbm4b:s3+s15], $0x40, s19, s15, $0xb8;
	[tilespmem:$0x7980] =	vst v63  }
0x38: {  	_ =	swait.ge [sflag:s18], $0x1800  }
0x39: {  	[sflag:s18] =	ssyncset.done $0x0  }
0x3a: {  	[sflag:s18] =	ssyncadd.s32 $0xFFFFE800  }
0x3b: {  	[hbm4b:s13+s2] =	stream.linear.scatter [tilespmem:s16], [sflag:$0x5], $0x1800, $0x38;
	[tilespmem:$0x7980] =	vst v63  }
0x3c: {  	_ =	swait.ge [sflag:s29], $0x1800  }
0x3d: {  	[sflag:s29] =	ssyncset.done $0x0  }
0x3e: {  	s22 =	simm.s32 $0x240;
	[sflag:s29] =	ssyncadd.s32 $0xFFFFE800  }
0x3f: {  	[tilespmem:s20], [sflag:$0x3] =	stream.indirect.gather [hbm4b:s3+s15], $0x40, s22, s15, $0xb8;
	[tilespmem:$0x7980] =	vst v63  }
0x40: {  	_ =	swait.ge [sflag:s21], $0x1800  }
0x41: {  	[sflag:s21] =	ssyncset.done $0x0  }
0x42: {  	[sflag:s21] =	ssyncadd.s32 $0xFFFFE800  }
0x43: {  	[hbm4b:s12+s2] =	stream.linear.scatter [tilespmem:s17], [sflag:$0x6], $0x1800, $0x38;
	[tilespmem:$0x7980] =	vst v63  }
0x44: {  	s0 =	sadd.s32 $0xC00, s13;
	s1 =	simm.s32 $0x600;
	_ =	swait.ge [sflag:s30], $0x1800  }
0x45: {  	s4 =	sadd.s32 $0xC00, s10;
	s6 =	simm.s32 $0x2A0;
	[sflag:s30] =	ssyncset.done $0x0  }
0x46: {  	s19 =	sadd.s32 $0xC00, s11;
	s22 =	sadd.s32 $0xC00, s12;
	[sflag:s30] =	ssyncadd.s32 $0xFFFFE800  }
.LBB2_2:
0x47: {  	[tilespmem:s23], [sflag:$0x4] =	stream.indirect.gather [hbm4b:s3+s15], $0x40, s6, s15, $0xb8;
	[tilespmem:$0x7980] =	vst v63  }
0x48: {  	s6 =	smov.u32 s1  }
0x49: {  	p0 =	sne.s32 s1, $0x5A00;
	s1 =	sadd.s32 $0x600, s1;
	_ =	swait.ge [sflag:s24], $0x1800  }
0x4a: {  	[sflag:s24] =	ssyncset.done $0x0  }
0x4b: {  	[sflag:s24] =	ssyncadd.s32 $0xFFFFE800  }
0x4c: {  	[hbm4b:s19+s2] =	stream.linear.scatter [tilespmem:s20], [sflag:$0x7], $0x1800, $0x38;
	[tilespmem:$0x7980] =	vst v63  }
0x4d: {  	_ =	swait.ge [sflag:s25], $0x1800  }
0x4e: {  	s6 =	sshra.s32 s6, $0x2;
	[sflag:s25] =	ssyncset.done $0x0  }
0x4f: {  	s7 =	sadd.s32 $0x180, s6;
	[sflag:s25] =	ssyncadd.s32 $0xFFFFE800  }
0x50: {  	[tilespmem:s16], [sflag:$0x1] =	stream.indirect.gather [hbm4b:s3+s15], $0x40, s7, s15, $0xb8;
	[tilespmem:$0x7980] =	vst v63  }
0x51: {  	_ =	swait.ge [sflag:s26], $0x1800  }
0x52: {  	[sflag:s26] =	ssyncset.done $0x0  }
0x53: {  	[sflag:s26] =	ssyncadd.s32 $0xFFFFE800  }
0x54: {  	[hbm4b:s4+s2] =	stream.linear.scatter [tilespmem:s23], [sflag:$0x8], $0x1800, $0x38;
	[tilespmem:$0x7980] =	vst v63  }
0x55: {  	_ =	swait.ge [sflag:s28], $0x1800  }
0x56: {  	[sflag:s28] =	ssyncset.done $0x0  }
0x57: {  	s7 =	sadd.s32 $0x1E0, s6;
	[sflag:s28] =	ssyncadd.s32 $0xFFFFE800  }
0x58: {  	[tilespmem:s17], [sflag:$0x2] =	stream.indirect.gather [hbm4b:s3+s15], $0x40, s7, s15, $0xb8;
	[tilespmem:$0x7980] =	vst v63  }
0x59: {  	_ =	swait.ge [sflag:s18], $0x1800  }
0x5a: {  	[sflag:s18] =	ssyncset.done $0x0  }
0x5b: {  	[sflag:s18] =	ssyncadd.s32 $0xFFFFE800  }
0x5c: {  	[hbm4b:s0+s2] =	stream.linear.scatter [tilespmem:s16], [sflag:$0x5], $0x1800, $0x38;
	[tilespmem:$0x7980] =	vst v63  }
0x5d: {  	_ =	swait.ge [sflag:s29], $0x1800  }
0x5e: {  	[sflag:s29] =	ssyncset.done $0x0  }
0x5f: {  	s7 =	sadd.s32 $0x240, s6;
	[sflag:s29] =	ssyncadd.s32 $0xFFFFE800  }
0x60: {  	[tilespmem:s20], [sflag:$0x3] =	stream.indirect.gather [hbm4b:s3+s15], $0x40, s7, s15, $0xb8;
	[tilespmem:$0x7980] =	vst v63  }
0x61: {  	_ =	swait.ge [sflag:s21], $0x1800  }
0x62: {  	[sflag:s21] =	ssyncset.done $0x0  }
.Ltmp0:
0x63: {  	[sflag:s21] =	ssyncadd.s32 $0xFFFFE800;
	(pc) =	sbr.rel @p0 .LBB2_2-.Ltmp0, $4  }
0x64: {  	[hbm4b:s22+s2] =	stream.linear.scatter [tilespmem:s17], [sflag:$0x6], $0x1800, $0x38;
	[tilespmem:$0x7980] =	vst v63  }
0x65: {  	s0 =	sadd.s32 $0xC00, s0;
	_ =	swait.ge [sflag:s30], $0x1800  }
0x66: {  	s19 =	sadd.s32 $0xC00, s19;
	s22 =	sadd.s32 $0xC00, s22;
	[sflag:s30] =	ssyncset.done $0x0  }
0x67: {  	s4 =	sadd.s32 $0xC00, s4;
	s6 =	sadd.s32 $0x2A0, s6;
	[sflag:s30] =	ssyncadd.s32 $0xFFFFE800  }
0x68: {  	[tilespmem:s23], [sflag:$0x4] =	stream.indirect.gather [hbm4b:s3+s15], $0x40, s6, s15, $0xb8;
	[tilespmem:$0x7980] =	vst v63  }
0x69: {  	_ =	swait.ge [sflag:s24], $0x1800  }
0x6a: {  	[sflag:s24] =	ssyncset.done $0x0  }
0x6b: {  	s0 =	rddreg [dreg:$0x4];
	[sflag:s24] =	ssyncadd.s32 $0xFFFFE800  }
0x6c: {  	[hbm4b:s0+s2] =	stream.linear.scatter [tilespmem:s20], [sflag:$0x7], $0x1800, $0x38;
	[tilespmem:$0x7980] =	vst v63  }
0x6d: {  	_ =	swait.ge [sflag:s26], $0x1800  }
0x6e: {  	[sflag:s26] =	ssyncset.done $0x0  }
0x6f: {  	[sflag:s26] =	ssyncadd.s32 $0xFFFFE800  }
0x70: {  	[hbm4b:s8+s2] =	stream.linear.scatter [tilespmem:s23], [sflag:$0x8], $0x1800, $0x38;
	[tilespmem:$0x7980] =	vst v63  }
0x71: {  	_ =	swait.ge [sflag:s25], $0x1800  }
0x72: {  	[sflag:s25] =	ssyncset.done $0x0  }
0x73: {  	[sflag:s25] =	ssyncadd.s32 $0xFFFFE800  }
0x74: {  	_ =	swait.ge [sflag:s28], $0x1800  }
0x75: {  	[sflag:s28] =	ssyncset.done $0x0  }
0x76: {  	s31 =	sadd.s32 $0x1, s31;
	[sflag:s28] =	ssyncadd.s32 $0xFFFFE800  }
0x77: {  	p0 =	sne.s32 s31, s9;
	_ =	swait.ge [sflag:s29], $0x1800  }
.Ltmp1:
0x78: {  	[sflag:s29] =	ssyncset.done $0x0;
	(pc) =	sbr.rel @p0 .LBB2_1-.Ltmp1, $4  }
0x79: {  	[sflag:s29] =	ssyncadd.s32 $0xFFFFE800  }
0x7a: {  	_ =	swait.ge [sflag:s30], $0x1800  }
0x7b: {  	[sflag:s30] =	ssyncset.done $0x0  }
0x7c: {  	[sflag:s30] =	ssyncadd.s32 $0xFFFFE800  }
0x7d: {  	_ =	sfence.sel $0x180000  }
0x7e: {  	[bflag:$0x0] =	sbarrier.arrive $0xFFFF  }
0x7f: {  	_ =	strace $0x90000047  }
0x80: {  	s0 =	stileid.u32;
	[bflag:$0x2] =	sbarrier.arrive $0xFFFF  }
0x81: {  	p0 =	sne.s32 s0, $0x0;
	s0 =	rddreg [dreg:$0x1]  }
0x82: {  	s0 =	sadd.s32 @!p0 $0x100000, s0  }
0x83: {  	[sflag:s0] =	ssyncadd.tile.s32 @!p0 $0x1;
	_ =	shalt  }
.Lfunc_end2:
_tile_overlayer_lowered:
.L_overlay_start_2:
0x84: {  	(tag) =	ssettag $0x2  }
0x85: {  	s0 =	rddreg [dreg:$0x0];
	s2 =	stileid.u32  }
0x86: {  	s1 =	rddreg [dreg:$0x1];
	p0 =	sne.s32 s2, $0x0  }
0x87: {  	s3 =	rddreg [dreg:$0x2];
	[bflag:$0x3] =	sbarrier.arrive $0xFFFF;
	s2 =	simm.s32 @!p0 $0x1C09  }
0x88: {  	[timem:s3], [sflag:s2] =	dma.local @!p0 [hbm:s0], s1  }
0x89: {  	s0 =	simm.s32 @!p0 $0x9  }
0x8a: {  	_ =	swait.ge @!p0 [sflag:s0], s1  }
0x8b: {  	s1 =	ssub.s32 @!p0 $0x0, s1;
	[sflag:s0] =	ssyncset.done @!p0 $0x0  }
0x8c: {  	[sflag:s0] =	ssyncadd.s32 @!p0 s1  }
0x8d: {  	[bflag:$0x3] =	sbarrier.arrive $0xFFFF  }
0x8e: {  	_ =	shalt  }

</sc_bundles>
